<compile_context>
chip_gen: v7x
topology: tpu7x:2x2x1
jax: 0.10.2.dev20260603
libtpu: 0.0.44.dev20260713+nightly
codegen_flags: <defaults>
</compile_context>

<pallas_src>
import functools
from math import sqrt

import jax
import jax.numpy as jnp
from jax import lax
from jax.experimental import pallas as pl
from jax.experimental.pallas import tpu as pltpu
from jax.experimental.pallas import tpu_sc as plsc

L = 4096
E = 64
C = 256
BITS = 32
TOPK = 32
ITERS = 10
CHUNK = 256
NH = 32
SCCH = 128
QT = 128
CB = 16



def _stage_a1_body(bitsb_ref, bitsa_ref, cent0_ref, q_ref, ut_ref,
                   assign_ref, qg_ref, pos_ref, off_ref):
    f32 = jnp.float32
    bf16 = jnp.bfloat16
    bits_bf = bitsb_ref[0]
    bits_aug = bitsa_ref[0]
    Q = q_ref[0]
    UT = ut_ref[...]

    ones_row = jnp.ones((1, BITS), bf16)
    rowpop = lax.dot_general(ones_row, bits_bf, (((1,), (1,)), ((), ())),
                             preferred_element_type=jnp.float32)
    iota_c = lax.broadcasted_iota(jnp.int32, (C, L), 0)
    base_cl = iota_c.astype(f32) + 256.0 * rowpop

    def key_from(cent):
        centpop = jnp.sum(cent.astype(f32), axis=1, keepdims=True)
        dot = lax.dot_general(cent, bits_bf, (((1,), (1,)), ((), ())),
                              preferred_element_type=jnp.float32)
        key = (base_cl - 512.0 * dot) + 256.0 * centpop
        return jnp.min(key, axis=0, keepdims=True)

    def am_from(km):
        return lax.rem(km.astype(jnp.int32), 256)

    def lloyd(_, cent):
        am = am_from(key_from(cent))
        oh_bf = (iota_c == am).astype(bf16)
        bs = lax.dot_general(oh_bf, bits_aug, (((1,), (0,)), ((), ())),
                             preferred_element_type=jnp.float32)
        bitsum = bs[:, :BITS]
        cnt = bs[:, BITS:BITS + 1]
        maj = (bitsum * 2.0 > cnt).astype(bf16)
        return jnp.where(cnt > 0, maj, cent)

    cent = lax.fori_loop(0, ITERS, lloyd, cent0_ref[0])
    am = am_from(key_from(cent))
    oh = (iota_c == am).astype(f32)
    oh_bf = oh.astype(bf16)
    bs = lax.dot_general(oh_bf, bits_aug, (((1,), (0,)), ((), ())),
                         preferred_element_type=jnp.float32)
    cnt = bs[:, BITS:BITS + 1]
    assign_ref[0] = am

    factors = 1.0 / jnp.maximum(cnt, 1.0)
    qg_ref[0] = lax.dot_general(oh, Q, (((1,), (0,)), ((), ()))) * factors

    ones_L = jnp.ones((1, L), f32)
    counts_row = lax.dot_general(ones_L, oh, (((1,), (1,)), ((), ())))
    ut_f = UT.astype(f32)
    offsets_row = lax.dot_general(counts_row, ut_f, (((1,), (0,)), ((), ())))
    offsets_col = lax.dot_general(ut_f, cnt, (((0,), (0,)), ((), ())))
    off_ref[0] = offsets_row

    running = jnp.zeros((C, 1), f32)
    for ci in range(L // CHUNK):
        oh_c = oh_bf[:, ci * CHUNK:(ci + 1) * CHUNK]
        excl = lax.dot_general(oh_c, UT, (((1,), (0,)), ((), ())),
                               preferred_element_type=jnp.float32)
        oh_cf = oh[:, ci * CHUNK:(ci + 1) * CHUNK]
        pos_c = jnp.sum((excl + running + offsets_col) * oh_cf, axis=0, keepdims=True)
        pos_ref[0, :, ci * CHUNK:(ci + 1) * CHUNK] = pos_c
        running = running + jnp.sum(oh_cf, axis=1, keepdims=True)


def _run_stage_a1(bits_bf, bits_aug, cent0, Q):
    nh = bits_bf.shape[0]
    ut = (lax.broadcasted_iota(jnp.int32, (C, C), 0)
          < lax.broadcasted_iota(jnp.int32, (C, C), 1)).astype(jnp.bfloat16)
    out_shapes = [
        jax.ShapeDtypeStruct((nh, 1, L), jnp.int32),
        jax.ShapeDtypeStruct((nh, C, E), jnp.float32),
        jax.ShapeDtypeStruct((nh, 1, L), jnp.float32),
        jax.ShapeDtypeStruct((nh, 1, C), jnp.float32),
    ]
    a, g, p, o = pl.pallas_call(
        _stage_a1_body,
        grid=(nh,),
        in_specs=[
            pl.BlockSpec((1, L, BITS), lambda i: (i, 0, 0)),
            pl.BlockSpec((1, L, 2 * BITS), lambda i: (i, 0, 0)),
            pl.BlockSpec((1, C, BITS), lambda i: (i, 0, 0)),
            pl.BlockSpec((1, L, E), lambda i: (i, 0, 0)),
            pl.BlockSpec((C, C), lambda i: (0, 0)),
        ],
        out_specs=[
            pl.BlockSpec((1, 1, L), lambda i: (i, 0, 0)),
            pl.BlockSpec((1, C, E), lambda i: (i, 0, 0)),
            pl.BlockSpec((1, 1, L), lambda i: (i, 0, 0)),
            pl.BlockSpec((1, 1, C), lambda i: (i, 0, 0)),
        ],
        out_shape=out_shapes,
        compiler_params=pltpu.CompilerParams(
            dimension_semantics=("parallel",)),
    )(bits_bf, bits_aug, cent0, Q, ut)
    return a[:, 0], g, p[:, 0], o[:, 0]



def _stage_a2_body(qg_ref, k_ref, topk_ref):
    Qg = qg_ref[0]
    K = k_ref[0]
    QK = lax.dot_general(Qg, K, (((1,), (1,)), ((), ())))

    iota_l = lax.broadcasted_iota(jnp.int32, (C, L), 1)
    iota_k = lax.broadcasted_iota(jnp.int32, (C, TOPK), 1)

    def extract(k, carry):
        qk, acc = carry
        m = jnp.max(qk, axis=1, keepdims=True)
        idx = jnp.min(jnp.where(qk == m, iota_l, L), axis=1, keepdims=True)
        acc = jnp.where(iota_k == k, idx, acc)
        qk = jnp.where(iota_l == idx, -jnp.inf, qk)
        return qk, acc

    _, topk = lax.fori_loop(0, TOPK, extract, (QK, jnp.zeros((C, TOPK), jnp.int32)))
    topk_ref[0] = topk


def _run_stage_a2(Qg, K):
    nh = Qg.shape[0]
    return pl.pallas_call(
        _stage_a2_body,
        grid=(nh,),
        in_specs=[
            pl.BlockSpec((1, C, E), lambda i: (i, 0, 0)),
            pl.BlockSpec((1, L, E), lambda i: (i, 0, 0)),
        ],
        out_specs=pl.BlockSpec((1, C, TOPK), lambda i: (i, 0, 0)),
        out_shape=jax.ShapeDtypeStruct((nh, C, TOPK), jnp.int32),
        compiler_params=pltpu.CompilerParams(
            dimension_semantics=("parallel",)),
    )(Qg, K)



def _stage_b1_call(QPf, posg):
    mesh = plsc.VectorSubcoreMesh(core_axis_name="c", subcore_axis_name="s")
    nrow = NH * L

    @functools.partial(
        pl.kernel, mesh=mesh,
        out_type=jax.ShapeDtypeStruct((nrow, 2 * E), jnp.float32),
        scratch_types=[
            pltpu.VMEM((SCCH,), jnp.int32),
            pltpu.VMEM((SCCH, 2 * E), jnp.float32),
            pltpu.SemaphoreType.DMA,
        ],
    )
    def sck(qp_hbm, pos_hbm, qps_out, idx_v, rows_v, sem):
        wid = lax.axis_index("s") * 2 + lax.axis_index("c")

        def qbody(ci, _):
            base = pl.multiple_of(wid * L + ci * SCCH, SCCH)
            pltpu.sync_copy(pos_hbm.at[pl.ds(base, SCCH)], idx_v)
            pltpu.sync_copy(qp_hbm.at[pl.ds(base, SCCH)], rows_v)
            pltpu.async_copy(rows_v, qps_out.at[idx_v], sem).wait()
            return 0

        lax.fori_loop(0, L // SCCH, qbody, 0)

    return sck(QPf, posg)



def _stage_b2_call(KVf, tkg):
    mesh = plsc.VectorSubcoreMesh(core_axis_name="c", subcore_axis_name="s")
    grow = NH * C * TOPK

    @functools.partial(
        pl.kernel, mesh=mesh,
        out_type=jax.ShapeDtypeStruct((grow, 2 * E), jnp.float32),
        scratch_types=[
            pltpu.VMEM((SCCH,), jnp.int32),
            pltpu.VMEM((SCCH, 2 * E), jnp.float32),
            pltpu.SemaphoreType.DMA,
        ],
    )
    def sck(kv_hbm, tk_hbm, kvg_out, idx_v, rows_v, sem):
        wid = lax.axis_index("s") * 2 + lax.axis_index("c")

        def gbody(ci, _):
            base = pl.multiple_of(wid * C * TOPK + ci * SCCH, SCCH)
            pltpu.sync_copy(tk_hbm.at[pl.ds(base, SCCH)], idx_v)
            pltpu.async_copy(kv_hbm.at[idx_v], rows_v, sem).wait()
            pltpu.sync_copy(rows_v, kvg_out.at[pl.ds(base, SCCH)])
            return 0

        lax.fori_loop(0, C * TOPK // SCCH, gbody, 0)

    return sck(KVf, tkg)



def _stage_c_body(qps_ref, kvg_ref, tk_ref, off_ref, out_ref):
    f32 = jnp.float32
    temp = 1.0 / sqrt(E)
    t = pl.program_id(1)
    base = t * QT
    off = off_ref[0]
    c_lo = jnp.sum((off <= base).astype(jnp.int32)) - 1
    c_hi = jnp.sum((off < base + QT).astype(jnp.int32)) - 1

    qp = qps_ref[0]
    qt = qp[:, :E]
    qpos = qp[:, E:E + 1]
    acl = qp[:, E + 1:E + 2]
    colc = (lax.broadcasted_iota(jnp.int32, (1, CB * TOPK), 1)
            // TOPK).astype(f32)

    def body(cb, carry):
        acc, den = carry
        kvblk = kvg_ref[0, pl.ds(cb * CB * TOPK, CB * TOPK), :]
        kblk = kvblk[:, :E]
        vblk = kvblk[:, E:]
        kpos = tk_ref[0, pl.ds(cb, 1), :]
        blockc = colc + (cb * CB).astype(f32)
        s = lax.dot_general(qt, kblk, (((1,), (1,)), ((), ())))
        s = jnp.where(kpos > qpos, -1e7, s)
        s = jnp.where(blockc == acl, s, -1e30)
        m = jnp.maximum(jnp.max(s, axis=1, keepdims=True), -1e7)
        p = jnp.exp((s - m) * temp)
        o = lax.dot_general(p, vblk, (((1,), (0,)), ((), ())))
        return acc + o, den + jnp.sum(p, axis=1, keepdims=True)

    acc, den = lax.fori_loop(
        c_lo // CB, c_hi // CB + 1, body,
        (jnp.zeros((QT, E), f32), jnp.zeros((QT, 1), f32)))
    acc = acc / den
    out_ref[0] = jnp.concatenate([acc, jnp.zeros((QT, E), f32)], axis=1)


def _run_stage_c(QPs, KVg, tkf, off):
    nh = QPs.shape[0]
    return pl.pallas_call(
        _stage_c_body,
        grid=(nh, L // QT),
        in_specs=[
            pl.BlockSpec((1, QT, 2 * E), lambda h, t: (h, t, 0)),
            pl.BlockSpec((1, C * TOPK, 2 * E), lambda h, t: (h, 0, 0)),
            pl.BlockSpec((1, C // CB, CB * TOPK), lambda h, t: (h, 0, 0)),
            pl.BlockSpec((1, 1, C), lambda h, t: (h, 0, 0)),
        ],
        out_specs=pl.BlockSpec((1, QT, 2 * E), lambda h, t: (h, t, 0)),
        out_shape=jax.ShapeDtypeStruct((nh, L, 2 * E), jnp.float32),
        compiler_params=pltpu.CompilerParams(
            dimension_semantics=("parallel", "arbitrary")),
    )(QPs, KVg, tkf, off)



def _stage_d_call(outs_f, posg):
    mesh = plsc.VectorSubcoreMesh(core_axis_name="c", subcore_axis_name="s")
    nrow = NH * L

    @functools.partial(
        pl.kernel, mesh=mesh,
        out_type=jax.ShapeDtypeStruct((nrow, 2 * E), jnp.float32),
        scratch_types=[
            pltpu.VMEM((SCCH,), jnp.int32),
            pltpu.VMEM((SCCH, 2 * E), jnp.float32),
            pltpu.SemaphoreType.DMA,
        ],
    )
    def sck(src_hbm, pos_hbm, dst_out, idx_v, rows_v, sem):
        wid = lax.axis_index("s") * 2 + lax.axis_index("c")

        def body(ci, _):
            base = pl.multiple_of(wid * L + ci * SCCH, SCCH)
            pltpu.sync_copy(pos_hbm.at[pl.ds(base, SCCH)], idx_v)
            pltpu.async_copy(src_hbm.at[idx_v], rows_v, sem).wait()
            pltpu.sync_copy(rows_v, dst_out.at[pl.ds(base, SCCH)])
            return 0

        lax.fori_loop(0, L // SCCH, body, 0)

    return sck(outs_f, posg)



def kernel(queries, keys, values, planes, query_lengths, key_lengths):
    n, l, h, e = queries.shape
    nh = n * h
    Q = jnp.transpose(queries, (0, 2, 1, 3)).reshape(nh, l, e)
    K = jnp.transpose(keys, (0, 2, 1, 3)).reshape(nh, l, e)
    V = jnp.transpose(values, (0, 2, 1, 3)).reshape(nh, l, e)
    proj = Q.reshape(nh * l, e) @ planes[:, :-1].T + planes[:, -1][None, :]
    bits = (proj > 0).astype(jnp.bfloat16).reshape(nh, l, BITS)
    cent0 = bits[:, ::(l // C), :]
    bits_aug = jnp.concatenate(
        [bits, jnp.ones((nh, l, 1), jnp.bfloat16),
         jnp.zeros((nh, l, BITS - 1), jnp.bfloat16)], axis=-1)

    assign, Qg, pos_f, off = _run_stage_a1(bits, bits_aug, cent0, Q)

    head_off = (jnp.arange(nh, dtype=jnp.int32) * l)[:, None]
    posg = pos_f.astype(jnp.int32) + head_off
    idx0 = jnp.broadcast_to(jnp.arange(l, dtype=jnp.float32)[None, :], (nh, l))
    qp = jnp.concatenate(
        [Q, idx0[..., None], assign.astype(jnp.float32)[..., None],
         jnp.zeros((nh, l, e - 2), jnp.float32)], axis=-1)
    kv = jnp.concatenate([K, V], axis=-1)

    QPs = _stage_b1_call(qp.reshape(nh * l, 2 * e), posg.reshape(-1))
    topk = _run_stage_a2(Qg, K)

    tkg = (topk.reshape(nh, C * TOPK) + head_off).reshape(-1)
    KVg = _stage_b2_call(kv.reshape(nh * l, 2 * e), tkg)

    tkf = topk.astype(jnp.float32).reshape(nh, C // CB, CB * TOPK)
    outs = _run_stage_c(
        QPs.reshape(nh, l, 2 * e), KVg.reshape(nh, C * TOPK, 2 * e),
        tkf, off[:, None, :])

    out = _stage_d_call(outs.reshape(nh * l, 2 * e), posg.reshape(-1))
    out = out.reshape(n, h, l, 2 * e)[:, :, :, :e]
    return jnp.transpose(out, (0, 2, 1, 3))

# --- scband reference (transcript-rebuilt; emitter-appended) ---
"""Pipeline reference for scband-improved-clustered-causal-attention-86071144612554 (READ-ONLY COPY).

The authoritative reference and input builder live on the scoring server;
editing this copy changes nothing except your own understanding.
"""

import jax, jax.numpy as jnp
import numpy as np
from math import sqrt

N, L, H, E = 2, 4096, 16, 64
C = 256
ITERS = 10
BITS = 32
TOPK = 32


def setup_inputs(seed: int = 0):
    key = jax.random.key(seed)
    ks = jax.random.split(key, 4)
    queries = jax.random.normal(ks[0], (N, L, H, E), dtype=jnp.float32)
    keys = jax.random.normal(ks[1], (N, L, H, E), dtype=jnp.float32)
    values = jax.random.normal(ks[2], (N, L, H, E), dtype=jnp.float32)
    planes = jax.random.normal(ks[3], (BITS, E + 1), dtype=jnp.float32)
    query_lengths = jnp.full((N,), L, dtype=jnp.int32)
    key_lengths = jnp.full((N,), L, dtype=jnp.int32)
    return {"queries": queries, "keys": keys, "values": values,
            "planes": planes, "query_lengths": query_lengths,
            "key_lengths": key_lengths}


def _compute_hashes(X, planes):
    # X: [M, E]; planes: [BITS, E+1] (last column is the bias, hash_bias=True)
    proj = X @ planes[:, :-1].T + planes[:, -1][None, :]
    bits = (proj > 0).astype(jnp.uint32)
    w = (jnp.uint32(1) << jnp.arange(BITS, dtype=jnp.uint32))
    return jnp.sum(bits * w[None, :], axis=-1)


def _cluster(hashes):
    # hashes: [L] uint32 -> Lloyd iterations with Hamming distance
    Lq = hashes.shape[0]
    init_idx = (jnp.arange(C) * Lq) // C
    cent = hashes[init_idx]
    bitw = (jnp.uint32(1) << jnp.arange(BITS, dtype=jnp.uint32))
    hash_bits = ((hashes[:, None] >> jnp.arange(BITS, dtype=jnp.uint32)[None, :]) & jnp.uint32(1)).astype(jnp.float32)
    for _ in range(ITERS):
        d = jax.lax.population_count(hashes[:, None] ^ cent[None, :])
        assign = jnp.argmin(d, axis=-1)
        onehot = jax.nn.one_hot(assign, C, dtype=jnp.float32)
        counts = onehot.sum(axis=0)
        bitsum = onehot.T @ hash_bits
        maj = (bitsum * 2.0 > counts[:, None]).astype(jnp.uint32)
        new_cent = jnp.sum(maj * bitw[None, :], axis=-1).astype(jnp.uint32)
        cent = jnp.where(counts > 0, new_cent, cent)
    d = jax.lax.population_count(hashes[:, None] ^ cent[None, :])
    assign = jnp.argmin(d, axis=-1)
    counts = jnp.bincount(assign, length=C)
    return assign, counts


def _gather_dot(Qh, Kh, idxh):
    # Qh: [L,E], Kh: [S,E], idxh: [L,k]
    Ks = Kh[idxh]  # [L,k,E] sparse gather
    return jnp.einsum('le,lke->lk', Qh, Ks)


def _wavg(Ah, Vh, idxh):
    Vs = Vh[idxh]  # [L,k,E]
    return jnp.einsum('lk,lke->le', Ah, Vs)


def _forward(queries, keys, values, planes, query_lengths, key_lengths):
    Q = jnp.transpose(queries, (0, 2, 1, 3))
    K = jnp.transpose(keys, (0, 2, 1, 3))
    V = jnp.transpose(values, (0, 2, 1, 3))
    n, h, l, e = Q.shape
    s = K.shape[2]
    softmax_temp = 1.0 / sqrt(e)
    # hash queries and cluster per (batch, head)
    hashes = _compute_hashes(Q.reshape(n * h * l, e), planes).reshape(n * h, l)
    assign, counts = jax.vmap(_cluster)(hashes)
    assign = assign.reshape(n, h, l)
    counts = counts.reshape(n, h, C)
    # _GroupQueries: per-cluster mean of queries
    onehot = jax.nn.one_hot(assign, C, dtype=Q.dtype)  # [n,h,l,C]
    factors = 1.0 / jnp.maximum(counts, 1).astype(Q.dtype)
    Q_grouped = jnp.einsum('nhlc,nhle->nhce', onehot, Q) * factors[..., None]
    # centroid attention scores + key-length mask
    QK = jnp.einsum('nhce,nhse->nhcs', Q_grouped, K)
    add_mask = jnp.where(jnp.arange(s)[None, :] < key_lengths[:, None], 0.0, -jnp.inf).astype(Q.dtype)
    QK = QK + add_mask[:, None, None, :]
    topk_values, topk = jax.lax.top_k(QK, TOPK)  # [n,h,C,k]
    # broadcast each cluster's topk to its member queries
    topk_q = jnp.take_along_axis(topk, assign[:, :, :, None], axis=2)  # [n,h,l,k]
    # clustered sparse dot product of each query with its cluster's topk keys
    QKs = jax.vmap(jax.vmap(_gather_dot))(Q, K, topk_q)  # [n,h,l,k]
    inf_mask = jnp.isinf(topk_values[:, 0, 0, :])  # [n,k]
    QKs = jnp.where(inf_mask[:, None, None, :], -jnp.inf, QKs)
    causal_mask = topk_q > jnp.arange(l)[None, None, :, None]
    QKs = jnp.where(causal_mask, jnp.asarray(-1e7, QKs.dtype), QKs)
    A = jax.nn.softmax(softmax_temp * QKs, axis=-1)
    # dropout p=0.0 (eval): identity
    V_new = jax.vmap(jax.vmap(_wavg))(A, V, topk_q)  # [n,h,l,e]
    return jnp.transpose(V_new, (0, 2, 1, 3))


def reference(queries, keys, values, planes, query_lengths, key_lengths):
    return _forward(queries, keys, values, planes, query_lengths, key_lengths)

if __name__ == "__main__":
    import jax
    _d = setup_inputs()
    print(jax.jit(kernel)(*tuple(_d.values())))

</pallas_src>

<mosaic_0001>
#map = affine_map<(d0, d1) -> (0, 0)>
#map1 = affine_map<(d0, d1) -> (0)>
module attributes {stable_mosaic.version = 14 : i64} {
  func.func @sck(%arg0: i32, %arg1: i32, %arg2: memref<131072x128xf32, #tpu.memory_space<hbm>>, %arg3: memref<131072xi32, #tpu.memory_space<hbm>>, %arg4: memref<131072x128xf32, #tpu.memory_space<hbm>>, %arg5: memref<128xi32, #tpu.memory_space<vmem>>, %arg6: memref<128x128xf32, #tpu.memory_space<vmem>>, %arg7: memref<!tpu.dma_semaphore, #tpu.memory_space<semaphore_mem>>) attributes {dimension_semantics = [#tpu.dimension_semantics<core_parallel>, #tpu.dimension_semantics<subcore_parallel>], iteration_bounds = array<i64: 2, 16>, scalar_prefetch = 0 : i64, scratch_operands = 3 : i64, tpu.core_type = #tpu.core_type<sc_vector_subcore>, window_params = [{transform_indices = #map}, {transform_indices = #map1}, {transform_indices = #map}]} {
    %mul3A = arith.constant 2 : i32
    %mul3A_0 = arith.muli %arg1, %mul3A : i32
    %add3A = arith.addi %mul3A_0, %arg0 : i32
    %scan3A = arith.constant 0 : i32
    %scan3A_1 = arith.constant 0 : i32
    %scan3A_2 = arith.constant 32 : i32
    %scan3A_3 = arith.addi %scan3A_1, %scan3A_2 : i32
    %scan3A_4 = arith.constant 1 : i32
    %scan3A_5 = scf.for %scan3A_7 = %scan3A_1 to %scan3A_3 step %scan3A_4 iter_args(%scan3A_8 = %scan3A) -> (i32)  : i32 {
      %mul3A_9 = arith.constant 4096 : i32
      %mul3A_10 = arith.muli %add3A, %mul3A_9 : i32
      %mul3A_11 = arith.constant 128 : i32
      %mul3A_12 = arith.muli %scan3A_7, %mul3A_11 : i32
      %add3A_13 = arith.addi %mul3A_10, %mul3A_12 : i32
      %multiple_of3A = tpu.assume_multiple %add3A_13, 128 : i32
      "tpu.region"() ({
        %run_scoped3A = tpu.sem_alloc : memref<!tpu.dma_semaphore, #tpu.memory_space<semaphore_mem>>
        %dma_start3A_19 = tpu.memref_slice %arg3[%multiple_of3A] : memref<131072xi32, #tpu.memory_space<hbm>> -> memref<128xi32, #tpu.memory_space<hbm>>
        %dma_start3A_20 = tpu.memref_slice %arg3[%multiple_of3A] : memref<131072xi32, #tpu.memory_space<hbm>> -> memref<128xi32, #tpu.memory_space<hbm>>
        tpu.enqueue_dma source(%dma_start3A_20 : memref<128xi32, #tpu.memory_space<hbm>>) target(%arg5 : memref<128xi32, #tpu.memory_space<vmem>>) target_semaphore(%run_scoped3A : memref<!tpu.dma_semaphore, #tpu.memory_space<semaphore_mem>>)
        %dma_wait3A_21 = tpu.memref_slice %arg3[%multiple_of3A] : memref<131072xi32, #tpu.memory_space<hbm>> -> memref<128xi32, #tpu.memory_space<hbm>>
        %dma_wait3A_22 = tpu.memref_slice %arg3[%multiple_of3A] : memref<131072xi32, #tpu.memory_space<hbm>> -> memref<128xi32, #tpu.memory_space<hbm>>
        tpu.wait_dma2 semaphore(%run_scoped3A : memref<!tpu.dma_semaphore, #tpu.memory_space<semaphore_mem>>) src(%dma_wait3A_22 : memref<128xi32, #tpu.memory_space<hbm>>) dst(%arg5 : memref<128xi32, #tpu.memory_space<vmem>>)
        tpu.yield
      }) : () -> ()
      "tpu.region"() ({
        %run_scoped3A = tpu.sem_alloc : memref<!tpu.dma_semaphore, #tpu.memory_space<semaphore_mem>>
        %dma_start3A_19 = arith.constant 0 : i32
        %dma_start3A_20 = tpu.memref_slice %arg2[%multiple_of3A, %dma_start3A_19] : memref<131072x128xf32, #tpu.memory_space<hbm>> -> memref<128x128xf32, #tpu.memory_space<hbm>>
        %dma_start3A_21 = arith.constant 0 : i32
        %dma_start3A_22 = tpu.memref_slice %arg2[%multiple_of3A, %dma_start3A_21] : memref<131072x128xf32, #tpu.memory_space<hbm>> -> memref<128x128xf32, #tpu.memory_space<hbm>>
        tpu.enqueue_dma source(%dma_start3A_22 : memref<128x128xf32, #tpu.memory_space<hbm>>) target(%arg6 : memref<128x128xf32, #tpu.memory_space<vmem>>) target_semaphore(%run_scoped3A : memref<!tpu.dma_semaphore, #tpu.memory_space<semaphore_mem>>)
        %dma_wait3A_23 = arith.constant 0 : i32
        %dma_wait3A_24 = tpu.memref_slice %arg2[%multiple_of3A, %dma_wait3A_23] : memref<131072x128xf32, #tpu.memory_space<hbm>> -> memref<128x128xf32, #tpu.memory_space<hbm>>
        %dma_wait3A_25 = arith.constant 0 : i32
        %dma_wait3A_26 = tpu.memref_slice %arg2[%multiple_of3A, %dma_wait3A_25] : memref<131072x128xf32, #tpu.memory_space<hbm>> -> memref<128x128xf32, #tpu.memory_space<hbm>>
        tpu.wait_dma2 semaphore(%run_scoped3A : memref<!tpu.dma_semaphore, #tpu.memory_space<semaphore_mem>>) src(%dma_wait3A_26 : memref<128x128xf32, #tpu.memory_space<hbm>>) dst(%arg6 : memref<128x128xf32, #tpu.memory_space<vmem>>)
        tpu.yield
      }) : () -> ()
      %dma_start3A = arith.constant 0 : i32
      %dma_start3A_14 = arith.constant 0 : i32
      %dma_start3A_15 = tpu.memref_slice %arg4[%dma_start3A, %dma_start3A_14] : memref<131072x128xf32, #tpu.memory_space<hbm>> -> memref<131072x128xf32, #tpu.memory_space<hbm>>
      tpu.enqueue_indirect_dma source(%arg6 : memref<128x128xf32, #tpu.memory_space<vmem>>) target(%dma_start3A_15 : memref<131072x128xf32, #tpu.memory_space<hbm>>) offsets(%arg5 : memref<128xi32, #tpu.memory_space<vmem>>) semaphore(%arg7 : memref<!tpu.dma_semaphore, #tpu.memory_space<semaphore_mem>>)
      %dma_wait3A = arith.constant 0 : i32
      %dma_wait3A_16 = arith.constant 0 : i32
      %dma_wait3A_17 = tpu.memref_slice %arg4[%dma_wait3A, %dma_wait3A_16] : memref<131072x128xf32, #tpu.memory_space<hbm>> -> memref<131072x128xf32, #tpu.memory_space<hbm>>
      tpu.wait_indirect_dma semaphore(%arg7 : memref<!tpu.dma_semaphore, #tpu.memory_space<semaphore_mem>>) src(%arg6 : memref<128x128xf32, #tpu.memory_space<vmem>>) dst(%dma_wait3A_17 : memref<131072x128xf32, #tpu.memory_space<hbm>>)
      %scan3A_18 = arith.constant 0 : i32
      scf.yield %scan3A_18 : i32
    }
    %scan3A_6 = arith.constant 32 : i32
    return
  }
}

#map = affine_map<(d0, d1) -> (0, 0)>
#map1 = affine_map<(d0, d1) -> (0)>
module attributes {stable_mosaic.version = 14 : i64} {
  func.func @sck(%arg0: i32, %arg1: i32, %arg2: memref<131072x128xf32, #tpu.memory_space<hbm>>, %arg3: memref<262144xi32, #tpu.memory_space<hbm>>, %arg4: memref<262144x128xf32, #tpu.memory_space<hbm>>, %arg5: memref<128xi32, #tpu.memory_space<vmem>>, %arg6: memref<128x128xf32, #tpu.memory_space<vmem>>, %arg7: memref<!tpu.dma_semaphore, #tpu.memory_space<semaphore_mem>>) attributes {dimension_semantics = [#tpu.dimension_semantics<core_parallel>, #tpu.dimension_semantics<subcore_parallel>], iteration_bounds = array<i64: 2, 16>, scalar_prefetch = 0 : i64, scratch_operands = 3 : i64, tpu.core_type = #tpu.core_type<sc_vector_subcore>, window_params = [{transform_indices = #map}, {transform_indices = #map1}, {transform_indices = #map}]} {
    %mul3A = arith.constant 2 : i32
    %mul3A_0 = arith.muli %arg1, %mul3A : i32
    %add3A = arith.addi %mul3A_0, %arg0 : i32
    %scan3A = arith.constant 0 : i32
    %scan3A_1 = arith.constant 0 : i32
    %scan3A_2 = arith.constant 64 : i32
    %scan3A_3 = arith.addi %scan3A_1, %scan3A_2 : i32
    %scan3A_4 = arith.constant 1 : i32
    %scan3A_5 = scf.for %scan3A_7 = %scan3A_1 to %scan3A_3 step %scan3A_4 iter_args(%scan3A_8 = %scan3A) -> (i32)  : i32 {
      %mul3A_9 = arith.constant 256 : i32
      %mul3A_10 = arith.muli %add3A, %mul3A_9 : i32
      %mul3A_11 = arith.constant 32 : i32
      %mul3A_12 = arith.muli %mul3A_10, %mul3A_11 : i32
      %mul3A_13 = arith.constant 128 : i32
      %mul3A_14 = arith.muli %scan3A_7, %mul3A_13 : i32
      %add3A_15 = arith.addi %mul3A_12, %mul3A_14 : i32
      %multiple_of3A = tpu.assume_multiple %add3A_15, 128 : i32
      "tpu.region"() ({
        %run_scoped3A = tpu.sem_alloc : memref<!tpu.dma_semaphore, #tpu.memory_space<semaphore_mem>>
        %dma_start3A_21 = tpu.memref_slice %arg3[%multiple_of3A] : memref<262144xi32, #tpu.memory_space<hbm>> -> memref<128xi32, #tpu.memory_space<hbm>>
        %dma_start3A_22 = tpu.memref_slice %arg3[%multiple_of3A] : memref<262144xi32, #tpu.memory_space<hbm>> -> memref<128xi32, #tpu.memory_space<hbm>>
        tpu.enqueue_dma source(%dma_start3A_22 : memref<128xi32, #tpu.memory_space<hbm>>) target(%arg5 : memref<128xi32, #tpu.memory_space<vmem>>) target_semaphore(%run_scoped3A : memref<!tpu.dma_semaphore, #tpu.memory_space<semaphore_mem>>)
        %dma_wait3A_23 = tpu.memref_slice %arg3[%multiple_of3A] : memref<262144xi32, #tpu.memory_space<hbm>> -> memref<128xi32, #tpu.memory_space<hbm>>
        %dma_wait3A_24 = tpu.memref_slice %arg3[%multiple_of3A] : memref<262144xi32, #tpu.memory_space<hbm>> -> memref<128xi32, #tpu.memory_space<hbm>>
        tpu.wait_dma2 semaphore(%run_scoped3A : memref<!tpu.dma_semaphore, #tpu.memory_space<semaphore_mem>>) src(%dma_wait3A_24 : memref<128xi32, #tpu.memory_space<hbm>>) dst(%arg5 : memref<128xi32, #tpu.memory_space<vmem>>)
        tpu.yield
      }) : () -> ()
      %dma_start3A = arith.constant 0 : i32
      %dma_start3A_16 = arith.constant 0 : i32
      %dma_start3A_17 = tpu.memref_slice %arg2[%dma_start3A, %dma_start3A_16] : memref<131072x128xf32, #tpu.memory_space<hbm>> -> memref<131072x128xf32, #tpu.memory_space<hbm>>
      tpu.enqueue_indirect_dma source(%dma_start3A_17 : memref<131072x128xf32, #tpu.memory_space<hbm>>) target(%arg6 : memref<128x128xf32, #tpu.memory_space<vmem>>) offsets(%arg5 : memref<128xi32, #tpu.memory_space<vmem>>) semaphore(%arg7 : memref<!tpu.dma_semaphore, #tpu.memory_space<semaphore_mem>>)
      %dma_wait3A = arith.constant 0 : i32
      %dma_wait3A_18 = arith.constant 0 : i32
      %dma_wait3A_19 = tpu.memref_slice %arg2[%dma_wait3A, %dma_wait3A_18] : memref<131072x128xf32, #tpu.memory_space<hbm>> -> memref<131072x128xf32, #tpu.memory_space<hbm>>
      tpu.wait_indirect_dma semaphore(%arg7 : memref<!tpu.dma_semaphore, #tpu.memory_space<semaphore_mem>>) src(%dma_wait3A_19 : memref<131072x128xf32, #tpu.memory_space<hbm>>) dst(%arg6 : memref<128x128xf32, #tpu.memory_space<vmem>>)
      "tpu.region"() ({
        %run_scoped3A = tpu.sem_alloc : memref<!tpu.dma_semaphore, #tpu.memory_space<semaphore_mem>>
        %dma_start3A_21 = arith.constant 0 : i32
        %dma_start3A_22 = tpu.memref_slice %arg4[%multiple_of3A, %dma_start3A_21] : memref<262144x128xf32, #tpu.memory_space<hbm>> -> memref<128x128xf32, #tpu.memory_space<hbm>>
        %dma_start3A_23 = arith.constant 0 : i32
        %dma_start3A_24 = tpu.memref_slice %arg4[%multiple_of3A, %dma_start3A_23] : memref<262144x128xf32, #tpu.memory_space<hbm>> -> memref<128x128xf32, #tpu.memory_space<hbm>>
        tpu.enqueue_dma source(%arg6 : memref<128x128xf32, #tpu.memory_space<vmem>>) target(%dma_start3A_24 : memref<128x128xf32, #tpu.memory_space<hbm>>) target_semaphore(%run_scoped3A : memref<!tpu.dma_semaphore, #tpu.memory_space<semaphore_mem>>)
        %dma_wait3A_25 = arith.constant 0 : i32
        %dma_wait3A_26 = tpu.memref_slice %arg4[%multiple_of3A, %dma_wait3A_25] : memref<262144x128xf32, #tpu.memory_space<hbm>> -> memref<128x128xf32, #tpu.memory_space<hbm>>
        %dma_wait3A_27 = arith.constant 0 : i32
        %dma_wait3A_28 = tpu.memref_slice %arg4[%multiple_of3A, %dma_wait3A_27] : memref<262144x128xf32, #tpu.memory_space<hbm>> -> memref<128x128xf32, #tpu.memory_space<hbm>>
        tpu.wait_dma2 semaphore(%run_scoped3A : memref<!tpu.dma_semaphore, #tpu.memory_space<semaphore_mem>>) src(%arg6 : memref<128x128xf32, #tpu.memory_space<vmem>>) dst(%dma_wait3A_28 : memref<128x128xf32, #tpu.memory_space<hbm>>)
        tpu.yield
      }) : () -> ()
      %scan3A_20 = arith.constant 0 : i32
      scf.yield %scan3A_20 : i32
    }
    %scan3A_6 = arith.constant 64 : i32
    return
  }
}

#map = affine_map<(d0, d1) -> (0, 0)>
#map1 = affine_map<(d0, d1) -> (0)>
module attributes {stable_mosaic.version = 14 : i64} {
  func.func @sck(%arg0: i32, %arg1: i32, %arg2: memref<131072x128xf32, #tpu.memory_space<hbm>>, %arg3: memref<131072xi32, #tpu.memory_space<hbm>>, %arg4: memref<131072x128xf32, #tpu.memory_space<hbm>>, %arg5: memref<128xi32, #tpu.memory_space<vmem>>, %arg6: memref<128x128xf32, #tpu.memory_space<vmem>>, %arg7: memref<!tpu.dma_semaphore, #tpu.memory_space<semaphore_mem>>) attributes {dimension_semantics = [#tpu.dimension_semantics<core_parallel>, #tpu.dimension_semantics<subcore_parallel>], iteration_bounds = array<i64: 2, 16>, scalar_prefetch = 0 : i64, scratch_operands = 3 : i64, tpu.core_type = #tpu.core_type<sc_vector_subcore>, window_params = [{transform_indices = #map}, {transform_indices = #map1}, {transform_indices = #map}]} {
    %mul3A = arith.constant 2 : i32
    %mul3A_0 = arith.muli %arg1, %mul3A : i32
    %add3A = arith.addi %mul3A_0, %arg0 : i32
    %scan3A = arith.constant 0 : i32
    %scan3A_1 = arith.constant 0 : i32
    %scan3A_2 = arith.constant 32 : i32
    %scan3A_3 = arith.addi %scan3A_1, %scan3A_2 : i32
    %scan3A_4 = arith.constant 1 : i32
    %scan3A_5 = scf.for %scan3A_7 = %scan3A_1 to %scan3A_3 step %scan3A_4 iter_args(%scan3A_8 = %scan3A) -> (i32)  : i32 {
      %mul3A_9 = arith.constant 4096 : i32
      %mul3A_10 = arith.muli %add3A, %mul3A_9 : i32
      %mul3A_11 = arith.constant 128 : i32
      %mul3A_12 = arith.muli %scan3A_7, %mul3A_11 : i32
      %add3A_13 = arith.addi %mul3A_10, %mul3A_12 : i32
      %multiple_of3A = tpu.assume_multiple %add3A_13, 128 : i32
      "tpu.region"() ({
        %run_scoped3A = tpu.sem_alloc : memref<!tpu.dma_semaphore, #tpu.memory_space<semaphore_mem>>
        %dma_start3A_19 = tpu.memref_slice %arg3[%multiple_of3A] : memref<131072xi32, #tpu.memory_space<hbm>> -> memref<128xi32, #tpu.memory_space<hbm>>
        %dma_start3A_20 = tpu.memref_slice %arg3[%multiple_of3A] : memref<131072xi32, #tpu.memory_space<hbm>> -> memref<128xi32, #tpu.memory_space<hbm>>
        tpu.enqueue_dma source(%dma_start3A_20 : memref<128xi32, #tpu.memory_space<hbm>>) target(%arg5 : memref<128xi32, #tpu.memory_space<vmem>>) target_semaphore(%run_scoped3A : memref<!tpu.dma_semaphore, #tpu.memory_space<semaphore_mem>>)
        %dma_wait3A_21 = tpu.memref_slice %arg3[%multiple_of3A] : memref<131072xi32, #tpu.memory_space<hbm>> -> memref<128xi32, #tpu.memory_space<hbm>>
        %dma_wait3A_22 = tpu.memref_slice %arg3[%multiple_of3A] : memref<131072xi32, #tpu.memory_space<hbm>> -> memref<128xi32, #tpu.memory_space<hbm>>
        tpu.wait_dma2 semaphore(%run_scoped3A : memref<!tpu.dma_semaphore, #tpu.memory_space<semaphore_mem>>) src(%dma_wait3A_22 : memref<128xi32, #tpu.memory_space<hbm>>) dst(%arg5 : memref<128xi32, #tpu.memory_space<vmem>>)
        tpu.yield
      }) : () -> ()
      %dma_start3A = arith.constant 0 : i32
      %dma_start3A_14 = arith.constant 0 : i32
      %dma_start3A_15 = tpu.memref_slice %arg2[%dma_start3A, %dma_start3A_14] : memref<131072x128xf32, #tpu.memory_space<hbm>> -> memref<131072x128xf32, #tpu.memory_space<hbm>>
      tpu.enqueue_indirect_dma source(%dma_start3A_15 : memref<131072x128xf32, #tpu.memory_space<hbm>>) target(%arg6 : memref<128x128xf32, #tpu.memory_space<vmem>>) offsets(%arg5 : memref<128xi32, #tpu.memory_space<vmem>>) semaphore(%arg7 : memref<!tpu.dma_semaphore, #tpu.memory_space<semaphore_mem>>)
      %dma_wait3A = arith.constant 0 : i32
      %dma_wait3A_16 = arith.constant 0 : i32
      %dma_wait3A_17 = tpu.memref_slice %arg2[%dma_wait3A, %dma_wait3A_16] : memref<131072x128xf32, #tpu.memory_space<hbm>> -> memref<131072x128xf32, #tpu.memory_space<hbm>>
      tpu.wait_indirect_dma semaphore(%arg7 : memref<!tpu.dma_semaphore, #tpu.memory_space<semaphore_mem>>) src(%dma_wait3A_17 : memref<131072x128xf32, #tpu.memory_space<hbm>>) dst(%arg6 : memref<128x128xf32, #tpu.memory_space<vmem>>)
      "tpu.region"() ({
        %run_scoped3A = tpu.sem_alloc : memref<!tpu.dma_semaphore, #tpu.memory_space<semaphore_mem>>
        %dma_start3A_19 = arith.constant 0 : i32
        %dma_start3A_20 = tpu.memref_slice %arg4[%multiple_of3A, %dma_start3A_19] : memref<131072x128xf32, #tpu.memory_space<hbm>> -> memref<128x128xf32, #tpu.memory_space<hbm>>
        %dma_start3A_21 = arith.constant 0 : i32
        %dma_start3A_22 = tpu.memref_slice %arg4[%multiple_of3A, %dma_start3A_21] : memref<131072x128xf32, #tpu.memory_space<hbm>> -> memref<128x128xf32, #tpu.memory_space<hbm>>
        tpu.enqueue_dma source(%arg6 : memref<128x128xf32, #tpu.memory_space<vmem>>) target(%dma_start3A_22 : memref<128x128xf32, #tpu.memory_space<hbm>>) target_semaphore(%run_scoped3A : memref<!tpu.dma_semaphore, #tpu.memory_space<semaphore_mem>>)
        %dma_wait3A_23 = arith.constant 0 : i32
        %dma_wait3A_24 = tpu.memref_slice %arg4[%multiple_of3A, %dma_wait3A_23] : memref<131072x128xf32, #tpu.memory_space<hbm>> -> memref<128x128xf32, #tpu.memory_space<hbm>>
        %dma_wait3A_25 = arith.constant 0 : i32
        %dma_wait3A_26 = tpu.memref_slice %arg4[%multiple_of3A, %dma_wait3A_25] : memref<131072x128xf32, #tpu.memory_space<hbm>> -> memref<128x128xf32, #tpu.memory_space<hbm>>
        tpu.wait_dma2 semaphore(%run_scoped3A : memref<!tpu.dma_semaphore, #tpu.memory_space<semaphore_mem>>) src(%arg6 : memref<128x128xf32, #tpu.memory_space<vmem>>) dst(%dma_wait3A_26 : memref<128x128xf32, #tpu.memory_space<hbm>>)
        tpu.yield
      }) : () -> ()
      %scan3A_18 = arith.constant 0 : i32
      scf.yield %scan3A_18 : i32
    }
    %scan3A_6 = arith.constant 32 : i32
    return
  }
}

module attributes {stable_mosaic.version = 14 : i64} {
  func.func @_stage_a1_body(%arg0: i32, %arg1: memref<1x4096x32xbf16, #tpu.memory_space<vmem>>, %arg2: memref<1x4096x64xbf16, #tpu.memory_space<vmem>>, %arg3: memref<1x256x32xbf16, #tpu.memory_space<vmem>>, %arg4: memref<1x4096x64xf32, #tpu.memory_space<vmem>>, %arg5: memref<256x256xbf16, #tpu.memory_space<vmem>>, %arg6: memref<1x1x4096xi32, #tpu.memory_space<vmem>>, %arg7: memref<1x256x64xf32, #tpu.memory_space<vmem>>, %arg8: memref<1x1x4096xf32, #tpu.memory_space<vmem>>, %arg9: memref<1x1x256xf32, #tpu.memory_space<vmem>>) attributes {dimension_semantics = [#tpu.dimension_semantics<parallel>], iteration_bounds = array<i64: 32>, scalar_prefetch = 0 : i64, scratch_operands = 0 : i64, tpu.core_type = #tpu.core_type<tc>, window_params = [{transform_indices = @transform_0, window_bounds = array<i64: 1, 4096, 32>}, {transform_indices = @transform_1, window_bounds = array<i64: 1, 4096, 64>}, {transform_indices = @transform_2, window_bounds = array<i64: 1, 256, 32>}, {transform_indices = @transform_3, window_bounds = array<i64: 1, 4096, 64>}, {pipeline_mode = #tpu.pipeline_mode<synchronous>, transform_indices = @transform_4, window_bounds = array<i64: 256, 256>}, {transform_indices = @transform_5, window_bounds = array<i64: 1, 1, 4096>}, {transform_indices = @transform_6, window_bounds = array<i64: 1, 256, 64>}, {transform_indices = @transform_7, window_bounds = array<i64: 1, 1, 4096>}, {transform_indices = @transform_8, window_bounds = array<i64: 1, 1, 256>}]} {
    %get3A = arith.constant 0 : index
    %get3A_0 = arith.constant 0 : index
    %get3A_1 = arith.constant 0 : index
    %get3A_2 = vector.load %arg1[%get3A, %get3A_0, %get3A_1] : memref<1x4096x32xbf16, #tpu.memory_space<vmem>>, vector<1x4096x32xbf16>
    %get3A_3 = vector.shape_cast %get3A_2 : vector<1x4096x32xbf16> to vector<4096x32xbf16>
    %get3A_4 = arith.constant 0 : index
    %get3A_5 = arith.constant 0 : index
    %get3A_6 = arith.constant 0 : index
    %get3A_7 = vector.load %arg2[%get3A_4, %get3A_5, %get3A_6] : memref<1x4096x64xbf16, #tpu.memory_space<vmem>>, vector<1x4096x64xbf16>
    %get3A_8 = vector.shape_cast %get3A_7 : vector<1x4096x64xbf16> to vector<4096x64xbf16>
    %get3A_9 = arith.constant 0 : index
    %get3A_10 = arith.constant 0 : index
    %get3A_11 = arith.constant 0 : index
    %get3A_12 = vector.load %arg4[%get3A_9, %get3A_10, %get3A_11] : memref<1x4096x64xf32, #tpu.memory_space<vmem>>, vector<1x4096x64xf32>
    %get3A_13 = vector.shape_cast %get3A_12 : vector<1x4096x64xf32> to vector<4096x64xf32>
    %get3A_14 = arith.constant 0 : index
    %get3A_15 = arith.constant 0 : index
    %get3A_16 = vector.load %arg5[%get3A_14, %get3A_15] : memref<256x256xbf16, #tpu.memory_space<vmem>>, vector<256x256xbf16>
    %broadcast_in_dim3A = arith.constant 1.000000e+00 : bf16
    %broadcast_in_dim3A_17 = vector.broadcast %broadcast_in_dim3A : bf16 to vector<1x32xbf16>
    %dot_general3A = arith.constant dense<0.000000e+00> : vector<1x4096xf32>
    %dot_general3A_18 = tpu.matmul %broadcast_in_dim3A_17, %get3A_3, %dot_general3A {dimension_numbers = #tpu.dot_dimension_numbers<[1], [1], [0], [0], [0, 0, 1, 0], [], []>, transpose_lhs_hint = false} : vector<1x32xbf16>, vector<4096x32xbf16>, vector<1x4096xf32> -> vector<1x4096xf32>
    %iota3A = tpu.iota {dimensions = array<i32: 0>} : vector<256x4096xi32>
    %convert_element_type3A = arith.sitofp %iota3A : vector<256x4096xi32> to vector<256x4096xf32>
    %mul3A = arith.constant 2.560000e+02 : f32
    %mul3A_19 = vector.broadcast %mul3A : f32 to vector<1x4096xf32>
    %mul3A_20 = arith.mulf %mul3A_19, %dot_general3A_18 : vector<1x4096xf32>
    %add3A = vector.broadcast %mul3A_20 : vector<1x4096xf32> to vector<256x4096xf32>
    %add3A_21 = arith.addf %convert_element_type3A, %add3A : vector<256x4096xf32>
    %get3A_22 = arith.constant 0 : index
    %get3A_23 = arith.constant 0 : index
    %get3A_24 = arith.constant 0 : index
    %get3A_25 = vector.load %arg3[%get3A_22, %get3A_23, %get3A_24] : memref<1x256x32xbf16, #tpu.memory_space<vmem>>, vector<1x256x32xbf16>
    %get3A_26 = vector.shape_cast %get3A_25 : vector<1x256x32xbf16> to vector<256x32xbf16>
    %scan3A = arith.constant 0 : i32
    %scan3A_27 = arith.constant 10 : i32
    %scan3A_28 = arith.addi %scan3A, %scan3A_27 : i32
    %scan3A_29 = arith.constant 1 : i32
    %scan3A_30 = scf.for %scan3A_439 = %scan3A to %scan3A_28 step %scan3A_29 iter_args(%scan3A_440 = %get3A_26) -> (vector<256x32xbf16>)  : i32 {
      %convert_element_type3A_441 = arith.extf %scan3A_440 : vector<256x32xbf16> to vector<256x32xf32>
      %reduce_sum3A_442 = arith.constant dense<0.000000e+00> : vector<256xf32>
      %reduce_sum3A_443 = vector.multi_reduction <add>, %convert_element_type3A_441, %reduce_sum3A_442 [1] : vector<256x32xf32> to vector<256xf32>
      %broadcast_in_dim3A_444 = vector.shape_cast %reduce_sum3A_443 : vector<256xf32> to vector<256x1xf32>
      %dot_general3A_445 = arith.constant dense<0.000000e+00> : vector<256x4096xf32>
      %dot_general3A_446 = tpu.matmul %scan3A_440, %get3A_3, %dot_general3A_445 {dimension_numbers = #tpu.dot_dimension_numbers<[1], [1], [0], [0], [0, 0, 1, 0], [], []>, transpose_lhs_hint = false} : vector<256x32xbf16>, vector<4096x32xbf16>, vector<256x4096xf32> -> vector<256x4096xf32>
      %mul3A_447 = arith.constant 5.120000e+02 : f32
      %mul3A_448 = vector.broadcast %mul3A_447 : f32 to vector<256x4096xf32>
      %mul3A_449 = arith.mulf %mul3A_448, %dot_general3A_446 : vector<256x4096xf32>
      %sub3A_450 = arith.subf %add3A_21, %mul3A_449 : vector<256x4096xf32>
      %mul3A_451 = arith.constant 2.560000e+02 : f32
      %mul3A_452 = vector.broadcast %mul3A_451 : f32 to vector<256x1xf32>
      %mul3A_453 = arith.mulf %mul3A_452, %broadcast_in_dim3A_444 : vector<256x1xf32>
      %add3A_454 = vector.broadcast %mul3A_453 : vector<256x1xf32> to vector<256x4096xf32>
      %add3A_455 = arith.addf %sub3A_450, %add3A_454 : vector<256x4096xf32>
      %reduce_min3A_456 = arith.constant dense<0x7F800000> : vector<4096xf32>
      %reduce_min3A_457 = vector.multi_reduction <minimumf>, %add3A_455, %reduce_min3A_456 [0] : vector<256x4096xf32> to vector<4096xf32>
      %broadcast_in_dim3A_458 = vector.shape_cast %reduce_min3A_457 : vector<4096xf32> to vector<1x4096xf32>
      %convert_element_type3A_459 = arith.fptosi %broadcast_in_dim3A_458 : vector<1x4096xf32> to vector<1x4096xi32>
      %rem3A_460 = arith.constant 256 : i32
      %rem3A_461 = vector.broadcast %rem3A_460 : i32 to vector<1x4096xi32>
      %rem3A_462 = arith.remsi %convert_element_type3A_459, %rem3A_461 : vector<1x4096xi32>
      %eq3A_463 = vector.broadcast %rem3A_462 : vector<1x4096xi32> to vector<256x4096xi32>
      %eq3A_464 = arith.cmpi eq, %iota3A, %eq3A_463 : vector<256x4096xi32>
      %convert_element_type3A_465 = arith.extui %eq3A_464 : vector<256x4096xi1> to vector<256x4096xi32>
      %convert_element_type3A_466 = arith.sitofp %convert_element_type3A_465 : vector<256x4096xi32> to vector<256x4096xf32>
      %convert_element_type3A_467 = arith.truncf %convert_element_type3A_466 : vector<256x4096xf32> to vector<256x4096xbf16>
      %dot_general3A_468 = arith.constant dense<0.000000e+00> : vector<256x64xf32>
      %dot_general3A_469 = tpu.matmul %convert_element_type3A_467, %get3A_8, %dot_general3A_468 {dimension_numbers = #tpu.dot_dimension_numbers<[1], [0], [0], [1], [0, 0, 1, 1], [], []>, transpose_lhs_hint = false} : vector<256x4096xbf16>, vector<4096x64xbf16>, vector<256x64xf32> -> vector<256x64xf32>
      %slice3A_470 = vector.extract_strided_slice %dot_general3A_469 {offsets = [0, 0], sizes = [256, 32], strides = [1, 1]} : vector<256x64xf32> to vector<256x32xf32>
      %slice3A_471 = vector.extract_strided_slice %dot_general3A_469 {offsets = [0, 32], sizes = [256, 1], strides = [1, 1]} : vector<256x64xf32> to vector<256x1xf32>
      %mul3A_472 = arith.constant 2.000000e+00 : f32
      %mul3A_473 = vector.broadcast %mul3A_472 : f32 to vector<256x32xf32>
      %mul3A_474 = arith.mulf %slice3A_470, %mul3A_473 : vector<256x32xf32>
      %gt3A = vector.broadcast %slice3A_471 : vector<256x1xf32> to vector<256x32xf32>
      %gt3A_475 = arith.cmpf ogt, %mul3A_474, %gt3A : vector<256x32xf32>
      %convert_element_type3A_476 = arith.extui %gt3A_475 : vector<256x32xi1> to vector<256x32xi32>
      %convert_element_type3A_477 = arith.sitofp %convert_element_type3A_476 : vector<256x32xi32> to vector<256x32xf32>
      %convert_element_type3A_478 = arith.truncf %convert_element_type3A_477 : vector<256x32xf32> to vector<256x32xbf16>
      %gt3A_479 = arith.constant 0.000000e+00 : f32
      %gt3A_480 = vector.broadcast %gt3A_479 : f32 to vector<256x1xf32>
      %gt3A_481 = arith.cmpf ogt, %slice3A_471, %gt3A_480 : vector<256x1xf32>
      %broadcast_in_dim3A_482 = vector.shape_cast %gt3A_481 : vector<256x1xi1> to vector<256x1xi1>
      %broadcast_in_dim3A_483 = vector.broadcast %broadcast_in_dim3A_482 : vector<256x1xi1> to vector<256x32xi1>
      %select_n3A = arith.select %broadcast_in_dim3A_483, %convert_element_type3A_478, %scan3A_440 : vector<256x32xi1>, vector<256x32xbf16>
      scf.yield %select_n3A : vector<256x32xbf16>
    }
    %convert_element_type3A_31 = arith.extf %scan3A_30 : vector<256x32xbf16> to vector<256x32xf32>
    %reduce_sum3A = arith.constant dense<0.000000e+00> : vector<256xf32>
    %reduce_sum3A_32 = vector.multi_reduction <add>, %convert_element_type3A_31, %reduce_sum3A [1] : vector<256x32xf32> to vector<256xf32>
    %broadcast_in_dim3A_33 = vector.shape_cast %reduce_sum3A_32 : vector<256xf32> to vector<256x1xf32>
    %dot_general3A_34 = arith.constant dense<0.000000e+00> : vector<256x4096xf32>
    %dot_general3A_35 = tpu.matmul %scan3A_30, %get3A_3, %dot_general3A_34 {dimension_numbers = #tpu.dot_dimension_numbers<[1], [1], [0], [0], [0, 0, 1, 0], [], []>, transpose_lhs_hint = false} : vector<256x32xbf16>, vector<4096x32xbf16>, vector<256x4096xf32> -> vector<256x4096xf32>
    %mul3A_36 = arith.constant 5.120000e+02 : f32
    %mul3A_37 = vector.broadcast %mul3A_36 : f32 to vector<256x4096xf32>
    %mul3A_38 = arith.mulf %mul3A_37, %dot_general3A_35 : vector<256x4096xf32>
    %sub3A = arith.subf %add3A_21, %mul3A_38 : vector<256x4096xf32>
    %mul3A_39 = arith.constant 2.560000e+02 : f32
    %mul3A_40 = vector.broadcast %mul3A_39 : f32 to vector<256x1xf32>
    %mul3A_41 = arith.mulf %mul3A_40, %broadcast_in_dim3A_33 : vector<256x1xf32>
    %add3A_42 = vector.broadcast %mul3A_41 : vector<256x1xf32> to vector<256x4096xf32>
    %add3A_43 = arith.addf %sub3A, %add3A_42 : vector<256x4096xf32>
    %reduce_min3A = arith.constant dense<0x7F800000> : vector<4096xf32>
    %reduce_min3A_44 = vector.multi_reduction <minimumf>, %add3A_43, %reduce_min3A [0] : vector<256x4096xf32> to vector<4096xf32>
    %broadcast_in_dim3A_45 = vector.shape_cast %reduce_min3A_44 : vector<4096xf32> to vector<1x4096xf32>
    %convert_element_type3A_46 = arith.fptosi %broadcast_in_dim3A_45 : vector<1x4096xf32> to vector<1x4096xi32>
    %rem3A = arith.constant 256 : i32
    %rem3A_47 = vector.broadcast %rem3A : i32 to vector<1x4096xi32>
    %rem3A_48 = arith.remsi %convert_element_type3A_46, %rem3A_47 : vector<1x4096xi32>
    %eq3A = vector.broadcast %rem3A_48 : vector<1x4096xi32> to vector<256x4096xi32>
    %eq3A_49 = arith.cmpi eq, %iota3A, %eq3A : vector<256x4096xi32>
    %convert_element_type3A_50 = arith.extui %eq3A_49 : vector<256x4096xi1> to vector<256x4096xi32>
    %convert_element_type3A_51 = arith.sitofp %convert_element_type3A_50 : vector<256x4096xi32> to vector<256x4096xf32>
    %convert_element_type3A_52 = arith.truncf %convert_element_type3A_51 : vector<256x4096xf32> to vector<256x4096xbf16>
    %dot_general3A_53 = arith.constant dense<0.000000e+00> : vector<256x64xf32>
    %dot_general3A_54 = tpu.matmul %convert_element_type3A_52, %get3A_8, %dot_general3A_53 {dimension_numbers = #tpu.dot_dimension_numbers<[1], [0], [0], [1], [0, 0, 1, 1], [], []>, transpose_lhs_hint = false} : vector<256x4096xbf16>, vector<4096x64xbf16>, vector<256x64xf32> -> vector<256x64xf32>
    %slice3A = vector.extract_strided_slice %dot_general3A_54 {offsets = [0, 32], sizes = [256, 1], strides = [1, 1]} : vector<256x64xf32> to vector<256x1xf32>
    %swap3A = arith.constant 0 : index
    %swap3A_55 = arith.constant 0 : index
    %swap3A_56 = arith.constant 0 : index
    %swap3A_57 = vector.load %arg6[%swap3A, %swap3A_55, %swap3A_56] : memref<1x1x4096xi32, #tpu.memory_space<vmem>>, vector<1x1x4096xi32>
    %swap3A_58 = vector.shape_cast %swap3A_57 : vector<1x1x4096xi32> to vector<1x4096xi32>
    %swap3A_59 = vector.shape_cast %rem3A_48 : vector<1x4096xi32> to vector<1x1x4096xi32>
    tpu.vector_store %arg6[%swap3A, %swap3A_55, %swap3A_56], %swap3A_59 {strides = array<i32>} : memref<1x1x4096xi32, #tpu.memory_space<vmem>>, vector<1x1x4096xi32>,
    %max3A = arith.constant 1.000000e+00 : f32
    %max3A_60 = vector.broadcast %max3A : f32 to vector<256x1xf32>
    %max3A_61 = arith.maximumf %slice3A, %max3A_60 : vector<256x1xf32>
    %div3A = arith.constant 1.000000e+00 : f32
    %div3A_62 = vector.broadcast %div3A : f32 to vector<256x1xf32>
    %div3A_63 = arith.divf %div3A_62, %max3A_61 : vector<256x1xf32>
    %dot_general3A_64 = arith.constant dense<0.000000e+00> : vector<256x64xf32>
    %dot_general3A_65 = tpu.matmul %convert_element_type3A_51, %get3A_13, %dot_general3A_64 {dimension_numbers = #tpu.dot_dimension_numbers<[1], [0], [0], [1], [0, 0, 1, 1], [], []>, transpose_lhs_hint = false} : vector<256x4096xf32>, vector<4096x64xf32>, vector<256x64xf32> -> vector<256x64xf32>
    %mul3A_66 = vector.broadcast %div3A_63 : vector<256x1xf32> to vector<256x64xf32>
    %mul3A_67 = arith.mulf %dot_general3A_65, %mul3A_66 : vector<256x64xf32>
    %swap3A_68 = arith.constant 0 : index
    %swap3A_69 = arith.constant 0 : index
    %swap3A_70 = arith.constant 0 : index
    %swap3A_71 = vector.load %arg7[%swap3A_68, %swap3A_69, %swap3A_70] : memref<1x256x64xf32, #tpu.memory_space<vmem>>, vector<1x256x64xf32>
    %swap3A_72 = vector.shape_cast %swap3A_71 : vector<1x256x64xf32> to vector<256x64xf32>
    %swap3A_73 = vector.shape_cast %mul3A_67 : vector<256x64xf32> to vector<1x256x64xf32>
    tpu.vector_store %arg7[%swap3A_68, %swap3A_69, %swap3A_70], %swap3A_73 {strides = array<i32>} : memref<1x256x64xf32, #tpu.memory_space<vmem>>, vector<1x256x64xf32>,
    %broadcast_in_dim3A_74 = arith.constant 1.000000e+00 : f32
    %broadcast_in_dim3A_75 = vector.broadcast %broadcast_in_dim3A_74 : f32 to vector<1x4096xf32>
    %dot_general3A_76 = arith.constant dense<0.000000e+00> : vector<1x256xf32>
    %dot_general3A_77 = tpu.matmul %broadcast_in_dim3A_75, %convert_element_type3A_51, %dot_general3A_76 {dimension_numbers = #tpu.dot_dimension_numbers<[1], [1], [0], [0], [0, 0, 1, 0], [], []>, transpose_lhs_hint = false} : vector<1x4096xf32>, vector<256x4096xf32>, vector<1x256xf32> -> vector<1x256xf32>
    %convert_element_type3A_78 = arith.extf %get3A_16 : vector<256x256xbf16> to vector<256x256xf32>
    %dot_general3A_79 = arith.constant dense<0.000000e+00> : vector<1x256xf32>
    %dot_general3A_80 = tpu.matmul %dot_general3A_77, %convert_element_type3A_78, %dot_general3A_79 {dimension_numbers = #tpu.dot_dimension_numbers<[1], [0], [0], [1], [0, 0, 1, 1], [], []>, transpose_lhs_hint = false} : vector<1x256xf32>, vector<256x256xf32>, vector<1x256xf32> -> vector<1x256xf32>
    %dot_general3A_81 = arith.constant dense<0.000000e+00> : vector<256x1xf32>
    %dot_general3A_82 = tpu.matmul %convert_element_type3A_78, %slice3A, %dot_general3A_81 {dimension_numbers = #tpu.dot_dimension_numbers<[0], [0], [1], [1], [0, 1, 1, 1], [], []>, transpose_lhs_hint = false} : vector<256x256xf32>, vector<256x1xf32>, vector<256x1xf32> -> vector<256x1xf32>
    %swap3A_83 = arith.constant 0 : index
    %swap3A_84 = arith.constant 0 : index
    %swap3A_85 = arith.constant 0 : index
    %swap3A_86 = vector.load %arg9[%swap3A_83, %swap3A_84, %swap3A_85] : memref<1x1x256xf32, #tpu.memory_space<vmem>>, vector<1x1x256xf32>
    %swap3A_87 = vector.shape_cast %swap3A_86 : vector<1x1x256xf32> to vector<1x256xf32>
    %swap3A_88 = vector.shape_cast %dot_general3A_80 : vector<1x256xf32> to vector<1x1x256xf32>
    tpu.vector_store %arg9[%swap3A_83, %swap3A_84, %swap3A_85], %swap3A_88 {strides = array<i32>} : memref<1x1x256xf32, #tpu.memory_space<vmem>>, vector<1x1x256xf32>,
    %broadcast_in_dim3A_89 = arith.constant 0.000000e+00 : f32
    %broadcast_in_dim3A_90 = vector.broadcast %broadcast_in_dim3A_89 : f32 to vector<256x1xf32>
    %slice3A_91 = vector.extract_strided_slice %convert_element_type3A_52 {offsets = [0, 0], sizes = [256, 256], strides = [1, 1]} : vector<256x4096xbf16> to vector<256x256xbf16>
    %dot_general3A_92 = arith.constant dense<0.000000e+00> : vector<256x256xf32>
    %dot_general3A_93 = tpu.matmul %slice3A_91, %get3A_16, %dot_general3A_92 {dimension_numbers = #tpu.dot_dimension_numbers<[1], [0], [0], [1], [0, 0, 1, 1], [], []>, transpose_lhs_hint = false} : vector<256x256xbf16>, vector<256x256xbf16>, vector<256x256xf32> -> vector<256x256xf32>
    %slice3A_94 = vector.extract_strided_slice %convert_element_type3A_51 {offsets = [0, 0], sizes = [256, 256], strides = [1, 1]} : vector<256x4096xf32> to vector<256x256xf32>
    %add3A_95 = vector.broadcast %broadcast_in_dim3A_90 : vector<256x1xf32> to vector<256x256xf32>
    %add3A_96 = arith.addf %dot_general3A_93, %add3A_95 : vector<256x256xf32>
    %add3A_97 = vector.broadcast %dot_general3A_82 : vector<256x1xf32> to vector<256x256xf32>
    %add3A_98 = arith.addf %add3A_96, %add3A_97 : vector<256x256xf32>
    %mul3A_99 = arith.mulf %add3A_98, %slice3A_94 : vector<256x256xf32>
    %reduce_sum3A_100 = arith.constant dense<0.000000e+00> : vector<256xf32>
    %reduce_sum3A_101 = vector.multi_reduction <add>, %mul3A_99, %reduce_sum3A_100 [0] : vector<256x256xf32> to vector<256xf32>
    %broadcast_in_dim3A_102 = vector.shape_cast %reduce_sum3A_101 : vector<256xf32> to vector<1x256xf32>
    %swap3A_103 = arith.constant 0 : index
    %swap3A_104 = arith.constant 0 : index
    %swap3A_105 = arith.constant 0 : index
    %swap3A_106 = vector.load %arg8[%swap3A_103, %swap3A_104, %swap3A_105] : memref<1x1x4096xf32, #tpu.memory_space<vmem>>, vector<1x1x256xf32>
    %swap3A_107 = vector.shape_cast %swap3A_106 : vector<1x1x256xf32> to vector<1x256xf32>
    %swap3A_108 = vector.shape_cast %broadcast_in_dim3A_102 : vector<1x256xf32> to vector<1x1x256xf32>
    tpu.vector_store %arg8[%swap3A_103, %swap3A_104, %swap3A_105], %swap3A_108 {strides = array<i32>} : memref<1x1x4096xf32, #tpu.memory_space<vmem>>, vector<1x1x256xf32>,
    %reduce_sum3A_109 = arith.constant dense<0.000000e+00> : vector<256xf32>
    %reduce_sum3A_110 = vector.multi_reduction <add>, %slice3A_94, %reduce_sum3A_109 [1] : vector<256x256xf32> to vector<256xf32>
    %broadcast_in_dim3A_111 = vector.shape_cast %reduce_sum3A_110 : vector<256xf32> to vector<256x1xf32>
    %add3A_112 = arith.addf %broadcast_in_dim3A_90, %broadcast_in_dim3A_111 : vector<256x1xf32>
    %slice3A_113 = vector.extract_strided_slice %convert_element_type3A_52 {offsets = [0, 256], sizes = [256, 256], strides = [1, 1]} : vector<256x4096xbf16> to vector<256x256xbf16>
    %dot_general3A_114 = arith.constant dense<0.000000e+00> : vector<256x256xf32>
    %dot_general3A_115 = tpu.matmul %slice3A_113, %get3A_16, %dot_general3A_114 {dimension_numbers = #tpu.dot_dimension_numbers<[1], [0], [0], [1], [0, 0, 1, 1], [], []>, transpose_lhs_hint = false} : vector<256x256xbf16>, vector<256x256xbf16>, vector<256x256xf32> -> vector<256x256xf32>
    %slice3A_116 = vector.extract_strided_slice %convert_element_type3A_51 {offsets = [0, 256], sizes = [256, 256], strides = [1, 1]} : vector<256x4096xf32> to vector<256x256xf32>
    %add3A_117 = vector.broadcast %add3A_112 : vector<256x1xf32> to vector<256x256xf32>
    %add3A_118 = arith.addf %dot_general3A_115, %add3A_117 : vector<256x256xf32>
    %add3A_119 = vector.broadcast %dot_general3A_82 : vector<256x1xf32> to vector<256x256xf32>
    %add3A_120 = arith.addf %add3A_118, %add3A_119 : vector<256x256xf32>
    %mul3A_121 = arith.mulf %add3A_120, %slice3A_116 : vector<256x256xf32>
    %reduce_sum3A_122 = arith.constant dense<0.000000e+00> : vector<256xf32>
    %reduce_sum3A_123 = vector.multi_reduction <add>, %mul3A_121, %reduce_sum3A_122 [0] : vector<256x256xf32> to vector<256xf32>
    %broadcast_in_dim3A_124 = vector.shape_cast %reduce_sum3A_123 : vector<256xf32> to vector<1x256xf32>
    %swap3A_125 = arith.constant 0 : index
    %swap3A_126 = arith.constant 0 : index
    %swap3A_127 = arith.constant 256 : index
    %swap3A_128 = vector.load %arg8[%swap3A_125, %swap3A_126, %swap3A_127] : memref<1x1x4096xf32, #tpu.memory_space<vmem>>, vector<1x1x256xf32>
    %swap3A_129 = vector.shape_cast %swap3A_128 : vector<1x1x256xf32> to vector<1x256xf32>
    %swap3A_130 = vector.shape_cast %broadcast_in_dim3A_124 : vector<1x256xf32> to vector<1x1x256xf32>
    tpu.vector_store %arg8[%swap3A_125, %swap3A_126, %swap3A_127], %swap3A_130 {strides = array<i32>} : memref<1x1x4096xf32, #tpu.memory_space<vmem>>, vector<1x1x256xf32>,
    %reduce_sum3A_131 = arith.constant dense<0.000000e+00> : vector<256xf32>
    %reduce_sum3A_132 = vector.multi_reduction <add>, %slice3A_116, %reduce_sum3A_131 [1] : vector<256x256xf32> to vector<256xf32>
    %broadcast_in_dim3A_133 = vector.shape_cast %reduce_sum3A_132 : vector<256xf32> to vector<256x1xf32>
    %add3A_134 = arith.addf %add3A_112, %broadcast_in_dim3A_133 : vector<256x1xf32>
    %slice3A_135 = vector.extract_strided_slice %convert_element_type3A_52 {offsets = [0, 512], sizes = [256, 256], strides = [1, 1]} : vector<256x4096xbf16> to vector<256x256xbf16>
    %dot_general3A_136 = arith.constant dense<0.000000e+00> : vector<256x256xf32>
    %dot_general3A_137 = tpu.matmul %slice3A_135, %get3A_16, %dot_general3A_136 {dimension_numbers = #tpu.dot_dimension_numbers<[1], [0], [0], [1], [0, 0, 1, 1], [], []>, transpose_lhs_hint = false} : vector<256x256xbf16>, vector<256x256xbf16>, vector<256x256xf32> -> vector<256x256xf32>
    %slice3A_138 = vector.extract_strided_slice %convert_element_type3A_51 {offsets = [0, 512], sizes = [256, 256], strides = [1, 1]} : vector<256x4096xf32> to vector<256x256xf32>
    %add3A_139 = vector.broadcast %add3A_134 : vector<256x1xf32> to vector<256x256xf32>
    %add3A_140 = arith.addf %dot_general3A_137, %add3A_139 : vector<256x256xf32>
    %add3A_141 = vector.broadcast %dot_general3A_82 : vector<256x1xf32> to vector<256x256xf32>
    %add3A_142 = arith.addf %add3A_140, %add3A_141 : vector<256x256xf32>
    %mul3A_143 = arith.mulf %add3A_142, %slice3A_138 : vector<256x256xf32>
    %reduce_sum3A_144 = arith.constant dense<0.000000e+00> : vector<256xf32>
    %reduce_sum3A_145 = vector.multi_reduction <add>, %mul3A_143, %reduce_sum3A_144 [0] : vector<256x256xf32> to vector<256xf32>
    %broadcast_in_dim3A_146 = vector.shape_cast %reduce_sum3A_145 : vector<256xf32> to vector<1x256xf32>
    %swap3A_147 = arith.constant 0 : index
    %swap3A_148 = arith.constant 0 : index
    %swap3A_149 = arith.constant 512 : index
    %swap3A_150 = vector.load %arg8[%swap3A_147, %swap3A_148, %swap3A_149] : memref<1x1x4096xf32, #tpu.memory_space<vmem>>, vector<1x1x256xf32>
    %swap3A_151 = vector.shape_cast %swap3A_150 : vector<1x1x256xf32> to vector<1x256xf32>
    %swap3A_152 = vector.shape_cast %broadcast_in_dim3A_146 : vector<1x256xf32> to vector<1x1x256xf32>
    tpu.vector_store %arg8[%swap3A_147, %swap3A_148, %swap3A_149], %swap3A_152 {strides = array<i32>} : memref<1x1x4096xf32, #tpu.memory_space<vmem>>, vector<1x1x256xf32>,
    %reduce_sum3A_153 = arith.constant dense<0.000000e+00> : vector<256xf32>
    %reduce_sum3A_154 = vector.multi_reduction <add>, %slice3A_138, %reduce_sum3A_153 [1] : vector<256x256xf32> to vector<256xf32>
    %broadcast_in_dim3A_155 = vector.shape_cast %reduce_sum3A_154 : vector<256xf32> to vector<256x1xf32>
    %add3A_156 = arith.addf %add3A_134, %broadcast_in_dim3A_155 : vector<256x1xf32>
    %slice3A_157 = vector.extract_strided_slice %convert_element_type3A_52 {offsets = [0, 768], sizes = [256, 256], strides = [1, 1]} : vector<256x4096xbf16> to vector<256x256xbf16>
    %dot_general3A_158 = arith.constant dense<0.000000e+00> : vector<256x256xf32>
    %dot_general3A_159 = tpu.matmul %slice3A_157, %get3A_16, %dot_general3A_158 {dimension_numbers = #tpu.dot_dimension_numbers<[1], [0], [0], [1], [0, 0, 1, 1], [], []>, transpose_lhs_hint = false} : vector<256x256xbf16>, vector<256x256xbf16>, vector<256x256xf32> -> vector<256x256xf32>
    %slice3A_160 = vector.extract_strided_slice %convert_element_type3A_51 {offsets = [0, 768], sizes = [256, 256], strides = [1, 1]} : vector<256x4096xf32> to vector<256x256xf32>
    %add3A_161 = vector.broadcast %add3A_156 : vector<256x1xf32> to vector<256x256xf32>
    %add3A_162 = arith.addf %dot_general3A_159, %add3A_161 : vector<256x256xf32>
    %add3A_163 = vector.broadcast %dot_general3A_82 : vector<256x1xf32> to vector<256x256xf32>
    %add3A_164 = arith.addf %add3A_162, %add3A_163 : vector<256x256xf32>
    %mul3A_165 = arith.mulf %add3A_164, %slice3A_160 : vector<256x256xf32>
    %reduce_sum3A_166 = arith.constant dense<0.000000e+00> : vector<256xf32>
    %reduce_sum3A_167 = vector.multi_reduction <add>, %mul3A_165, %reduce_sum3A_166 [0] : vector<256x256xf32> to vector<256xf32>
    %broadcast_in_dim3A_168 = vector.shape_cast %reduce_sum3A_167 : vector<256xf32> to vector<1x256xf32>
    %swap3A_169 = arith.constant 0 : index
    %swap3A_170 = arith.constant 0 : index
    %swap3A_171 = arith.constant 768 : index
    %swap3A_172 = vector.load %arg8[%swap3A_169, %swap3A_170, %swap3A_171] : memref<1x1x4096xf32, #tpu.memory_space<vmem>>, vector<1x1x256xf32>
    %swap3A_173 = vector.shape_cast %swap3A_172 : vector<1x1x256xf32> to vector<1x256xf32>
    %swap3A_174 = vector.shape_cast %broadcast_in_dim3A_168 : vector<1x256xf32> to vector<1x1x256xf32>
    tpu.vector_store %arg8[%swap3A_169, %swap3A_170, %swap3A_171], %swap3A_174 {strides = array<i32>} : memref<1x1x4096xf32, #tpu.memory_space<vmem>>, vector<1x1x256xf32>,
    %reduce_sum3A_175 = arith.constant dense<0.000000e+00> : vector<256xf32>
    %reduce_sum3A_176 = vector.multi_reduction <add>, %slice3A_160, %reduce_sum3A_175 [1] : vector<256x256xf32> to vector<256xf32>
    %broadcast_in_dim3A_177 = vector.shape_cast %reduce_sum3A_176 : vector<256xf32> to vector<256x1xf32>
    %add3A_178 = arith.addf %add3A_156, %broadcast_in_dim3A_177 : vector<256x1xf32>
    %slice3A_179 = vector.extract_strided_slice %convert_element_type3A_52 {offsets = [0, 1024], sizes = [256, 256], strides = [1, 1]} : vector<256x4096xbf16> to vector<256x256xbf16>
    %dot_general3A_180 = arith.constant dense<0.000000e+00> : vector<256x256xf32>
    %dot_general3A_181 = tpu.matmul %slice3A_179, %get3A_16, %dot_general3A_180 {dimension_numbers = #tpu.dot_dimension_numbers<[1], [0], [0], [1], [0, 0, 1, 1], [], []>, transpose_lhs_hint = false} : vector<256x256xbf16>, vector<256x256xbf16>, vector<256x256xf32> -> vector<256x256xf32>
    %slice3A_182 = vector.extract_strided_slice %convert_element_type3A_51 {offsets = [0, 1024], sizes = [256, 256], strides = [1, 1]} : vector<256x4096xf32> to vector<256x256xf32>
    %add3A_183 = vector.broadcast %add3A_178 : vector<256x1xf32> to vector<256x256xf32>
    %add3A_184 = arith.addf %dot_general3A_181, %add3A_183 : vector<256x256xf32>
    %add3A_185 = vector.broadcast %dot_general3A_82 : vector<256x1xf32> to vector<256x256xf32>
    %add3A_186 = arith.addf %add3A_184, %add3A_185 : vector<256x256xf32>
    %mul3A_187 = arith.mulf %add3A_186, %slice3A_182 : vector<256x256xf32>
    %reduce_sum3A_188 = arith.constant dense<0.000000e+00> : vector<256xf32>
    %reduce_sum3A_189 = vector.multi_reduction <add>, %mul3A_187, %reduce_sum3A_188 [0] : vector<256x256xf32> to vector<256xf32>
    %broadcast_in_dim3A_190 = vector.shape_cast %reduce_sum3A_189 : vector<256xf32> to vector<1x256xf32>
    %swap3A_191 = arith.constant 0 : index
    %swap3A_192 = arith.constant 0 : index
    %swap3A_193 = arith.constant 1024 : index
    %swap3A_194 = vector.load %arg8[%swap3A_191, %swap3A_192, %swap3A_193] : memref<1x1x4096xf32, #tpu.memory_space<vmem>>, vector<1x1x256xf32>
    %swap3A_195 = vector.shape_cast %swap3A_194 : vector<1x1x256xf32> to vector<1x256xf32>
    %swap3A_196 = vector.shape_cast %broadcast_in_dim3A_190 : vector<1x256xf32> to vector<1x1x256xf32>
    tpu.vector_store %arg8[%swap3A_191, %swap3A_192, %swap3A_193], %swap3A_196 {strides = array<i32>} : memref<1x1x4096xf32, #tpu.memory_space<vmem>>, vector<1x1x256xf32>,
    %reduce_sum3A_197 = arith.constant dense<0.000000e+00> : vector<256xf32>
    %reduce_sum3A_198 = vector.multi_reduction <add>, %slice3A_182, %reduce_sum3A_197 [1] : vector<256x256xf32> to vector<256xf32>
    %broadcast_in_dim3A_199 = vector.shape_cast %reduce_sum3A_198 : vector<256xf32> to vector<256x1xf32>
    %add3A_200 = arith.addf %add3A_178, %broadcast_in_dim3A_199 : vector<256x1xf32>
    %slice3A_201 = vector.extract_strided_slice %convert_element_type3A_52 {offsets = [0, 1280], sizes = [256, 256], strides = [1, 1]} : vector<256x4096xbf16> to vector<256x256xbf16>
    %dot_general3A_202 = arith.constant dense<0.000000e+00> : vector<256x256xf32>
    %dot_general3A_203 = tpu.matmul %slice3A_201, %get3A_16, %dot_general3A_202 {dimension_numbers = #tpu.dot_dimension_numbers<[1], [0], [0], [1], [0, 0, 1, 1], [], []>, transpose_lhs_hint = false} : vector<256x256xbf16>, vector<256x256xbf16>, vector<256x256xf32> -> vector<256x256xf32>
    %slice3A_204 = vector.extract_strided_slice %convert_element_type3A_51 {offsets = [0, 1280], sizes = [256, 256], strides = [1, 1]} : vector<256x4096xf32> to vector<256x256xf32>
    %add3A_205 = vector.broadcast %add3A_200 : vector<256x1xf32> to vector<256x256xf32>
    %add3A_206 = arith.addf %dot_general3A_203, %add3A_205 : vector<256x256xf32>
    %add3A_207 = vector.broadcast %dot_general3A_82 : vector<256x1xf32> to vector<256x256xf32>
    %add3A_208 = arith.addf %add3A_206, %add3A_207 : vector<256x256xf32>
    %mul3A_209 = arith.mulf %add3A_208, %slice3A_204 : vector<256x256xf32>
    %reduce_sum3A_210 = arith.constant dense<0.000000e+00> : vector<256xf32>
    %reduce_sum3A_211 = vector.multi_reduction <add>, %mul3A_209, %reduce_sum3A_210 [0] : vector<256x256xf32> to vector<256xf32>
    %broadcast_in_dim3A_212 = vector.shape_cast %reduce_sum3A_211 : vector<256xf32> to vector<1x256xf32>
    %swap3A_213 = arith.constant 0 : index
    %swap3A_214 = arith.constant 0 : index
    %swap3A_215 = arith.constant 1280 : index
    %swap3A_216 = vector.load %arg8[%swap3A_213, %swap3A_214, %swap3A_215] : memref<1x1x4096xf32, #tpu.memory_space<vmem>>, vector<1x1x256xf32>
    %swap3A_217 = vector.shape_cast %swap3A_216 : vector<1x1x256xf32> to vector<1x256xf32>
    %swap3A_218 = vector.shape_cast %broadcast_in_dim3A_212 : vector<1x256xf32> to vector<1x1x256xf32>
    tpu.vector_store %arg8[%swap3A_213, %swap3A_214, %swap3A_215], %swap3A_218 {strides = array<i32>} : memref<1x1x4096xf32, #tpu.memory_space<vmem>>, vector<1x1x256xf32>,
    %reduce_sum3A_219 = arith.constant dense<0.000000e+00> : vector<256xf32>
    %reduce_sum3A_220 = vector.multi_reduction <add>, %slice3A_204, %reduce_sum3A_219 [1] : vector<256x256xf32> to vector<256xf32>
    %broadcast_in_dim3A_221 = vector.shape_cast %reduce_sum3A_220 : vector<256xf32> to vector<256x1xf32>
    %add3A_222 = arith.addf %add3A_200, %broadcast_in_dim3A_221 : vector<256x1xf32>
    %slice3A_223 = vector.extract_strided_slice %convert_element_type3A_52 {offsets = [0, 1536], sizes = [256, 256], strides = [1, 1]} : vector<256x4096xbf16> to vector<256x256xbf16>
    %dot_general3A_224 = arith.constant dense<0.000000e+00> : vector<256x256xf32>
    %dot_general3A_225 = tpu.matmul %slice3A_223, %get3A_16, %dot_general3A_224 {dimension_numbers = #tpu.dot_dimension_numbers<[1], [0], [0], [1], [0, 0, 1, 1], [], []>, transpose_lhs_hint = false} : vector<256x256xbf16>, vector<256x256xbf16>, vector<256x256xf32> -> vector<256x256xf32>
    %slice3A_226 = vector.extract_strided_slice %convert_element_type3A_51 {offsets = [0, 1536], sizes = [256, 256], strides = [1, 1]} : vector<256x4096xf32> to vector<256x256xf32>
    %add3A_227 = vector.broadcast %add3A_222 : vector<256x1xf32> to vector<256x256xf32>
    %add3A_228 = arith.addf %dot_general3A_225, %add3A_227 : vector<256x256xf32>
    %add3A_229 = vector.broadcast %dot_general3A_82 : vector<256x1xf32> to vector<256x256xf32>
    %add3A_230 = arith.addf %add3A_228, %add3A_229 : vector<256x256xf32>
    %mul3A_231 = arith.mulf %add3A_230, %slice3A_226 : vector<256x256xf32>
    %reduce_sum3A_232 = arith.constant dense<0.000000e+00> : vector<256xf32>
    %reduce_sum3A_233 = vector.multi_reduction <add>, %mul3A_231, %reduce_sum3A_232 [0] : vector<256x256xf32> to vector<256xf32>
    %broadcast_in_dim3A_234 = vector.shape_cast %reduce_sum3A_233 : vector<256xf32> to vector<1x256xf32>
    %swap3A_235 = arith.constant 0 : index
    %swap3A_236 = arith.constant 0 : index
    %swap3A_237 = arith.constant 1536 : index
    %swap3A_238 = vector.load %arg8[%swap3A_235, %swap3A_236, %swap3A_237] : memref<1x1x4096xf32, #tpu.memory_space<vmem>>, vector<1x1x256xf32>
    %swap3A_239 = vector.shape_cast %swap3A_238 : vector<1x1x256xf32> to vector<1x256xf32>
    %swap3A_240 = vector.shape_cast %broadcast_in_dim3A_234 : vector<1x256xf32> to vector<1x1x256xf32>
    tpu.vector_store %arg8[%swap3A_235, %swap3A_236, %swap3A_237], %swap3A_240 {strides = array<i32>} : memref<1x1x4096xf32, #tpu.memory_space<vmem>>, vector<1x1x256xf32>,
    %reduce_sum3A_241 = arith.constant dense<0.000000e+00> : vector<256xf32>
    %reduce_sum3A_242 = vector.multi_reduction <add>, %slice3A_226, %reduce_sum3A_241 [1] : vector<256x256xf32> to vector<256xf32>
    %broadcast_in_dim3A_243 = vector.shape_cast %reduce_sum3A_242 : vector<256xf32> to vector<256x1xf32>
    %add3A_244 = arith.addf %add3A_222, %broadcast_in_dim3A_243 : vector<256x1xf32>
    %slice3A_245 = vector.extract_strided_slice %convert_element_type3A_52 {offsets = [0, 1792], sizes = [256, 256], strides = [1, 1]} : vector<256x4096xbf16> to vector<256x256xbf16>
    %dot_general3A_246 = arith.constant dense<0.000000e+00> : vector<256x256xf32>
    %dot_general3A_247 = tpu.matmul %slice3A_245, %get3A_16, %dot_general3A_246 {dimension_numbers = #tpu.dot_dimension_numbers<[1], [0], [0], [1], [0, 0, 1, 1], [], []>, transpose_lhs_hint = false} : vector<256x256xbf16>, vector<256x256xbf16>, vector<256x256xf32> -> vector<256x256xf32>
    %slice3A_248 = vector.extract_strided_slice %convert_element_type3A_51 {offsets = [0, 1792], sizes = [256, 256], strides = [1, 1]} : vector<256x4096xf32> to vector<256x256xf32>
    %add3A_249 = vector.broadcast %add3A_244 : vector<256x1xf32> to vector<256x256xf32>
    %add3A_250 = arith.addf %dot_general3A_247, %add3A_249 : vector<256x256xf32>
    %add3A_251 = vector.broadcast %dot_general3A_82 : vector<256x1xf32> to vector<256x256xf32>
    %add3A_252 = arith.addf %add3A_250, %add3A_251 : vector<256x256xf32>
    %mul3A_253 = arith.mulf %add3A_252, %slice3A_248 : vector<256x256xf32>
    %reduce_sum3A_254 = arith.constant dense<0.000000e+00> : vector<256xf32>
    %reduce_sum3A_255 = vector.multi_reduction <add>, %mul3A_253, %reduce_sum3A_254 [0] : vector<256x256xf32> to vector<256xf32>
    %broadcast_in_dim3A_256 = vector.shape_cast %reduce_sum3A_255 : vector<256xf32> to vector<1x256xf32>
    %swap3A_257 = arith.constant 0 : index
    %swap3A_258 = arith.constant 0 : index
    %swap3A_259 = arith.constant 1792 : index
    %swap3A_260 = vector.load %arg8[%swap3A_257, %swap3A_258, %swap3A_259] : memref<1x1x4096xf32, #tpu.memory_space<vmem>>, vector<1x1x256xf32>
    %swap3A_261 = vector.shape_cast %swap3A_260 : vector<1x1x256xf32> to vector<1x256xf32>
    %swap3A_262 = vector.shape_cast %broadcast_in_dim3A_256 : vector<1x256xf32> to vector<1x1x256xf32>
    tpu.vector_store %arg8[%swap3A_257, %swap3A_258, %swap3A_259], %swap3A_262 {strides = array<i32>} : memref<1x1x4096xf32, #tpu.memory_space<vmem>>, vector<1x1x256xf32>,
    %reduce_sum3A_263 = arith.constant dense<0.000000e+00> : vector<256xf32>
    %reduce_sum3A_264 = vector.multi_reduction <add>, %slice3A_248, %reduce_sum3A_263 [1] : vector<256x256xf32> to vector<256xf32>
    %broadcast_in_dim3A_265 = vector.shape_cast %reduce_sum3A_264 : vector<256xf32> to vector<256x1xf32>
    %add3A_266 = arith.addf %add3A_244, %broadcast_in_dim3A_265 : vector<256x1xf32>
    %slice3A_267 = vector.extract_strided_slice %convert_element_type3A_52 {offsets = [0, 2048], sizes = [256, 256], strides = [1, 1]} : vector<256x4096xbf16> to vector<256x256xbf16>
    %dot_general3A_268 = arith.constant dense<0.000000e+00> : vector<256x256xf32>
    %dot_general3A_269 = tpu.matmul %slice3A_267, %get3A_16, %dot_general3A_268 {dimension_numbers = #tpu.dot_dimension_numbers<[1], [0], [0], [1], [0, 0, 1, 1], [], []>, transpose_lhs_hint = false} : vector<256x256xbf16>, vector<256x256xbf16>, vector<256x256xf32> -> vector<256x256xf32>
    %slice3A_270 = vector.extract_strided_slice %convert_element_type3A_51 {offsets = [0, 2048], sizes = [256, 256], strides = [1, 1]} : vector<256x4096xf32> to vector<256x256xf32>
    %add3A_271 = vector.broadcast %add3A_266 : vector<256x1xf32> to vector<256x256xf32>
    %add3A_272 = arith.addf %dot_general3A_269, %add3A_271 : vector<256x256xf32>
    %add3A_273 = vector.broadcast %dot_general3A_82 : vector<256x1xf32> to vector<256x256xf32>
    %add3A_274 = arith.addf %add3A_272, %add3A_273 : vector<256x256xf32>
    %mul3A_275 = arith.mulf %add3A_274, %slice3A_270 : vector<256x256xf32>
    %reduce_sum3A_276 = arith.constant dense<0.000000e+00> : vector<256xf32>
    %reduce_sum3A_277 = vector.multi_reduction <add>, %mul3A_275, %reduce_sum3A_276 [0] : vector<256x256xf32> to vector<256xf32>
    %broadcast_in_dim3A_278 = vector.shape_cast %reduce_sum3A_277 : vector<256xf32> to vector<1x256xf32>
    %swap3A_279 = arith.constant 0 : index
    %swap3A_280 = arith.constant 0 : index
    %swap3A_281 = arith.constant 2048 : index
    %swap3A_282 = vector.load %arg8[%swap3A_279, %swap3A_280, %swap3A_281] : memref<1x1x4096xf32, #tpu.memory_space<vmem>>, vector<1x1x256xf32>
    %swap3A_283 = vector.shape_cast %swap3A_282 : vector<1x1x256xf32> to vector<1x256xf32>
    %swap3A_284 = vector.shape_cast %broadcast_in_dim3A_278 : vector<1x256xf32> to vector<1x1x256xf32>
    tpu.vector_store %arg8[%swap3A_279, %swap3A_280, %swap3A_281], %swap3A_284 {strides = array<i32>} : memref<1x1x4096xf32, #tpu.memory_space<vmem>>, vector<1x1x256xf32>,
    %reduce_sum3A_285 = arith.constant dense<0.000000e+00> : vector<256xf32>
    %reduce_sum3A_286 = vector.multi_reduction <add>, %slice3A_270, %reduce_sum3A_285 [1] : vector<256x256xf32> to vector<256xf32>
    %broadcast_in_dim3A_287 = vector.shape_cast %reduce_sum3A_286 : vector<256xf32> to vector<256x1xf32>
    %add3A_288 = arith.addf %add3A_266, %broadcast_in_dim3A_287 : vector<256x1xf32>
    %slice3A_289 = vector.extract_strided_slice %convert_element_type3A_52 {offsets = [0, 2304], sizes = [256, 256], strides = [1, 1]} : vector<256x4096xbf16> to vector<256x256xbf16>
    %dot_general3A_290 = arith.constant dense<0.000000e+00> : vector<256x256xf32>
    %dot_general3A_291 = tpu.matmul %slice3A_289, %get3A_16, %dot_general3A_290 {dimension_numbers = #tpu.dot_dimension_numbers<[1], [0], [0], [1], [0, 0, 1, 1], [], []>, transpose_lhs_hint = false} : vector<256x256xbf16>, vector<256x256xbf16>, vector<256x256xf32> -> vector<256x256xf32>
    %slice3A_292 = vector.extract_strided_slice %convert_element_type3A_51 {offsets = [0, 2304], sizes = [256, 256], strides = [1, 1]} : vector<256x4096xf32> to vector<256x256xf32>
    %add3A_293 = vector.broadcast %add3A_288 : vector<256x1xf32> to vector<256x256xf32>
    %add3A_294 = arith.addf %dot_general3A_291, %add3A_293 : vector<256x256xf32>
    %add3A_295 = vector.broadcast %dot_general3A_82 : vector<256x1xf32> to vector<256x256xf32>
    %add3A_296 = arith.addf %add3A_294, %add3A_295 : vector<256x256xf32>
    %mul3A_297 = arith.mulf %add3A_296, %slice3A_292 : vector<256x256xf32>
    %reduce_sum3A_298 = arith.constant dense<0.000000e+00> : vector<256xf32>
    %reduce_sum3A_299 = vector.multi_reduction <add>, %mul3A_297, %reduce_sum3A_298 [0] : vector<256x256xf32> to vector<256xf32>
    %broadcast_in_dim3A_300 = vector.shape_cast %reduce_sum3A_299 : vector<256xf32> to vector<1x256xf32>
    %swap3A_301 = arith.constant 0 : index
    %swap3A_302 = arith.constant 0 : index
    %swap3A_303 = arith.constant 2304 : index
    %swap3A_304 = vector.load %arg8[%swap3A_301, %swap3A_302, %swap3A_303] : memref<1x1x4096xf32, #tpu.memory_space<vmem>>, vector<1x1x256xf32>
    %swap3A_305 = vector.shape_cast %swap3A_304 : vector<1x1x256xf32> to vector<1x256xf32>
    %swap3A_306 = vector.shape_cast %broadcast_in_dim3A_300 : vector<1x256xf32> to vector<1x1x256xf32>
    tpu.vector_store %arg8[%swap3A_301, %swap3A_302, %swap3A_303], %swap3A_306 {strides = array<i32>} : memref<1x1x4096xf32, #tpu.memory_space<vmem>>, vector<1x1x256xf32>,
    %reduce_sum3A_307 = arith.constant dense<0.000000e+00> : vector<256xf32>
    %reduce_sum3A_308 = vector.multi_reduction <add>, %slice3A_292, %reduce_sum3A_307 [1] : vector<256x256xf32> to vector<256xf32>
    %broadcast_in_dim3A_309 = vector.shape_cast %reduce_sum3A_308 : vector<256xf32> to vector<256x1xf32>
    %add3A_310 = arith.addf %add3A_288, %broadcast_in_dim3A_309 : vector<256x1xf32>
    %slice3A_311 = vector.extract_strided_slice %convert_element_type3A_52 {offsets = [0, 2560], sizes = [256, 256], strides = [1, 1]} : vector<256x4096xbf16> to vector<256x256xbf16>
    %dot_general3A_312 = arith.constant dense<0.000000e+00> : vector<256x256xf32>
    %dot_general3A_313 = tpu.matmul %slice3A_311, %get3A_16, %dot_general3A_312 {dimension_numbers = #tpu.dot_dimension_numbers<[1], [0], [0], [1], [0, 0, 1, 1], [], []>, transpose_lhs_hint = false} : vector<256x256xbf16>, vector<256x256xbf16>, vector<256x256xf32> -> vector<256x256xf32>
    %slice3A_314 = vector.extract_strided_slice %convert_element_type3A_51 {offsets = [0, 2560], sizes = [256, 256], strides = [1, 1]} : vector<256x4096xf32> to vector<256x256xf32>
    %add3A_315 = vector.broadcast %add3A_310 : vector<256x1xf32> to vector<256x256xf32>
    %add3A_316 = arith.addf %dot_general3A_313, %add3A_315 : vector<256x256xf32>
    %add3A_317 = vector.broadcast %dot_general3A_82 : vector<256x1xf32> to vector<256x256xf32>
    %add3A_318 = arith.addf %add3A_316, %add3A_317 : vector<256x256xf32>
    %mul3A_319 = arith.mulf %add3A_318, %slice3A_314 : vector<256x256xf32>
    %reduce_sum3A_320 = arith.constant dense<0.000000e+00> : vector<256xf32>
    %reduce_sum3A_321 = vector.multi_reduction <add>, %mul3A_319, %reduce_sum3A_320 [0] : vector<256x256xf32> to vector<256xf32>
    %broadcast_in_dim3A_322 = vector.shape_cast %reduce_sum3A_321 : vector<256xf32> to vector<1x256xf32>
    %swap3A_323 = arith.constant 0 : index
    %swap3A_324 = arith.constant 0 : index
    %swap3A_325 = arith.constant 2560 : index
    %swap3A_326 = vector.load %arg8[%swap3A_323, %swap3A_324, %swap3A_325] : memref<1x1x4096xf32, #tpu.memory_space<vmem>>, vector<1x1x256xf32>
    %swap3A_327 = vector.shape_cast %swap3A_326 : vector<1x1x256xf32> to vector<1x256xf32>
    %swap3A_328 = vector.shape_cast %broadcast_in_dim3A_322 : vector<1x256xf32> to vector<1x1x256xf32>
    tpu.vector_store %arg8[%swap3A_323, %swap3A_324, %swap3A_325], %swap3A_328 {strides = array<i32>} : memref<1x1x4096xf32, #tpu.memory_space<vmem>>, vector<1x1x256xf32>,
    %reduce_sum3A_329 = arith.constant dense<0.000000e+00> : vector<256xf32>
    %reduce_sum3A_330 = vector.multi_reduction <add>, %slice3A_314, %reduce_sum3A_329 [1] : vector<256x256xf32> to vector<256xf32>
    %broadcast_in_dim3A_331 = vector.shape_cast %reduce_sum3A_330 : vector<256xf32> to vector<256x1xf32>
    %add3A_332 = arith.addf %add3A_310, %broadcast_in_dim3A_331 : vector<256x1xf32>
    %slice3A_333 = vector.extract_strided_slice %convert_element_type3A_52 {offsets = [0, 2816], sizes = [256, 256], strides = [1, 1]} : vector<256x4096xbf16> to vector<256x256xbf16>
    %dot_general3A_334 = arith.constant dense<0.000000e+00> : vector<256x256xf32>
    %dot_general3A_335 = tpu.matmul %slice3A_333, %get3A_16, %dot_general3A_334 {dimension_numbers = #tpu.dot_dimension_numbers<[1], [0], [0], [1], [0, 0, 1, 1], [], []>, transpose_lhs_hint = false} : vector<256x256xbf16>, vector<256x256xbf16>, vector<256x256xf32> -> vector<256x256xf32>
    %slice3A_336 = vector.extract_strided_slice %convert_element_type3A_51 {offsets = [0, 2816], sizes = [256, 256], strides = [1, 1]} : vector<256x4096xf32> to vector<256x256xf32>
    %add3A_337 = vector.broadcast %add3A_332 : vector<256x1xf32> to vector<256x256xf32>
    %add3A_338 = arith.addf %dot_general3A_335, %add3A_337 : vector<256x256xf32>
    %add3A_339 = vector.broadcast %dot_general3A_82 : vector<256x1xf32> to vector<256x256xf32>
    %add3A_340 = arith.addf %add3A_338, %add3A_339 : vector<256x256xf32>
    %mul3A_341 = arith.mulf %add3A_340, %slice3A_336 : vector<256x256xf32>
    %reduce_sum3A_342 = arith.constant dense<0.000000e+00> : vector<256xf32>
    %reduce_sum3A_343 = vector.multi_reduction <add>, %mul3A_341, %reduce_sum3A_342 [0] : vector<256x256xf32> to vector<256xf32>
    %broadcast_in_dim3A_344 = vector.shape_cast %reduce_sum3A_343 : vector<256xf32> to vector<1x256xf32>
    %swap3A_345 = arith.constant 0 : index
    %swap3A_346 = arith.constant 0 : index
    %swap3A_347 = arith.constant 2816 : index
    %swap3A_348 = vector.load %arg8[%swap3A_345, %swap3A_346, %swap3A_347] : memref<1x1x4096xf32, #tpu.memory_space<vmem>>, vector<1x1x256xf32>
    %swap3A_349 = vector.shape_cast %swap3A_348 : vector<1x1x256xf32> to vector<1x256xf32>
    %swap3A_350 = vector.shape_cast %broadcast_in_dim3A_344 : vector<1x256xf32> to vector<1x1x256xf32>
    tpu.vector_store %arg8[%swap3A_345, %swap3A_346, %swap3A_347], %swap3A_350 {strides = array<i32>} : memref<1x1x4096xf32, #tpu.memory_space<vmem>>, vector<1x1x256xf32>,
    %reduce_sum3A_351 = arith.constant dense<0.000000e+00> : vector<256xf32>
    %reduce_sum3A_352 = vector.multi_reduction <add>, %slice3A_336, %reduce_sum3A_351 [1] : vector<256x256xf32> to vector<256xf32>
    %broadcast_in_dim3A_353 = vector.shape_cast %reduce_sum3A_352 : vector<256xf32> to vector<256x1xf32>
    %add3A_354 = arith.addf %add3A_332, %broadcast_in_dim3A_353 : vector<256x1xf32>
    %slice3A_355 = vector.extract_strided_slice %convert_element_type3A_52 {offsets = [0, 3072], sizes = [256, 256], strides = [1, 1]} : vector<256x4096xbf16> to vector<256x256xbf16>
    %dot_general3A_356 = arith.constant dense<0.000000e+00> : vector<256x256xf32>
    %dot_general3A_357 = tpu.matmul %slice3A_355, %get3A_16, %dot_general3A_356 {dimension_numbers = #tpu.dot_dimension_numbers<[1], [0], [0], [1], [0, 0, 1, 1], [], []>, transpose_lhs_hint = false} : vector<256x256xbf16>, vector<256x256xbf16>, vector<256x256xf32> -> vector<256x256xf32>
    %slice3A_358 = vector.extract_strided_slice %convert_element_type3A_51 {offsets = [0, 3072], sizes = [256, 256], strides = [1, 1]} : vector<256x4096xf32> to vector<256x256xf32>
    %add3A_359 = vector.broadcast %add3A_354 : vector<256x1xf32> to vector<256x256xf32>
    %add3A_360 = arith.addf %dot_general3A_357, %add3A_359 : vector<256x256xf32>
    %add3A_361 = vector.broadcast %dot_general3A_82 : vector<256x1xf32> to vector<256x256xf32>
    %add3A_362 = arith.addf %add3A_360, %add3A_361 : vector<256x256xf32>
    %mul3A_363 = arith.mulf %add3A_362, %slice3A_358 : vector<256x256xf32>
    %reduce_sum3A_364 = arith.constant dense<0.000000e+00> : vector<256xf32>
    %reduce_sum3A_365 = vector.multi_reduction <add>, %mul3A_363, %reduce_sum3A_364 [0] : vector<256x256xf32> to vector<256xf32>
    %broadcast_in_dim3A_366 = vector.shape_cast %reduce_sum3A_365 : vector<256xf32> to vector<1x256xf32>
    %swap3A_367 = arith.constant 0 : index
    %swap3A_368 = arith.constant 0 : index
    %swap3A_369 = arith.constant 3072 : index
    %swap3A_370 = vector.load %arg8[%swap3A_367, %swap3A_368, %swap3A_369] : memref<1x1x4096xf32, #tpu.memory_space<vmem>>, vector<1x1x256xf32>
    %swap3A_371 = vector.shape_cast %swap3A_370 : vector<1x1x256xf32> to vector<1x256xf32>
    %swap3A_372 = vector.shape_cast %broadcast_in_dim3A_366 : vector<1x256xf32> to vector<1x1x256xf32>
    tpu.vector_store %arg8[%swap3A_367, %swap3A_368, %swap3A_369], %swap3A_372 {strides = array<i32>} : memref<1x1x4096xf32, #tpu.memory_space<vmem>>, vector<1x1x256xf32>,
    %reduce_sum3A_373 = arith.constant dense<0.000000e+00> : vector<256xf32>
    %reduce_sum3A_374 = vector.multi_reduction <add>, %slice3A_358, %reduce_sum3A_373 [1] : vector<256x256xf32> to vector<256xf32>
    %broadcast_in_dim3A_375 = vector.shape_cast %reduce_sum3A_374 : vector<256xf32> to vector<256x1xf32>
    %add3A_376 = arith.addf %add3A_354, %broadcast_in_dim3A_375 : vector<256x1xf32>
    %slice3A_377 = vector.extract_strided_slice %convert_element_type3A_52 {offsets = [0, 3328], sizes = [256, 256], strides = [1, 1]} : vector<256x4096xbf16> to vector<256x256xbf16>
    %dot_general3A_378 = arith.constant dense<0.000000e+00> : vector<256x256xf32>
    %dot_general3A_379 = tpu.matmul %slice3A_377, %get3A_16, %dot_general3A_378 {dimension_numbers = #tpu.dot_dimension_numbers<[1], [0], [0], [1], [0, 0, 1, 1], [], []>, transpose_lhs_hint = false} : vector<256x256xbf16>, vector<256x256xbf16>, vector<256x256xf32> -> vector<256x256xf32>
    %slice3A_380 = vector.extract_strided_slice %convert_element_type3A_51 {offsets = [0, 3328], sizes = [256, 256], strides = [1, 1]} : vector<256x4096xf32> to vector<256x256xf32>
    %add3A_381 = vector.broadcast %add3A_376 : vector<256x1xf32> to vector<256x256xf32>
    %add3A_382 = arith.addf %dot_general3A_379, %add3A_381 : vector<256x256xf32>
    %add3A_383 = vector.broadcast %dot_general3A_82 : vector<256x1xf32> to vector<256x256xf32>
    %add3A_384 = arith.addf %add3A_382, %add3A_383 : vector<256x256xf32>
    %mul3A_385 = arith.mulf %add3A_384, %slice3A_380 : vector<256x256xf32>
    %reduce_sum3A_386 = arith.constant dense<0.000000e+00> : vector<256xf32>
    %reduce_sum3A_387 = vector.multi_reduction <add>, %mul3A_385, %reduce_sum3A_386 [0] : vector<256x256xf32> to vector<256xf32>
    %broadcast_in_dim3A_388 = vector.shape_cast %reduce_sum3A_387 : vector<256xf32> to vector<1x256xf32>
    %swap3A_389 = arith.constant 0 : index
    %swap3A_390 = arith.constant 0 : index
    %swap3A_391 = arith.constant 3328 : index
    %swap3A_392 = vector.load %arg8[%swap3A_389, %swap3A_390, %swap3A_391] : memref<1x1x4096xf32, #tpu.memory_space<vmem>>, vector<1x1x256xf32>
    %swap3A_393 = vector.shape_cast %swap3A_392 : vector<1x1x256xf32> to vector<1x256xf32>
    %swap3A_394 = vector.shape_cast %broadcast_in_dim3A_388 : vector<1x256xf32> to vector<1x1x256xf32>
    tpu.vector_store %arg8[%swap3A_389, %swap3A_390, %swap3A_391], %swap3A_394 {strides = array<i32>} : memref<1x1x4096xf32, #tpu.memory_space<vmem>>, vector<1x1x256xf32>,
    %reduce_sum3A_395 = arith.constant dense<0.000000e+00> : vector<256xf32>
    %reduce_sum3A_396 = vector.multi_reduction <add>, %slice3A_380, %reduce_sum3A_395 [1] : vector<256x256xf32> to vector<256xf32>
    %broadcast_in_dim3A_397 = vector.shape_cast %reduce_sum3A_396 : vector<256xf32> to vector<256x1xf32>
    %add3A_398 = arith.addf %add3A_376, %broadcast_in_dim3A_397 : vector<256x1xf32>
    %slice3A_399 = vector.extract_strided_slice %convert_element_type3A_52 {offsets = [0, 3584], sizes = [256, 256], strides = [1, 1]} : vector<256x4096xbf16> to vector<256x256xbf16>
    %dot_general3A_400 = arith.constant dense<0.000000e+00> : vector<256x256xf32>
    %dot_general3A_401 = tpu.matmul %slice3A_399, %get3A_16, %dot_general3A_400 {dimension_numbers = #tpu.dot_dimension_numbers<[1], [0], [0], [1], [0, 0, 1, 1], [], []>, transpose_lhs_hint = false} : vector<256x256xbf16>, vector<256x256xbf16>, vector<256x256xf32> -> vector<256x256xf32>
    %slice3A_402 = vector.extract_strided_slice %convert_element_type3A_51 {offsets = [0, 3584], sizes = [256, 256], strides = [1, 1]} : vector<256x4096xf32> to vector<256x256xf32>
    %add3A_403 = vector.broadcast %add3A_398 : vector<256x1xf32> to vector<256x256xf32>
    %add3A_404 = arith.addf %dot_general3A_401, %add3A_403 : vector<256x256xf32>
    %add3A_405 = vector.broadcast %dot_general3A_82 : vector<256x1xf32> to vector<256x256xf32>
    %add3A_406 = arith.addf %add3A_404, %add3A_405 : vector<256x256xf32>
    %mul3A_407 = arith.mulf %add3A_406, %slice3A_402 : vector<256x256xf32>
    %reduce_sum3A_408 = arith.constant dense<0.000000e+00> : vector<256xf32>
    %reduce_sum3A_409 = vector.multi_reduction <add>, %mul3A_407, %reduce_sum3A_408 [0] : vector<256x256xf32> to vector<256xf32>
    %broadcast_in_dim3A_410 = vector.shape_cast %reduce_sum3A_409 : vector<256xf32> to vector<1x256xf32>
    %swap3A_411 = arith.constant 0 : index
    %swap3A_412 = arith.constant 0 : index
    %swap3A_413 = arith.constant 3584 : index
    %swap3A_414 = vector.load %arg8[%swap3A_411, %swap3A_412, %swap3A_413] : memref<1x1x4096xf32, #tpu.memory_space<vmem>>, vector<1x1x256xf32>
    %swap3A_415 = vector.shape_cast %swap3A_414 : vector<1x1x256xf32> to vector<1x256xf32>
    %swap3A_416 = vector.shape_cast %broadcast_in_dim3A_410 : vector<1x256xf32> to vector<1x1x256xf32>
    tpu.vector_store %arg8[%swap3A_411, %swap3A_412, %swap3A_413], %swap3A_416 {strides = array<i32>} : memref<1x1x4096xf32, #tpu.memory_space<vmem>>, vector<1x1x256xf32>,
    %reduce_sum3A_417 = arith.constant dense<0.000000e+00> : vector<256xf32>
    %reduce_sum3A_418 = vector.multi_reduction <add>, %slice3A_402, %reduce_sum3A_417 [1] : vector<256x256xf32> to vector<256xf32>
    %broadcast_in_dim3A_419 = vector.shape_cast %reduce_sum3A_418 : vector<256xf32> to vector<256x1xf32>
    %add3A_420 = arith.addf %add3A_398, %broadcast_in_dim3A_419 : vector<256x1xf32>
    %slice3A_421 = vector.extract_strided_slice %convert_element_type3A_52 {offsets = [0, 3840], sizes = [256, 256], strides = [1, 1]} : vector<256x4096xbf16> to vector<256x256xbf16>
    %dot_general3A_422 = arith.constant dense<0.000000e+00> : vector<256x256xf32>
    %dot_general3A_423 = tpu.matmul %slice3A_421, %get3A_16, %dot_general3A_422 {dimension_numbers = #tpu.dot_dimension_numbers<[1], [0], [0], [1], [0, 0, 1, 1], [], []>, transpose_lhs_hint = false} : vector<256x256xbf16>, vector<256x256xbf16>, vector<256x256xf32> -> vector<256x256xf32>
    %slice3A_424 = vector.extract_strided_slice %convert_element_type3A_51 {offsets = [0, 3840], sizes = [256, 256], strides = [1, 1]} : vector<256x4096xf32> to vector<256x256xf32>
    %add3A_425 = vector.broadcast %add3A_420 : vector<256x1xf32> to vector<256x256xf32>
    %add3A_426 = arith.addf %dot_general3A_423, %add3A_425 : vector<256x256xf32>
    %add3A_427 = vector.broadcast %dot_general3A_82 : vector<256x1xf32> to vector<256x256xf32>
    %add3A_428 = arith.addf %add3A_426, %add3A_427 : vector<256x256xf32>
    %mul3A_429 = arith.mulf %add3A_428, %slice3A_424 : vector<256x256xf32>
    %reduce_sum3A_430 = arith.constant dense<0.000000e+00> : vector<256xf32>
    %reduce_sum3A_431 = vector.multi_reduction <add>, %mul3A_429, %reduce_sum3A_430 [0] : vector<256x256xf32> to vector<256xf32>
    %broadcast_in_dim3A_432 = vector.shape_cast %reduce_sum3A_431 : vector<256xf32> to vector<1x256xf32>
    %swap3A_433 = arith.constant 0 : index
    %swap3A_434 = arith.constant 0 : index
    %swap3A_435 = arith.constant 3840 : index
    %swap3A_436 = vector.load %arg8[%swap3A_433, %swap3A_434, %swap3A_435] : memref<1x1x4096xf32, #tpu.memory_space<vmem>>, vector<1x1x256xf32>
    %swap3A_437 = vector.shape_cast %swap3A_436 : vector<1x1x256xf32> to vector<1x256xf32>
    %swap3A_438 = vector.shape_cast %broadcast_in_dim3A_432 : vector<1x256xf32> to vector<1x1x256xf32>
    tpu.vector_store %arg8[%swap3A_433, %swap3A_434, %swap3A_435], %swap3A_438 {strides = array<i32>} : memref<1x1x4096xf32, #tpu.memory_space<vmem>>, vector<1x1x256xf32>,
    return
  }
  func.func @transform_0(%arg0: i32) -> (i32, i32, i32) {
    %c0_i32 = arith.constant 0 : i32
    %c0_i32_0 = arith.constant 0 : i32
    %c0_i32_1 = arith.constant 0 : i32
    return %arg0, %c0_i32, %c0_i32_0 : i32, i32, i32
  }
  func.func @transform_1(%arg0: i32) -> (i32, i32, i32) {
    %c0_i32 = arith.constant 0 : i32
    %c0_i32_0 = arith.constant 0 : i32
    %c0_i32_1 = arith.constant 0 : i32
    return %arg0, %c0_i32, %c0_i32_0 : i32, i32, i32
  }
  func.func @transform_2(%arg0: i32) -> (i32, i32, i32) {
    %c0_i32 = arith.constant 0 : i32
    %c0_i32_0 = arith.constant 0 : i32
    %c0_i32_1 = arith.constant 0 : i32
    return %arg0, %c0_i32, %c0_i32_0 : i32, i32, i32
  }
  func.func @transform_3(%arg0: i32) -> (i32, i32, i32) {
    %c0_i32 = arith.constant 0 : i32
    %c0_i32_0 = arith.constant 0 : i32
    %c0_i32_1 = arith.constant 0 : i32
    return %arg0, %c0_i32, %c0_i32_0 : i32, i32, i32
  }
  func.func @transform_4(%arg0: i32) -> (i32, i32) {
    %c0_i32 = arith.constant 0 : i32
    %c0_i32_0 = arith.constant 0 : i32
    %c0_i32_1 = arith.constant 0 : i32
    return %c0_i32, %c0_i32_0 : i32, i32
  }
  func.func @transform_5(%arg0: i32) -> (i32, i32, i32) {
    %c0_i32 = arith.constant 0 : i32
    %c0_i32_0 = arith.constant 0 : i32
    %c0_i32_1 = arith.constant 0 : i32
    return %arg0, %c0_i32, %c0_i32_0 : i32, i32, i32
  }
  func.func @transform_6(%arg0: i32) -> (i32, i32, i32) {
    %c0_i32 = arith.constant 0 : i32
    %c0_i32_0 = arith.constant 0 : i32
    %c0_i32_1 = arith.constant 0 : i32
    return %arg0, %c0_i32, %c0_i32_0 : i32, i32, i32
  }
  func.func @transform_7(%arg0: i32) -> (i32, i32, i32) {
    %c0_i32 = arith.constant 0 : i32
    %c0_i32_0 = arith.constant 0 : i32
    %c0_i32_1 = arith.constant 0 : i32
    return %arg0, %c0_i32, %c0_i32_0 : i32, i32, i32
  }
  func.func @transform_8(%arg0: i32) -> (i32, i32, i32) {
    %c0_i32 = arith.constant 0 : i32
    %c0_i32_0 = arith.constant 0 : i32
    %c0_i32_1 = arith.constant 0 : i32
    return %arg0, %c0_i32, %c0_i32_0 : i32, i32, i32
  }
}

module attributes {stable_mosaic.version = 14 : i64} {
  func.func @_stage_a2_body(%arg0: i32, %arg1: memref<1x256x64xf32, #tpu.memory_space<vmem>>, %arg2: memref<1x4096x64xf32, #tpu.memory_space<vmem>>, %arg3: memref<1x256x32xi32, #tpu.memory_space<vmem>>) attributes {dimension_semantics = [#tpu.dimension_semantics<parallel>], iteration_bounds = array<i64: 32>, scalar_prefetch = 0 : i64, scratch_operands = 0 : i64, tpu.core_type = #tpu.core_type<tc>, window_params = [{transform_indices = @transform_0, window_bounds = array<i64: 1, 256, 64>}, {transform_indices = @transform_1, window_bounds = array<i64: 1, 4096, 64>}, {transform_indices = @transform_2, window_bounds = array<i64: 1, 256, 32>}]} {
    %get3A = arith.constant 0 : index
    %get3A_0 = arith.constant 0 : index
    %get3A_1 = arith.constant 0 : index
    %get3A_2 = vector.load %arg1[%get3A, %get3A_0, %get3A_1] : memref<1x256x64xf32, #tpu.memory_space<vmem>>, vector<1x256x64xf32>
    %get3A_3 = vector.shape_cast %get3A_2 : vector<1x256x64xf32> to vector<256x64xf32>
    %get3A_4 = arith.constant 0 : index
    %get3A_5 = arith.constant 0 : index
    %get3A_6 = arith.constant 0 : index
    %get3A_7 = vector.load %arg2[%get3A_4, %get3A_5, %get3A_6] : memref<1x4096x64xf32, #tpu.memory_space<vmem>>, vector<1x4096x64xf32>
    %get3A_8 = vector.shape_cast %get3A_7 : vector<1x4096x64xf32> to vector<4096x64xf32>
    %dot_general3A = arith.constant dense<0.000000e+00> : vector<256x4096xf32>
    %dot_general3A_9 = tpu.matmul %get3A_3, %get3A_8, %dot_general3A {dimension_numbers = #tpu.dot_dimension_numbers<[1], [1], [0], [0], [0, 0, 1, 0], [], []>, transpose_lhs_hint = false} : vector<256x64xf32>, vector<4096x64xf32>, vector<256x4096xf32> -> vector<256x4096xf32>
    %iota3A = tpu.iota {dimensions = array<i32: 1>} : vector<256x4096xi32>
    %iota3A_10 = tpu.iota {dimensions = array<i32: 1>} : vector<256x32xi32>
    %broadcast_in_dim3A = arith.constant 0 : i32
    %broadcast_in_dim3A_11 = vector.broadcast %broadcast_in_dim3A : i32 to vector<256x32xi32>
    %scan3A = arith.constant 0 : i32
    %scan3A_12 = arith.constant 32 : i32
    %scan3A_13 = arith.addi %scan3A, %scan3A_12 : i32
    %scan3A_14 = arith.constant 1 : i32
    %scan3A_15:2 = scf.for %scan3A_22 = %scan3A to %scan3A_13 step %scan3A_14 iter_args(%scan3A_23 = %dot_general3A_9, %scan3A_24 = %broadcast_in_dim3A_11) -> (vector<256x4096xf32>, vector<256x32xi32>)  : i32 {
      %reduce_max3A = arith.constant dense<0xFF800000> : vector<256xf32>
      %reduce_max3A_25 = vector.multi_reduction <maximumf>, %scan3A_23, %reduce_max3A [1] : vector<256x4096xf32> to vector<256xf32>
      %broadcast_in_dim3A_26 = vector.shape_cast %reduce_max3A_25 : vector<256xf32> to vector<256x1xf32>
      %eq3A = vector.broadcast %broadcast_in_dim3A_26 : vector<256x1xf32> to vector<256x4096xf32>
      %eq3A_27 = arith.cmpf oeq, %scan3A_23, %eq3A : vector<256x4096xf32>
      %jit3A = arith.constant 4096 : i32
      %broadcast_in_dim3A_28 = vector.broadcast %jit3A : i32 to vector<256x4096xi32>
      %select_n3A = arith.select %eq3A_27, %iota3A, %broadcast_in_dim3A_28 : vector<256x4096xi1>, vector<256x4096xi32>
      %reduce_min3A = arith.constant dense<2147483647> : vector<256xi32>
      %reduce_min3A_29 = vector.multi_reduction <minsi>, %select_n3A, %reduce_min3A [1] : vector<256x4096xi32> to vector<256xi32>
      %broadcast_in_dim3A_30 = vector.shape_cast %reduce_min3A_29 : vector<256xi32> to vector<256x1xi32>
      %eq3A_31 = vector.broadcast %scan3A_22 : i32 to vector<256x32xi32>
      %eq3A_32 = arith.cmpi eq, %iota3A_10, %eq3A_31 : vector<256x32xi32>
      %broadcast_in_dim3A_33 = vector.shape_cast %broadcast_in_dim3A_30 : vector<256x1xi32> to vector<256x1xi32>
      %broadcast_in_dim3A_34 = vector.broadcast %broadcast_in_dim3A_33 : vector<256x1xi32> to vector<256x32xi32>
      %select_n3A_35 = arith.select %eq3A_32, %broadcast_in_dim3A_34, %scan3A_24 : vector<256x32xi1>, vector<256x32xi32>
      %eq3A_36 = vector.broadcast %broadcast_in_dim3A_30 : vector<256x1xi32> to vector<256x4096xi32>
      %eq3A_37 = arith.cmpi eq, %iota3A, %eq3A_36 : vector<256x4096xi32>
      %jit3A_38 = arith.constant 0xFF800000 : f32
      %broadcast_in_dim3A_39 = vector.broadcast %jit3A_38 : f32 to vector<256x4096xf32>
      %select_n3A_40 = arith.select %eq3A_37, %broadcast_in_dim3A_39, %scan3A_23 : vector<256x4096xi1>, vector<256x4096xf32>
      scf.yield %select_n3A_40, %select_n3A_35 : vector<256x4096xf32>, vector<256x32xi32>
    }
    %scan3A_16 = arith.constant 32 : i32
    %swap3A = arith.constant 0 : index
    %swap3A_17 = arith.constant 0 : index
    %swap3A_18 = arith.constant 0 : index
    %swap3A_19 = vector.load %arg3[%swap3A, %swap3A_17, %swap3A_18] : memref<1x256x32xi32, #tpu.memory_space<vmem>>, vector<1x256x32xi32>
    %swap3A_20 = vector.shape_cast %swap3A_19 : vector<1x256x32xi32> to vector<256x32xi32>
    %swap3A_21 = vector.shape_cast %scan3A_15#1 : vector<256x32xi32> to vector<1x256x32xi32>
    tpu.vector_store %arg3[%swap3A, %swap3A_17, %swap3A_18], %swap3A_21 {strides = array<i32>} : memref<1x256x32xi32, #tpu.memory_space<vmem>>, vector<1x256x32xi32>,
    return
  }
  func.func @transform_0(%arg0: i32) -> (i32, i32, i32) {
    %c0_i32 = arith.constant 0 : i32
    %c0_i32_0 = arith.constant 0 : i32
    %c0_i32_1 = arith.constant 0 : i32
    return %arg0, %c0_i32, %c0_i32_0 : i32, i32, i32
  }
  func.func @transform_1(%arg0: i32) -> (i32, i32, i32) {
    %c0_i32 = arith.constant 0 : i32
    %c0_i32_0 = arith.constant 0 : i32
    %c0_i32_1 = arith.constant 0 : i32
    return %arg0, %c0_i32, %c0_i32_0 : i32, i32, i32
  }
  func.func @transform_2(%arg0: i32) -> (i32, i32, i32) {
    %c0_i32 = arith.constant 0 : i32
    %c0_i32_0 = arith.constant 0 : i32
    %c0_i32_1 = arith.constant 0 : i32
    return %arg0, %c0_i32, %c0_i32_0 : i32, i32, i32
  }
}

module attributes {stable_mosaic.version = 14 : i64} {
  func.func @_stage_c_body(%arg0: i32, %arg1: i32, %arg2: memref<1x128x128xf32, #tpu.memory_space<vmem>>, %arg3: memref<1x8192x128xf32, #tpu.memory_space<vmem>>, %arg4: memref<1x16x512xf32, #tpu.memory_space<vmem>>, %arg5: memref<1x1x256xf32, #tpu.memory_space<vmem>>, %arg6: memref<1x128x128xf32, #tpu.memory_space<vmem>>) attributes {dimension_semantics = [#tpu.dimension_semantics<parallel>, #tpu.dimension_semantics<arbitrary>], iteration_bounds = array<i64: 32, 32>, scalar_prefetch = 0 : i64, scratch_operands = 0 : i64, tpu.core_type = #tpu.core_type<tc>, window_params = [{transform_indices = @transform_0, window_bounds = array<i64: 1, 128, 128>}, {transform_indices = @transform_1, window_bounds = array<i64: 1, 8192, 128>}, {transform_indices = @transform_2, window_bounds = array<i64: 1, 16, 512>}, {transform_indices = @transform_3, window_bounds = array<i64: 1, 1, 256>}, {transform_indices = @transform_4, window_bounds = array<i64: 1, 128, 128>}]} {
    %mul3A = arith.constant 128 : i32
    %mul3A_0 = arith.muli %arg1, %mul3A : i32
    %get3A = arith.constant 0 : index
    %get3A_1 = arith.constant 0 : index
    %get3A_2 = arith.constant 0 : index
    %get3A_3 = vector.load %arg5[%get3A, %get3A_1, %get3A_2] : memref<1x1x256xf32, #tpu.memory_space<vmem>>, vector<1x1x256xf32>
    %get3A_4 = vector.shape_cast %get3A_3 : vector<1x1x256xf32> to vector<1x256xf32>
    %convert_element_type3A = arith.sitofp %mul3A_0 : i32 to f32
    %le3A = vector.broadcast %convert_element_type3A : f32 to vector<1x256xf32>
    %le3A_5 = arith.cmpf ole, %get3A_4, %le3A : vector<1x256xf32>
    %convert_element_type3A_6 = arith.extui %le3A_5 : vector<1x256xi1> to vector<1x256xi32>
    %reduce_sum3A = vector.shape_cast %convert_element_type3A_6 : vector<1x256xi32> to vector<1x1x256xi32>
    %reduce_sum3A_7 = arith.constant dense<0> : vector<1xi32>
    %reduce_sum3A_8 = vector.multi_reduction <add>, %reduce_sum3A, %reduce_sum3A_7 [1, 2] : vector<1x1x256xi32> to vector<1xi32>
    %reduce_sum3A_9 = vector.shape_cast %reduce_sum3A_8 : vector<1xi32> to vector<1x1x1xi32>
    %reduce_sum3A_10 = vector.extract %reduce_sum3A_9[0, 0, 0] : i32 from vector<1x1x1xi32>
    %sub3A = arith.constant 1 : i32
    %sub3A_11 = arith.subi %reduce_sum3A_10, %sub3A : i32
    %add3A = arith.constant 128 : i32
    %add3A_12 = arith.addi %mul3A_0, %add3A : i32
    %convert_element_type3A_13 = arith.sitofp %add3A_12 : i32 to f32
    %lt3A = vector.broadcast %convert_element_type3A_13 : f32 to vector<1x256xf32>
    %lt3A_14 = arith.cmpf olt, %get3A_4, %lt3A : vector<1x256xf32>
    %convert_element_type3A_15 = arith.extui %lt3A_14 : vector<1x256xi1> to vector<1x256xi32>
    %reduce_sum3A_16 = vector.shape_cast %convert_element_type3A_15 : vector<1x256xi32> to vector<1x1x256xi32>
    %reduce_sum3A_17 = arith.constant dense<0> : vector<1xi32>
    %reduce_sum3A_18 = vector.multi_reduction <add>, %reduce_sum3A_16, %reduce_sum3A_17 [1, 2] : vector<1x1x256xi32> to vector<1xi32>
    %reduce_sum3A_19 = vector.shape_cast %reduce_sum3A_18 : vector<1xi32> to vector<1x1x1xi32>
    %reduce_sum3A_20 = vector.extract %reduce_sum3A_19[0, 0, 0] : i32 from vector<1x1x1xi32>
    %sub3A_21 = arith.constant 1 : i32
    %sub3A_22 = arith.subi %reduce_sum3A_20, %sub3A_21 : i32
    %get3A_23 = arith.constant 0 : index
    %get3A_24 = arith.constant 0 : index
    %get3A_25 = arith.constant 0 : index
    %get3A_26 = vector.load %arg2[%get3A_23, %get3A_24, %get3A_25] : memref<1x128x128xf32, #tpu.memory_space<vmem>>, vector<1x128x128xf32>
    %get3A_27 = vector.shape_cast %get3A_26 : vector<1x128x128xf32> to vector<128x128xf32>
    %slice3A = vector.extract_strided_slice %get3A_27 {offsets = [0, 0], sizes = [128, 64], strides = [1, 1]} : vector<128x128xf32> to vector<128x64xf32>
    %slice3A_28 = vector.extract_strided_slice %get3A_27 {offsets = [0, 64], sizes = [128, 1], strides = [1, 1]} : vector<128x128xf32> to vector<128x1xf32>
    %slice3A_29 = vector.extract_strided_slice %get3A_27 {offsets = [0, 65], sizes = [128, 1], strides = [1, 1]} : vector<128x128xf32> to vector<128x1xf32>
    %iota3A = tpu.iota {dimensions = array<i32: 1>} : vector<1x512xi32>
    %jit3A = arith.constant 32 : i32
    %div3A = vector.broadcast %jit3A : i32 to vector<1x512xi32>
    %div3A_30 = arith.divsi %iota3A, %div3A : vector<1x512xi32>
    %sign3A = arith.constant 0 : i32
    %sign3A_31 = vector.broadcast %sign3A : i32 to vector<1x512xi32>
    %sign3A_32 = arith.cmpi sgt, %iota3A, %sign3A_31 : vector<1x512xi32>
    %sign3A_33 = arith.extui %sign3A_32 : vector<1x512xi1> to vector<1x512xi32>
    %sign3A_34 = arith.constant 0 : i32
    %sign3A_35 = vector.broadcast %sign3A_34 : i32 to vector<1x512xi32>
    %sign3A_36 = arith.cmpi slt, %iota3A, %sign3A_35 : vector<1x512xi32>
    %sign3A_37 = arith.extui %sign3A_36 : vector<1x512xi1> to vector<1x512xi32>
    %sign3A_38 = arith.subi %sign3A_33, %sign3A_37 : vector<1x512xi32>
    %sign3A_39 = arith.constant 0 : i32
    %sign3A_40 = arith.cmpi sgt, %jit3A, %sign3A_39 : i32
    %sign3A_41 = arith.extui %sign3A_40 : i1 to i32
    %sign3A_42 = arith.constant 0 : i32
    %sign3A_43 = arith.cmpi slt, %jit3A, %sign3A_42 : i32
    %sign3A_44 = arith.extui %sign3A_43 : i1 to i32
    %sign3A_45 = arith.subi %sign3A_41, %sign3A_44 : i32
    %ne3A = vector.broadcast %sign3A_45 : i32 to vector<1x512xi32>
    %ne3A_46 = arith.cmpi ne, %sign3A_38, %ne3A : vector<1x512xi32>
    %rem3A = vector.broadcast %jit3A : i32 to vector<1x512xi32>
    %rem3A_47 = arith.remsi %iota3A, %rem3A : vector<1x512xi32>
    %ne3A_48 = arith.constant 0 : i32
    %ne3A_49 = vector.broadcast %ne3A_48 : i32 to vector<1x512xi32>
    %ne3A_50 = arith.cmpi ne, %rem3A_47, %ne3A_49 : vector<1x512xi32>
    %and3A = arith.andi %ne3A_46, %ne3A_50 : vector<1x512xi1>
    %sub3A_51 = arith.constant 1 : i32
    %sub3A_52 = vector.broadcast %sub3A_51 : i32 to vector<1x512xi32>
    %sub3A_53 = arith.subi %div3A_30, %sub3A_52 : vector<1x512xi32>
    %select_n3A = arith.select %and3A, %sub3A_53, %div3A_30 : vector<1x512xi1>, vector<1x512xi32>
    %convert_element_type3A_54 = arith.sitofp %select_n3A : vector<1x512xi32> to vector<1x512xf32>
    %jit3A_55 = arith.constant 16 : i32
    %div3A_56 = arith.divsi %sub3A_11, %jit3A_55 : i32
    %sign3A_57 = arith.constant 0 : i32
    %sign3A_58 = arith.cmpi sgt, %sub3A_11, %sign3A_57 : i32
    %sign3A_59 = arith.extui %sign3A_58 : i1 to i32
    %sign3A_60 = arith.constant 0 : i32
    %sign3A_61 = arith.cmpi slt, %sub3A_11, %sign3A_60 : i32
    %sign3A_62 = arith.extui %sign3A_61 : i1 to i32
    %sign3A_63 = arith.subi %sign3A_59, %sign3A_62 : i32
    %sign3A_64 = arith.constant 0 : i32
    %sign3A_65 = arith.cmpi sgt, %jit3A_55, %sign3A_64 : i32
    %sign3A_66 = arith.extui %sign3A_65 : i1 to i32
    %sign3A_67 = arith.constant 0 : i32
    %sign3A_68 = arith.cmpi slt, %jit3A_55, %sign3A_67 : i32
    %sign3A_69 = arith.extui %sign3A_68 : i1 to i32
    %sign3A_70 = arith.subi %sign3A_66, %sign3A_69 : i32
    %ne3A_71 = arith.cmpi ne, %sign3A_63, %sign3A_70 : i32
    %rem3A_72 = arith.remsi %sub3A_11, %jit3A_55 : i32
    %ne3A_73 = arith.constant 0 : i32
    %ne3A_74 = arith.cmpi ne, %rem3A_72, %ne3A_73 : i32
    %and3A_75 = arith.andi %ne3A_71, %ne3A_74 : i1
    %sub3A_76 = arith.constant 1 : i32
    %sub3A_77 = arith.subi %div3A_56, %sub3A_76 : i32
    %select_n3A_78 = arith.select %and3A_75, %sub3A_77, %div3A_56 : i32
    %jit3A_79 = arith.constant 16 : i32
    %div3A_80 = arith.divsi %sub3A_22, %jit3A_79 : i32
    %sign3A_81 = arith.constant 0 : i32
    %sign3A_82 = arith.cmpi sgt, %sub3A_22, %sign3A_81 : i32
    %sign3A_83 = arith.extui %sign3A_82 : i1 to i32
    %sign3A_84 = arith.constant 0 : i32
    %sign3A_85 = arith.cmpi slt, %sub3A_22, %sign3A_84 : i32
    %sign3A_86 = arith.extui %sign3A_85 : i1 to i32
    %sign3A_87 = arith.subi %sign3A_83, %sign3A_86 : i32
    %sign3A_88 = arith.constant 0 : i32
    %sign3A_89 = arith.cmpi sgt, %jit3A_79, %sign3A_88 : i32
    %sign3A_90 = arith.extui %sign3A_89 : i1 to i32
    %sign3A_91 = arith.constant 0 : i32
    %sign3A_92 = arith.cmpi slt, %jit3A_79, %sign3A_91 : i32
    %sign3A_93 = arith.extui %sign3A_92 : i1 to i32
    %sign3A_94 = arith.subi %sign3A_90, %sign3A_93 : i32
    %ne3A_95 = arith.cmpi ne, %sign3A_87, %sign3A_94 : i32
    %rem3A_96 = arith.remsi %sub3A_22, %jit3A_79 : i32
    %ne3A_97 = arith.constant 0 : i32
    %ne3A_98 = arith.cmpi ne, %rem3A_96, %ne3A_97 : i32
    %and3A_99 = arith.andi %ne3A_95, %ne3A_98 : i1
    %sub3A_100 = arith.constant 1 : i32
    %sub3A_101 = arith.subi %div3A_80, %sub3A_100 : i32
    %select_n3A_102 = arith.select %and3A_99, %sub3A_101, %div3A_80 : i32
    %add3A_103 = arith.constant 1 : i32
    %add3A_104 = arith.addi %select_n3A_102, %add3A_103 : i32
    %broadcast_in_dim3A = arith.constant 0.000000e+00 : f32
    %broadcast_in_dim3A_105 = vector.broadcast %broadcast_in_dim3A : f32 to vector<128x64xf32>
    %broadcast_in_dim3A_106 = arith.constant 0.000000e+00 : f32
    %broadcast_in_dim3A_107 = vector.broadcast %broadcast_in_dim3A_106 : f32 to vector<128x1xf32>
    %while3A = arith.subi %add3A_104, %select_n3A_78 : i32
    %while3A_108 = arith.addi %select_n3A_78, %while3A : i32
    %while3A_109 = arith.constant 1 : i32
    %while3A_110 = arith.divsi %while3A, %while3A_109 : i32
    %while3A_111 = arith.muli %while3A_110, %while3A_109 : i32
    %while3A_112 = arith.addi %select_n3A_78, %while3A_111 : i32
    %while3A_113 = arith.constant 1 : i32
    %while3A_114:2 = scf.for %while3A_126 = %select_n3A_78 to %while3A_112 step %while3A_113 iter_args(%while3A_127 = %broadcast_in_dim3A_105, %while3A_128 = %broadcast_in_dim3A_107) -> (vector<128x64xf32>, vector<128x1xf32>)  : i32 {
      %mul3A_129 = arith.constant 16 : i32
      %mul3A_130 = arith.muli %while3A_126, %mul3A_129 : i32
      %mul3A_131 = arith.constant 32 : i32
      %mul3A_132 = arith.muli %mul3A_130, %mul3A_131 : i32
      %get3A_133 = arith.constant 0 : index
      %get3A_134 = arith.index_cast %mul3A_132 : i32 to index
      %get3A_135 = arith.constant 0 : index
      %get3A_136 = vector.load %arg3[%get3A_133, %get3A_134, %get3A_135] : memref<1x8192x128xf32, #tpu.memory_space<vmem>>, vector<1x512x128xf32>
      %get3A_137 = vector.shape_cast %get3A_136 : vector<1x512x128xf32> to vector<512x128xf32>
      %slice3A_138 = vector.extract_strided_slice %get3A_137 {offsets = [0, 0], sizes = [512, 64], strides = [1, 1]} : vector<512x128xf32> to vector<512x64xf32>
      %slice3A_139 = vector.extract_strided_slice %get3A_137 {offsets = [0, 64], sizes = [512, 64], strides = [1, 1]} : vector<512x128xf32> to vector<512x64xf32>
      %get3A_140 = arith.constant 0 : index
      %get3A_141 = arith.index_cast %while3A_126 : i32 to index
      %get3A_142 = arith.constant 0 : index
      %get3A_143 = vector.load %arg4[%get3A_140, %get3A_141, %get3A_142] : memref<1x16x512xf32, #tpu.memory_space<vmem>>, vector<1x1x512xf32>
      %get3A_144 = vector.shape_cast %get3A_143 : vector<1x1x512xf32> to vector<1x512xf32>
      %mul3A_145 = arith.constant 16 : i32
      %mul3A_146 = arith.muli %while3A_126, %mul3A_145 : i32
      %convert_element_type3A_147 = arith.sitofp %mul3A_146 : i32 to f32
      %add3A_148 = vector.broadcast %convert_element_type3A_147 : f32 to vector<1x512xf32>
      %add3A_149 = arith.addf %convert_element_type3A_54, %add3A_148 : vector<1x512xf32>
      %dot_general3A = arith.constant dense<0.000000e+00> : vector<128x512xf32>
      %dot_general3A_150 = tpu.matmul %slice3A, %slice3A_138, %dot_general3A {dimension_numbers = #tpu.dot_dimension_numbers<[1], [1], [0], [0], [0, 0, 1, 0], [], []>, transpose_lhs_hint = false} : vector<128x64xf32>, vector<512x64xf32>, vector<128x512xf32> -> vector<128x512xf32>
      %gt3A = vector.broadcast %get3A_144 : vector<1x512xf32> to vector<128x512xf32>
      %gt3A_151 = vector.broadcast %slice3A_28 : vector<128x1xf32> to vector<128x512xf32>
      %gt3A_152 = arith.cmpf ogt, %gt3A, %gt3A_151 : vector<128x512xf32>
      %jit3A_153 = arith.constant -1.000000e+07 : f32
      %broadcast_in_dim3A_154 = vector.broadcast %jit3A_153 : f32 to vector<128x512xf32>
      %select_n3A_155 = arith.select %gt3A_152, %broadcast_in_dim3A_154, %dot_general3A_150 : vector<128x512xi1>, vector<128x512xf32>
      %eq3A = vector.broadcast %add3A_149 : vector<1x512xf32> to vector<128x512xf32>
      %eq3A_156 = vector.broadcast %slice3A_29 : vector<128x1xf32> to vector<128x512xf32>
      %eq3A_157 = arith.cmpf oeq, %eq3A, %eq3A_156 : vector<128x512xf32>
      %jit3A_158 = arith.constant -1.000000e+30 : f32
      %broadcast_in_dim3A_159 = vector.broadcast %jit3A_158 : f32 to vector<128x512xf32>
      %select_n3A_160 = arith.select %eq3A_157, %select_n3A_155, %broadcast_in_dim3A_159 : vector<128x512xi1>, vector<128x512xf32>
      %reduce_max3A = arith.constant dense<0xFF800000> : vector<128xf32>
      %reduce_max3A_161 = vector.multi_reduction <maximumf>, %select_n3A_160, %reduce_max3A [1] : vector<128x512xf32> to vector<128xf32>
      %broadcast_in_dim3A_162 = vector.shape_cast %reduce_max3A_161 : vector<128xf32> to vector<128x1xf32>
      %max3A = arith.constant -1.000000e+07 : f32
      %max3A_163 = vector.broadcast %max3A : f32 to vector<128x1xf32>
      %max3A_164 = arith.maximumf %broadcast_in_dim3A_162, %max3A_163 : vector<128x1xf32>
      %sub3A_165 = vector.broadcast %max3A_164 : vector<128x1xf32> to vector<128x512xf32>
      %sub3A_166 = arith.subf %select_n3A_160, %sub3A_165 : vector<128x512xf32>
      %mul3A_167 = arith.constant 1.250000e-01 : f32
      %mul3A_168 = vector.broadcast %mul3A_167 : f32 to vector<128x512xf32>
      %mul3A_169 = arith.mulf %sub3A_166, %mul3A_168 : vector<128x512xf32>
      %exp3A = math.exp %mul3A_169 : vector<128x512xf32>
      %dot_general3A_170 = arith.constant dense<0.000000e+00> : vector<128x64xf32>
      %dot_general3A_171 = tpu.matmul %exp3A, %slice3A_139, %dot_general3A_170 {dimension_numbers = #tpu.dot_dimension_numbers<[1], [0], [0], [1], [0, 0, 1, 1], [], []>, transpose_lhs_hint = false} : vector<128x512xf32>, vector<512x64xf32>, vector<128x64xf32> -> vector<128x64xf32>
      %add3A_172 = arith.addf %while3A_127, %dot_general3A_171 : vector<128x64xf32>
      %reduce_sum3A_173 = arith.constant dense<0.000000e+00> : vector<128xf32>
      %reduce_sum3A_174 = vector.multi_reduction <add>, %exp3A, %reduce_sum3A_173 [1] : vector<128x512xf32> to vector<128xf32>
      %broadcast_in_dim3A_175 = vector.shape_cast %reduce_sum3A_174 : vector<128xf32> to vector<128x1xf32>
      %add3A_176 = arith.addf %while3A_128, %broadcast_in_dim3A_175 : vector<128x1xf32>
      scf.yield %add3A_172, %add3A_176 : vector<128x64xf32>, vector<128x1xf32>
    }
    %while3A_115 = arith.constant 1 : i32
    %while3A_116:2 = scf.for %while3A_126 = %while3A_112 to %while3A_108 step %while3A_115 iter_args(%while3A_127 = %while3A_114#0, %while3A_128 = %while3A_114#1) -> (vector<128x64xf32>, vector<128x1xf32>)  : i32 {
      %mul3A_129 = arith.constant 16 : i32
      %mul3A_130 = arith.muli %while3A_126, %mul3A_129 : i32
      %mul3A_131 = arith.constant 32 : i32
      %mul3A_132 = arith.muli %mul3A_130, %mul3A_131 : i32
      %get3A_133 = arith.constant 0 : index
      %get3A_134 = arith.index_cast %mul3A_132 : i32 to index
      %get3A_135 = arith.constant 0 : index
      %get3A_136 = vector.load %arg3[%get3A_133, %get3A_134, %get3A_135] : memref<1x8192x128xf32, #tpu.memory_space<vmem>>, vector<1x512x128xf32>
      %get3A_137 = vector.shape_cast %get3A_136 : vector<1x512x128xf32> to vector<512x128xf32>
      %slice3A_138 = vector.extract_strided_slice %get3A_137 {offsets = [0, 0], sizes = [512, 64], strides = [1, 1]} : vector<512x128xf32> to vector<512x64xf32>
      %slice3A_139 = vector.extract_strided_slice %get3A_137 {offsets = [0, 64], sizes = [512, 64], strides = [1, 1]} : vector<512x128xf32> to vector<512x64xf32>
      %get3A_140 = arith.constant 0 : index
      %get3A_141 = arith.index_cast %while3A_126 : i32 to index
      %get3A_142 = arith.constant 0 : index
      %get3A_143 = vector.load %arg4[%get3A_140, %get3A_141, %get3A_142] : memref<1x16x512xf32, #tpu.memory_space<vmem>>, vector<1x1x512xf32>
      %get3A_144 = vector.shape_cast %get3A_143 : vector<1x1x512xf32> to vector<1x512xf32>
      %mul3A_145 = arith.constant 16 : i32
      %mul3A_146 = arith.muli %while3A_126, %mul3A_145 : i32
      %convert_element_type3A_147 = arith.sitofp %mul3A_146 : i32 to f32
      %add3A_148 = vector.broadcast %convert_element_type3A_147 : f32 to vector<1x512xf32>
      %add3A_149 = arith.addf %convert_element_type3A_54, %add3A_148 : vector<1x512xf32>
      %dot_general3A = arith.constant dense<0.000000e+00> : vector<128x512xf32>
      %dot_general3A_150 = tpu.matmul %slice3A, %slice3A_138, %dot_general3A {dimension_numbers = #tpu.dot_dimension_numbers<[1], [1], [0], [0], [0, 0, 1, 0], [], []>, transpose_lhs_hint = false} : vector<128x64xf32>, vector<512x64xf32>, vector<128x512xf32> -> vector<128x512xf32>
      %gt3A = vector.broadcast %get3A_144 : vector<1x512xf32> to vector<128x512xf32>
      %gt3A_151 = vector.broadcast %slice3A_28 : vector<128x1xf32> to vector<128x512xf32>
      %gt3A_152 = arith.cmpf ogt, %gt3A, %gt3A_151 : vector<128x512xf32>
      %jit3A_153 = arith.constant -1.000000e+07 : f32
      %broadcast_in_dim3A_154 = vector.broadcast %jit3A_153 : f32 to vector<128x512xf32>
      %select_n3A_155 = arith.select %gt3A_152, %broadcast_in_dim3A_154, %dot_general3A_150 : vector<128x512xi1>, vector<128x512xf32>
      %eq3A = vector.broadcast %add3A_149 : vector<1x512xf32> to vector<128x512xf32>
      %eq3A_156 = vector.broadcast %slice3A_29 : vector<128x1xf32> to vector<128x512xf32>
      %eq3A_157 = arith.cmpf oeq, %eq3A, %eq3A_156 : vector<128x512xf32>
      %jit3A_158 = arith.constant -1.000000e+30 : f32
      %broadcast_in_dim3A_159 = vector.broadcast %jit3A_158 : f32 to vector<128x512xf32>
      %select_n3A_160 = arith.select %eq3A_157, %select_n3A_155, %broadcast_in_dim3A_159 : vector<128x512xi1>, vector<128x512xf32>
      %reduce_max3A = arith.constant dense<0xFF800000> : vector<128xf32>
      %reduce_max3A_161 = vector.multi_reduction <maximumf>, %select_n3A_160, %reduce_max3A [1] : vector<128x512xf32> to vector<128xf32>
      %broadcast_in_dim3A_162 = vector.shape_cast %reduce_max3A_161 : vector<128xf32> to vector<128x1xf32>
      %max3A = arith.constant -1.000000e+07 : f32
      %max3A_163 = vector.broadcast %max3A : f32 to vector<128x1xf32>
      %max3A_164 = arith.maximumf %broadcast_in_dim3A_162, %max3A_163 : vector<128x1xf32>
      %sub3A_165 = vector.broadcast %max3A_164 : vector<128x1xf32> to vector<128x512xf32>
      %sub3A_166 = arith.subf %select_n3A_160, %sub3A_165 : vector<128x512xf32>
      %mul3A_167 = arith.constant 1.250000e-01 : f32
      %mul3A_168 = vector.broadcast %mul3A_167 : f32 to vector<128x512xf32>
      %mul3A_169 = arith.mulf %sub3A_166, %mul3A_168 : vector<128x512xf32>
      %exp3A = math.exp %mul3A_169 : vector<128x512xf32>
      %dot_general3A_170 = arith.constant dense<0.000000e+00> : vector<128x64xf32>
      %dot_general3A_171 = tpu.matmul %exp3A, %slice3A_139, %dot_general3A_170 {dimension_numbers = #tpu.dot_dimension_numbers<[1], [0], [0], [1], [0, 0, 1, 1], [], []>, transpose_lhs_hint = false} : vector<128x512xf32>, vector<512x64xf32>, vector<128x64xf32> -> vector<128x64xf32>
      %add3A_172 = arith.addf %while3A_127, %dot_general3A_171 : vector<128x64xf32>
      %reduce_sum3A_173 = arith.constant dense<0.000000e+00> : vector<128xf32>
      %reduce_sum3A_174 = vector.multi_reduction <add>, %exp3A, %reduce_sum3A_173 [1] : vector<128x512xf32> to vector<128xf32>
      %broadcast_in_dim3A_175 = vector.shape_cast %reduce_sum3A_174 : vector<128xf32> to vector<128x1xf32>
      %add3A_176 = arith.addf %while3A_128, %broadcast_in_dim3A_175 : vector<128x1xf32>
      scf.yield %add3A_172, %add3A_176 : vector<128x64xf32>, vector<128x1xf32>
    }
    %div3A_117 = vector.broadcast %while3A_116#1 : vector<128x1xf32> to vector<128x64xf32>
    %div3A_118 = arith.divf %while3A_116#0, %div3A_117 : vector<128x64xf32>
    %broadcast_in_dim3A_119 = arith.constant 0.000000e+00 : f32
    %broadcast_in_dim3A_120 = vector.broadcast %broadcast_in_dim3A_119 : f32 to vector<128x64xf32>
    %concatenate3A = tpu.concatenate %div3A_118, %broadcast_in_dim3A_120 in 1 : vector<128x64xf32>, vector<128x64xf32> -> vector<128x128xf32>
    %swap3A = arith.constant 0 : index
    %swap3A_121 = arith.constant 0 : index
    %swap3A_122 = arith.constant 0 : index
    %swap3A_123 = vector.load %arg6[%swap3A, %swap3A_121, %swap3A_122] : memref<1x128x128xf32, #tpu.memory_space<vmem>>, vector<1x128x128xf32>
    %swap3A_124 = vector.shape_cast %swap3A_123 : vector<1x128x128xf32> to vector<128x128xf32>
    %swap3A_125 = vector.shape_cast %concatenate3A : vector<128x128xf32> to vector<1x128x128xf32>
    tpu.vector_store %arg6[%swap3A, %swap3A_121, %swap3A_122], %swap3A_125 {strides = array<i32>} : memref<1x128x128xf32, #tpu.memory_space<vmem>>, vector<1x128x128xf32>,
    return
  }
  func.func @transform_0(%arg0: i32, %arg1: i32) -> (i32, i32, i32) {
    %c0_i32 = arith.constant 0 : i32
    %c0_i32_0 = arith.constant 0 : i32
    return %arg0, %arg1, %c0_i32 : i32, i32, i32
  }
  func.func @transform_1(%arg0: i32, %arg1: i32) -> (i32, i32, i32) {
    %c0_i32 = arith.constant 0 : i32
    %c0_i32_0 = arith.constant 0 : i32
    %c0_i32_1 = arith.constant 0 : i32
    return %arg0, %c0_i32, %c0_i32_0 : i32, i32, i32
  }
  func.func @transform_2(%arg0: i32, %arg1: i32) -> (i32, i32, i32) {
    %c0_i32 = arith.constant 0 : i32
    %c0_i32_0 = arith.constant 0 : i32
    %c0_i32_1 = arith.constant 0 : i32
    return %arg0, %c0_i32, %c0_i32_0 : i32, i32, i32
  }
  func.func @transform_3(%arg0: i32, %arg1: i32) -> (i32, i32, i32) {
    %c0_i32 = arith.constant 0 : i32
    %c0_i32_0 = arith.constant 0 : i32
    %c0_i32_1 = arith.constant 0 : i32
    return %arg0, %c0_i32, %c0_i32_0 : i32, i32, i32
  }
  func.func @transform_4(%arg0: i32, %arg1: i32) -> (i32, i32, i32) {
    %c0_i32 = arith.constant 0 : i32
    %c0_i32_0 = arith.constant 0 : i32
    return %arg0, %arg1, %c0_i32 : i32, i32, i32
  }
}

</mosaic_0001>

<sc_bundles>
// kernel: kernel.11.cloned.1.call-start
scs
__scs_entry_jumppad:
0x0: {  	(pc) =	sbr.rel $0x88, $3  }
0x1: {  	(tag) =	ssettag $0x0;
	lr =	simm.s32 $0x1  }
0x2: {  	[smem:$0x3F9D] =	sst lr;
	_ =	strace $0xD0000000  }
0x3: {  	_ = 	snop  }
0x4: {  	_ = 	snop  }
0x5: {  	_ = 	snop  }
0x6: {  	_ = 	snop  }
0x7: {  	_ = 	snop  }
__scs_overlays_trampoline_lowered:
0x8: {  	[smem:$0x3FAC] =	sst s0  }
0x9: {  	[smem:$0x3FAD] =	sst s1  }
0xa: {  	[smem:$0x3FAE] =	sst s2  }
0xb: {  	[smem:$0x3FAF] =	sst s3  }
0xc: {  	[smem:$0x3FB0] =	sst s4  }
0xd: {  	[smem:$0x3FB1] =	sst s5  }
0xe: {  	[smem:$0x3FB2] =	sst s6  }
0xf: {  	[smem:$0x3FB3] =	sst s7  }
0x10: {  	[smem:$0x3FB4] =	sst s8  }
0x11: {  	[smem:$0x3FB5] =	sst s9;
	s0 =	simm.s32 @!p0 $0x0  }
0x12: {  	s1 =	sld [smem:$0x3F9B];
	s0 =	simm.s32 @p0 $0x1  }
0x13: {  	[smem:$0x3FB6] =	sst s0;
	s0 =	simm.s32 @!p1 $0x0  }
0x14: {  	s2 =	sld [smem:$0x3F9A];
	s0 =	simm.s32 @p1 $0x1  }
0x15: {  	[smem:$0x3FB7] =	sst s0;
	s0 =	simm.s32 @!p2 $0x0  }
0x16: {  	s3 =	sld [smem:$0x3FDB];
	s0 =	simm.s32 @p2 $0x1  }
0x17: {  	s4 =	simm.s32 $0x1BF5;
	[smem:$0x3FB9] =	sst s0  }
0x18: {  	s0 =	sld [smem:$0x3F9C];
	_ =	swait.ge [sflag:s4], $0x0  }
0x19: {  	s7 =	sld [smem:$0x3F9D]  }
0x1a: {  	s8 =	sadd.s32 $0xFFFFE003, lr  }
0x1b: {  	s9 =	sadd.s32 $0xFFFFFEF7, lr;
	s5 =	simm.s32 $0xFFFFFFFF;
	p2 =	slt.u32 s8, $0xFFFFF086  }
0x1c: {  	p1 =	slt.u32 s9, $0xF7A;
	s5 =	simm.s32 @!p2 $0x0  }
0x1d: {  	s5 =	simm.s32 @p1 $0x1;
	p0 =	seq.s32 s7, s2  }
0x1e: {  	s7 =	smul.u32 @!p0 $0xF7A, s2;
	p2 =	seq.s32 @!p0 s5, $0x0  }
0x1f: {  	s9 =	smul.u32 $0xF7A, s1;
	s8 =	simm.s32 @!p0 $0x1BF5;
	p2 =	por !p2, p0  }
0x20: {  	[sflag:s8] =	ssyncset.s32 @!p0 $0xFFFFF086;
	s6 =	sadd.s32 @!p0 s3, s7;
	s7 =	simm.s32 @!p0 $0x108  }
0x21: {  	s3 =	sadd.s32 s3, s9;
	s6 =	sadd.s32 @!p0 $0x88, s6;
	s7 =	simm.s32 @p2 $0x1082  }
0x22: {  	[simem:s7], [sflag:s8] =	dma.local @!p0 [hbm:s6], $0xF7A  }
0x23: {  	s9 =	sor.u32 $0xD0000000, s2;
	s6 =	simm.s32 $0x108;
	_ =	swait.ge @!p0 [sflag:s8], $0x0  }
0x24: {  	s3 =	sadd.s32 $0x88, s3;
	s6 =	simm.s32 @!p1 $0x1082;
	[sflag:s4] =	ssyncset.s32 $0xFFFFF086  }
0x25: {  	[simem:s6], [sflag:s4] =	dma.local [hbm:s3], $0xF7A  }
0x26: {  	[smem:$0x3F9D] =	sst s1;
	(tag) =	ssettag s2;
	_ =	strace s9  }
0x27: {  	s1 =	sld [smem:$0x3FAD]  }
0x28: {  	s2 =	sld [smem:$0x3FAE]  }
0x29: {  	s4 =	sld [smem:$0x3FB0]  }
0x2a: {  	p0 =	seq.s32 s5, $0x0;
	s5 =	sld [smem:$0x3FB1]  }
0x2b: {  	s6 =	sld [smem:$0x3FB2]  }
0x2c: {  	s7 =	sld [smem:$0x3FB3]  }
0x2d: {  	s3 =	simm.s32 $0x108;
	s8 =	sld [smem:$0x3FB4]  }
0x2e: {  	s3 =	simm.s32 @!p0 $0x1082;
	s9 =	sld [smem:$0x3FB5]  }
0x2f: {  	lr =	sadd.s32 s0, s3;
	s0 =	sld [smem:$0x3FAC]  }
0x30: {  	s3 =	sld [smem:$0x3FAF]  }
0x31: {  	[smem:$0x3FB8] =	sst s10  }
0x32: {  	s10 =	sld [smem:$0x3FB6];
	_ =	sdelay $0x3  }
0x33: {  	p0 =	seq.s32 s10, $0x1;
	s10 =	sld [smem:$0x3FB8];
	_ =	sdelay $0x3  }
0x34: {  	[smem:$0x3FB8] =	sst s10  }
0x35: {  	s10 =	sld [smem:$0x3FB7];
	_ =	sdelay $0x3  }
0x36: {  	p1 =	seq.s32 s10, $0x1;
	s10 =	sld [smem:$0x3FB8];
	_ =	sdelay $0x3  }
0x37: {  	[smem:$0x3FB8] =	sst s10  }
0x38: {  	s10 =	sld [smem:$0x3FB9]  }
0x39: {  	_ = 	snop;
	(pc) =	sbr.ind lr, $3  }
0x3a: {  	_ = 	snop  }
0x3b: {  	_ = 	snop  }
0x3c: {  	p2 =	seq.s32 s10, $0x1;
	s10 =	sld [smem:$0x3FB8]  }
0x3d: {  	_ =	shalt  }
0x3e: {  	_ =	shalt  }
0x3f: {  	_ =	shalt  }
0x40: {  	_ =	shalt  }
0x41: {  	_ =	shalt  }
0x42: {  	_ =	shalt  }
0x43: {  	_ =	shalt  }
0x44: {  	_ =	shalt  }
0x45: {  	_ =	shalt  }
0x46: {  	_ =	shalt  }
0x47: {  	_ =	shalt  }
0x48: {  	_ =	shalt  }
0x49: {  	_ =	shalt  }
0x4a: {  	_ =	shalt  }
0x4b: {  	_ =	shalt  }
0x4c: {  	_ =	shalt  }
0x4d: {  	_ =	shalt  }
0x4e: {  	_ =	shalt  }
0x4f: {  	_ =	shalt  }
0x50: {  	_ =	shalt  }
0x51: {  	_ =	shalt  }
0x52: {  	_ =	shalt  }
0x53: {  	_ =	shalt  }
0x54: {  	_ =	shalt  }
0x55: {  	_ =	shalt  }
0x56: {  	_ =	shalt  }
0x57: {  	_ =	shalt  }
0x58: {  	_ =	shalt  }
0x59: {  	_ =	shalt  }
0x5a: {  	_ =	shalt  }
0x5b: {  	_ =	shalt  }
0x5c: {  	_ =	shalt  }
0x5d: {  	_ =	shalt  }
0x5e: {  	_ =	shalt  }
0x5f: {  	_ =	shalt  }
0x60: {  	_ =	shalt  }
0x61: {  	_ =	shalt  }
0x62: {  	_ =	shalt  }
0x63: {  	_ =	shalt  }
0x64: {  	_ =	shalt  }
0x65: {  	_ =	shalt  }
0x66: {  	_ =	shalt  }
0x67: {  	_ =	shalt  }
0x68: {  	_ =	shalt  }
0x69: {  	_ =	shalt  }
0x6a: {  	_ =	shalt  }
0x6b: {  	_ =	shalt  }
0x6c: {  	_ =	shalt  }
0x6d: {  	_ =	shalt  }
0x6e: {  	_ =	shalt  }
0x6f: {  	_ =	shalt  }
0x70: {  	_ =	shalt  }
0x71: {  	_ =	shalt  }
0x72: {  	_ =	shalt  }
0x73: {  	_ =	shalt  }
0x74: {  	_ =	shalt  }
0x75: {  	_ =	shalt  }
0x76: {  	_ =	shalt  }
0x77: {  	_ =	shalt  }
0x78: {  	_ =	shalt  }
0x79: {  	_ =	shalt  }
0x7a: {  	_ =	shalt  }
0x7b: {  	_ =	shalt  }
0x7c: {  	_ =	shalt  }
0x7d: {  	_ =	shalt  }
0x7e: {  	_ =	shalt  }
0x7f: {  	_ =	shalt  }
0x80: {  	_ =	shalt  }
0x81: {  	_ =	shalt  }
0x82: {  	_ =	shalt  }
0x83: {  	_ =	shalt  }
0x84: {  	_ =	shalt  }
0x85: {  	_ =	shalt  }
0x86: {  	_ =	shalt  }
0x87: {  	_ =	shalt  }
.Lfunc_end0:
.L_simem_size_0:
called_computation.5_lowered:
.L_overlay_start_0:
0x88: {  	s2 =	sld [smem:$0x3FD9]  }
0x89: {  	s3 =	sld [smem:$0x3FFE];
	_ =	sdelay $0x1  }
0x8a: {  	s1 =	srdreg.scid  }
0x8b: {  	s0 =	sand.u32 $0x1, s1  }
0x8c: {  	s17 =	sshll.u32 s0, $0xA;
	s2 =	sadd.s32 s3, s2  }
0x8d: {  	s2 =	sadd.s32 s2, s17  }
0x8e: {  	[smem:$0x3FC4] =	sst s2  }
0x8f: {  	_ = 	snop  }
0x90: {  	(tm) =	ssettm $0x1  }
0x91: {  	s18 =	sld [smem:$0x3FFB];
	_ =	sdelay $0x3  }
0x92: {  	_ =	strace s18  }
0x93: {  	s2 =	sld [smem:$0x3FFC];
	_ =	sdelay $0x3  }
0x94: {  	_ =	strace s2  }
0x95: {  	s2 =	sld [smem:$0x3FFD];
	_ =	sdelay $0x3  }
0x96: {  	_ =	strace s2  }
0x97: {  	_ =	strace $0x8FFFFFFF  }
0x98: {  	s19 =	sld [smem:$0x3FDB];
	_ =	sdelay $0x1  }
0x99: {  	s20 =	simm.s32 $_scs_section_size  }
0x9a: {  	s4 =	simm.s32 $_size__tile_overlayer_lowered;
	s5 =	simm.s32 $_tile_overlayer_lowered  }
0x9b: {  	s6 =	simm.s32 $0x1BFF;
	s21 =	sshll.u32 s5, $0x1;
	s3 =	sadd.s32 s20, s19  }
0x9c: {  	s22 =	simm.s32 $0x0;
	s4 =	sshll.u32 s4, $0x1;
	s5 =	sadd.s32 s21, s3  }
0x9d: {  	[timem:s22], [sflag:s6] =	dma.local [hbm:s5], s4  }
0x9e: {  	_ =	swait.ge [sflag:s6], s4  }
0x9f: {  	s4 =	ssub.s32 $0x0, s4;
	[sflag:s6] =	ssyncset.done $0x0  }
0xa0: {  	[sflag:s6] =	ssyncadd.s32 s4;
	_ =	sdelay $0x1  }
0xa1: {  	s23 =	simm.s32 $0x1B8B  }
0xa2: {  	_ =	swait.ge [sflag:s23], $0x1  }
0xa3: {  	[sflag:s23] =	ssyncset.done $0x0  }
0xa4: {  	[sflag:s23] =	ssyncadd.s32 $0xFFFFFFFF  }
0xa5: {  	s4 =	sld [smem:$0x0]  }
0xa6: {  	s5 =	sand.u32 $0xFFFFFFFE, s1  }
0xa7: {  	p0 =	sne.s32 s1, s5  }
0xa8: {  	s5 =	sshll.u32 @p0 s5, $0xE  }
0xa9: {  	s5 =	sadd.s32 @p0 $0x11B8D, s5;
	s6 =	sshll.u32 @p0 s4, $0x11  }
0xaa: {  	s5 =	sor.u32 @p0 s6, s5  }
0xab: {  	[sflag:s5] =	ssyncadd.remote.s32 @p0 $0x1;
	_ =	sdelay $0x1  }
0xac: {  	s5 =	simm.s32 @p0 $0x1B8D  }
0xad: {  	_ =	swait.eq @p0 [sflag:s5], $0x1  }
0xae: {  	[sflag:s5] =	ssyncadd.s32 @p0 $0xFFFFFFFF  }
0xaf: {  	s6 =	sshll.u32 @!p0 s1, $0xE  }
0xb0: {  	s6 =	sor.u32 @!p0 $0x4000, s6;
	s5 =	simm.s32 @!p0 $0x1B8D  }
0xb1: {  	s4 =	sshll.u32 @!p0 s4, $0x11;
	s6 =	sadd.s32 @!p0 $0x11B8D, s6;
	_ =	swait.eq @!p0 [sflag:s5], $0x1  }
0xb2: {  	s4 =	sor.u32 @!p0 s4, s6;
	[sflag:s5] =	ssyncadd.s32 @!p0 $0xFFFFFFFF  }
0xb3: {  	s25 =	simm.s32 $0x1B8E;
	s24 =	sld [smem:$0x3FFE];
	[sflag:s4] =	ssyncadd.remote.s32 @!p0 $0x1  }
0xb4: {  	s26 =	simm.s32 $execute0_lowered;
	[smem:$0x3FD2] =	sst s25  }
0xb5: {  	s5 =	sshll.u32 s26, $0x1;
	_ =	strace $0x80000052;
	[dreg:$0x1] =	wrdreg $0xFFFFFFFF  }
0xb6: {  	s28 =	simm.s32 $_size_execute0_lowered;
	s3 =	sadd.s32 s3, s5;
	[dreg:$0x0] =	wrdreg $0x0  }
0xb7: {  	s5 =	sshll.u32 s28, $0x1;
	[dreg:$0x2] =	wrdreg s3  }
0xb8: {  	[dreg:$0x3] =	wrdreg s5  }
0xb9: {  	[dreg:$0x4] =	wrdreg $0xC0  }
0xba: {  	_ =	task [dreg:s22], $0x5FFFF  }
0xbb: {  	[dreg:$0x1] =	wrdreg $0xFFFFFFFF  }
0xbc: {  	[dreg:$0x0] =	wrdreg $0x60  }
0xbd: {  	[dreg:$0x2] =	wrdreg s24  }
0xbe: {  	[dreg:$0x3] =	wrdreg $0x9  }
0xbf: {  	_ =	task.clear_ibuf [dreg:s22], $0x4FFFF;
	_ =	strace $0x90000052  }
0xc0: {  	s29 =	simm.s32 $0x9;
	_ =	strace $0x80000054  }
0xc1: {  	_ =	swait.ge [sflag:s29], $0x1  }
0xc2: {  	[sflag:s29] =	ssyncadd.s32 $0xFFFFFFFF  }
0xc3: {  	_ =	strace $0x90000054  }
0xc4: {  	_ =	sfence  }
0xc5: {  	s30 =	sld [smem:$0x0];
	_ =	sdelay $0x2  }
0xc6: {  	s31 =	sshll.u32 s1, $0xD;
	s1 =	sshrl.u32 s1, $0x2  }
0xc7: {  	s4 =	sand.u32 $0x4000, s31;
	s1 =	sadd.s32 s1, s30  }
0xc8: {  	s0 =	sor.u32 s4, s0;
	s1 =	sshll.u32 s1, $0x11  }
0xc9: {  	s0 =	sor.u32 s1, s0  }
0xca: {  	s0 =	sadd.s32 $0x8F2B, s0  }
0xcb: {  	[sflag:s0] =	ssyncadd.remote.s32 $0x1  }
0xcc: {  	_ =	sfence.sel $0xFFFF  }
0xcd: {  	[dreg:$0x0] =	wrdreg $0xFFFFFFFF;
	(pc) =	sbr.abs _section_cstart, $3  }
0xce: {  	[dreg:$0x1] =	wrdreg $0xFFFFFFFF  }
0xcf: {  	_ =	task.clear_ibuf [dreg:s22], $0x2FFFF;
	_ =	strace $0x9FFFFFFF  }
0xd0: {  	(tm) =	ssettm $0x7FFFFFFF  }
0xd1: {  	_ =	shalt  }
tec
execute0_lowered:
.L_overlay_start_1:
0x0: {  	(tag) =	ssettag $0x1  }
0x1: {  	s4 =	rddreg [dreg:$0x0]  }
0x2: {  	s0 =	rddreg [dreg:$0x1];
	s2 =	simm.s32 $0x0;
	s3 =	srdreg.scid  }
0x3: {  	s1 =	stileid.u32;
	s10 =	simm.s32 $0x0;
	[smem:$0x7FF] =	sst s2  }
0x4: {  	s5 =	sand.u32 $0x1, s3;
	s6 =	sshll.u32 s1, $0xE;
	s3 =	sadd.s32 $0x602E00, s4  }
0x5: {  	s8 =	sshll.u32 s1, $0x12;
	_ =	strace $0x80000053;
	s7 =	sshll.u32 s5, $0xD  }
0x6: {  	s31 =	ssub.s32 $0x2, s5;
	s8 =	sadd.s32 s8, s4;
	s5 =	sshll.u32 s5, $0x11  }
0x7: {  	s6 =	sor.u32 s7, s6;
	s9 =	sshrl.u32 s31, $0x1;
	s5 =	sadd.s32 s5, s8  }
0x8: {  	s8 =	simm.s32 $0x80;
	s6 =	sshrl.u32 s6, $0x3;
	s7 =	ssub.s32 s31, s9  }
0x9: {  	s5 =	sadd.s32 $0xEE00, s5;
	s9 =	simm.s32 $0x1;
	s6 =	sadd.s32 s6, s4  }
0xa: {  	s4 =	smax.u32 s7, $0x1;
	s7 =	simm.s32 $0x2;
	s6 =	sadd.s32 $0x6E00, s6  }
.LBB2_1:
0xb: {  	s11 =	sadd.s32 $0x0, s6  }
0xc: {  	[tilespmem:s2], [sflag:$0x2] =	stream.linear.gather [hbm4b:s11+s2], $0x80, $0x38;
	[tilespmem:$0x4080] =	vst v63  }
0xd: {  	_ =	swait.ge [sflag:s7], $0x80  }
0xe: {  	[sflag:s7] =	ssyncset.done $0x0  }
0xf: {  	[sflag:s7] =	ssyncadd.s32 $0xFFFFFF80  }
0x10: {  	[tilespmem:s8], [sflag:$0x1] =	stream.indirect.gather [hbm4b:s3+s8], $0x80, s2, s8, $0xb8;
	[tilespmem:$0x4080] =	vst v63  }
0x11: {  	_ =	swait.ge [sflag:s9], $0x4000  }
0x12: {  	[sflag:s9] =	ssyncset.done $0x0  }
0x13: {  	[sflag:s9] =	ssyncadd.s32 $0xFFFFC000  }
0x14: {  	[hbm4b:s5+s2] =	stream.linear.scatter [tilespmem:s8], [sflag:$0x2], $0x4000, $0x38;
	[tilespmem:$0x4080] =	vst v63  }
0x15: {  	s12 =	simm.s32 $0x10;
	_ =	swait.ge [sflag:s7], $0x4000  }
0x16: {  	s13 =	simm.s32 $0x20;
	s11 =	sadd.s32 $0x800, s5;
	[sflag:s7] =	ssyncset.done $0x0  }
.LBB2_2:
0x17: {  	s14 =	sadd.s32 s12, s6  }
0x18: {  	[sflag:s7] =	ssyncadd.s32 $0xFFFFC000;
	s12 =	smov.u32 s13;
	s15 =	sadd.s32 $0x10, s13  }
0x19: {  	[tilespmem:s2], [sflag:$0x2] =	stream.linear.gather [hbm4b:s14+s2], $0x80, $0x38;
	[tilespmem:$0x4080] =	vst v63  }
0x1a: {  	p0 =	sne.s32 s13, $0x3F0;
	_ =	swait.ge [sflag:s7], $0x80  }
0x1b: {  	[sflag:s7] =	ssyncset.done $0x0  }
0x1c: {  	[sflag:s7] =	ssyncadd.s32 $0xFFFFFF80  }
0x1d: {  	[tilespmem:s8], [sflag:$0x1] =	stream.indirect.gather [hbm4b:s3+s8], $0x80, s2, s8, $0xb8;
	[tilespmem:$0x4080] =	vst v63  }
0x1e: {  	_ =	swait.ge [sflag:s9], $0x4000  }
.Ltmp0:
0x1f: {  	[sflag:s9] =	ssyncset.done $0x0;
	(pc) =	sbr.rel @p0 .LBB2_2-.Ltmp0, $4  }
0x20: {  	[sflag:s9] =	ssyncadd.s32 $0xFFFFC000  }
0x21: {  	[hbm4b:s11+s2] =	stream.linear.scatter [tilespmem:s8], [sflag:$0x2], $0x4000, $0x38;
	[tilespmem:$0x4080] =	vst v63  }
0x22: {  	_ =	swait.ge [sflag:s7], $0x4000  }
0x23: {  	s13 =	smov.u32 s15;
	s11 =	sadd.s32 $0x800, s11;
	[sflag:s7] =	ssyncset.done $0x0  }
0x24: {  	s12 =	sadd.s32 s12, s6;
	[sflag:s7] =	ssyncadd.s32 $0xFFFFC000  }
0x25: {  	[tilespmem:s2], [sflag:$0x2] =	stream.linear.gather [hbm4b:s12+s2], $0x80, $0x38;
	[tilespmem:$0x4080] =	vst v63  }
0x26: {  	_ =	swait.ge [sflag:s7], $0x80  }
0x27: {  	[sflag:s7] =	ssyncset.done $0x0  }
0x28: {  	[sflag:s7] =	ssyncadd.s32 $0xFFFFFF80  }
0x29: {  	[tilespmem:s8], [sflag:$0x1] =	stream.indirect.gather [hbm4b:s3+s8], $0x80, s2, s8, $0xb8;
	[tilespmem:$0x4080] =	vst v63  }
0x2a: {  	s10 =	sadd.s32 $0x1, s10;
	_ =	swait.ge [sflag:s9], $0x4000  }
0x2b: {  	p0 =	sne.s32 s10, s4;
	[sflag:s9] =	ssyncset.done $0x0  }
.Ltmp1:
0x2c: {  	[sflag:s9] =	ssyncadd.s32 $0xFFFFC000;
	(pc) =	sbr.rel @p0 .LBB2_1-.Ltmp1, $4  }
0x2d: {  	[hbm4b:s11+s2] =	stream.linear.scatter [tilespmem:s8], [sflag:$0x2], $0x4000, $0x38;
	[tilespmem:$0x4080] =	vst v63  }
0x2e: {  	_ =	swait.ge [sflag:s7], $0x4000  }
0x2f: {  	[sflag:s7] =	ssyncset.done $0x0  }
0x30: {  	[sflag:s7] =	ssyncadd.s32 $0xFFFFC000  }
0x31: {  	_ =	sfence.sel $0x180000  }
0x32: {  	[bflag:$0x0] =	sbarrier.arrive $0xFFFF  }
0x33: {  	p0 =	sne.s32 s1, $0x0;
	_ =	strace $0x90000053  }
0x34: {  	s0 =	sadd.s32 @!p0 $0x100000, s0;
	[bflag:$0x2] =	sbarrier.arrive $0xFFFF  }
0x35: {  	[sflag:s0] =	ssyncadd.tile.s32 @!p0 $0x1;
	_ =	shalt  }
.Lfunc_end2:
_tile_overlayer_lowered:
.L_overlay_start_2:
0x36: {  	(tag) =	ssettag $0x2  }
0x37: {  	s0 =	rddreg [dreg:$0x0];
	s2 =	stileid.u32  }
0x38: {  	s1 =	rddreg [dreg:$0x1];
	p0 =	sne.s32 s2, $0x0  }
0x39: {  	s3 =	rddreg [dreg:$0x2];
	[bflag:$0x3] =	sbarrier.arrive $0xFFFF;
	s2 =	simm.s32 @!p0 $0x1C02  }
0x3a: {  	[timem:s3], [sflag:s2] =	dma.local @!p0 [hbm:s0], s1  }
0x3b: {  	s0 =	simm.s32 @!p0 $0x2  }
0x3c: {  	_ =	swait.ge @!p0 [sflag:s0], s1  }
0x3d: {  	s1 =	ssub.s32 @!p0 $0x0, s1;
	[sflag:s0] =	ssyncset.done @!p0 $0x0  }
0x3e: {  	[sflag:s0] =	ssyncadd.s32 @!p0 s1  }
0x3f: {  	[bflag:$0x3] =	sbarrier.arrive $0xFFFF  }
0x40: {  	_ =	shalt  }

// kernel: kernel.14.cloned.1.call-start
scs
__scs_entry_jumppad:
0x0: {  	(pc) =	sbr.rel $0x88, $3  }
0x1: {  	(tag) =	ssettag $0x0;
	lr =	simm.s32 $0x1  }
0x2: {  	[smem:$0x3F9D] =	sst lr;
	_ =	strace $0xD0000000  }
0x3: {  	_ = 	snop  }
0x4: {  	_ = 	snop  }
0x5: {  	_ = 	snop  }
0x6: {  	_ = 	snop  }
0x7: {  	_ = 	snop  }
__scs_overlays_trampoline_lowered:
0x8: {  	[smem:$0x3FAC] =	sst s0  }
0x9: {  	[smem:$0x3FAD] =	sst s1  }
0xa: {  	[smem:$0x3FAE] =	sst s2  }
0xb: {  	[smem:$0x3FAF] =	sst s3  }
0xc: {  	[smem:$0x3FB0] =	sst s4  }
0xd: {  	[smem:$0x3FB1] =	sst s5  }
0xe: {  	[smem:$0x3FB2] =	sst s6  }
0xf: {  	[smem:$0x3FB3] =	sst s7  }
0x10: {  	[smem:$0x3FB4] =	sst s8  }
0x11: {  	[smem:$0x3FB5] =	sst s9;
	s0 =	simm.s32 @!p0 $0x0  }
0x12: {  	s1 =	sld [smem:$0x3F9B];
	s0 =	simm.s32 @p0 $0x1  }
0x13: {  	[smem:$0x3FB6] =	sst s0;
	s0 =	simm.s32 @!p1 $0x0  }
0x14: {  	s2 =	sld [smem:$0x3F9A];
	s0 =	simm.s32 @p1 $0x1  }
0x15: {  	[smem:$0x3FB7] =	sst s0;
	s0 =	simm.s32 @!p2 $0x0  }
0x16: {  	s3 =	sld [smem:$0x3FDB];
	s0 =	simm.s32 @p2 $0x1  }
0x17: {  	s4 =	simm.s32 $0x1BF5;
	[smem:$0x3FB9] =	sst s0  }
0x18: {  	s0 =	sld [smem:$0x3F9C];
	_ =	swait.ge [sflag:s4], $0x0  }
0x19: {  	s7 =	sld [smem:$0x3F9D]  }
0x1a: {  	s8 =	sadd.s32 $0xFFFFE003, lr  }
0x1b: {  	s9 =	sadd.s32 $0xFFFFFEF7, lr;
	s5 =	simm.s32 $0xFFFFFFFF;
	p2 =	slt.u32 s8, $0xFFFFF086  }
0x1c: {  	p1 =	slt.u32 s9, $0xF7A;
	s5 =	simm.s32 @!p2 $0x0  }
0x1d: {  	s5 =	simm.s32 @p1 $0x1;
	p0 =	seq.s32 s7, s2  }
0x1e: {  	s7 =	smul.u32 @!p0 $0xF7A, s2;
	p2 =	seq.s32 @!p0 s5, $0x0  }
0x1f: {  	s9 =	smul.u32 $0xF7A, s1;
	s8 =	simm.s32 @!p0 $0x1BF5;
	p2 =	por !p2, p0  }
0x20: {  	[sflag:s8] =	ssyncset.s32 @!p0 $0xFFFFF086;
	s6 =	sadd.s32 @!p0 s3, s7;
	s7 =	simm.s32 @!p0 $0x108  }
0x21: {  	s3 =	sadd.s32 s3, s9;
	s6 =	sadd.s32 @!p0 $0x88, s6;
	s7 =	simm.s32 @p2 $0x1082  }
0x22: {  	[simem:s7], [sflag:s8] =	dma.local @!p0 [hbm:s6], $0xF7A  }
0x23: {  	s9 =	sor.u32 $0xD0000000, s2;
	s6 =	simm.s32 $0x108;
	_ =	swait.ge @!p0 [sflag:s8], $0x0  }
0x24: {  	s3 =	sadd.s32 $0x88, s3;
	s6 =	simm.s32 @!p1 $0x1082;
	[sflag:s4] =	ssyncset.s32 $0xFFFFF086  }
0x25: {  	[simem:s6], [sflag:s4] =	dma.local [hbm:s3], $0xF7A  }
0x26: {  	[smem:$0x3F9D] =	sst s1;
	(tag) =	ssettag s2;
	_ =	strace s9  }
0x27: {  	s1 =	sld [smem:$0x3FAD]  }
0x28: {  	s2 =	sld [smem:$0x3FAE]  }
0x29: {  	s4 =	sld [smem:$0x3FB0]  }
0x2a: {  	p0 =	seq.s32 s5, $0x0;
	s5 =	sld [smem:$0x3FB1]  }
0x2b: {  	s6 =	sld [smem:$0x3FB2]  }
0x2c: {  	s7 =	sld [smem:$0x3FB3]  }
0x2d: {  	s3 =	simm.s32 $0x108;
	s8 =	sld [smem:$0x3FB4]  }
0x2e: {  	s3 =	simm.s32 @!p0 $0x1082;
	s9 =	sld [smem:$0x3FB5]  }
0x2f: {  	lr =	sadd.s32 s0, s3;
	s0 =	sld [smem:$0x3FAC]  }
0x30: {  	s3 =	sld [smem:$0x3FAF]  }
0x31: {  	[smem:$0x3FB8] =	sst s10  }
0x32: {  	s10 =	sld [smem:$0x3FB6];
	_ =	sdelay $0x3  }
0x33: {  	p0 =	seq.s32 s10, $0x1;
	s10 =	sld [smem:$0x3FB8];
	_ =	sdelay $0x3  }
0x34: {  	[smem:$0x3FB8] =	sst s10  }
0x35: {  	s10 =	sld [smem:$0x3FB7];
	_ =	sdelay $0x3  }
0x36: {  	p1 =	seq.s32 s10, $0x1;
	s10 =	sld [smem:$0x3FB8];
	_ =	sdelay $0x3  }
0x37: {  	[smem:$0x3FB8] =	sst s10  }
0x38: {  	s10 =	sld [smem:$0x3FB9]  }
0x39: {  	_ = 	snop;
	(pc) =	sbr.ind lr, $3  }
0x3a: {  	_ = 	snop  }
0x3b: {  	_ = 	snop  }
0x3c: {  	p2 =	seq.s32 s10, $0x1;
	s10 =	sld [smem:$0x3FB8]  }
0x3d: {  	_ =	shalt  }
0x3e: {  	_ =	shalt  }
0x3f: {  	_ =	shalt  }
0x40: {  	_ =	shalt  }
0x41: {  	_ =	shalt  }
0x42: {  	_ =	shalt  }
0x43: {  	_ =	shalt  }
0x44: {  	_ =	shalt  }
0x45: {  	_ =	shalt  }
0x46: {  	_ =	shalt  }
0x47: {  	_ =	shalt  }
0x48: {  	_ =	shalt  }
0x49: {  	_ =	shalt  }
0x4a: {  	_ =	shalt  }
0x4b: {  	_ =	shalt  }
0x4c: {  	_ =	shalt  }
0x4d: {  	_ =	shalt  }
0x4e: {  	_ =	shalt  }
0x4f: {  	_ =	shalt  }
0x50: {  	_ =	shalt  }
0x51: {  	_ =	shalt  }
0x52: {  	_ =	shalt  }
0x53: {  	_ =	shalt  }
0x54: {  	_ =	shalt  }
0x55: {  	_ =	shalt  }
0x56: {  	_ =	shalt  }
0x57: {  	_ =	shalt  }
0x58: {  	_ =	shalt  }
0x59: {  	_ =	shalt  }
0x5a: {  	_ =	shalt  }
0x5b: {  	_ =	shalt  }
0x5c: {  	_ =	shalt  }
0x5d: {  	_ =	shalt  }
0x5e: {  	_ =	shalt  }
0x5f: {  	_ =	shalt  }
0x60: {  	_ =	shalt  }
0x61: {  	_ =	shalt  }
0x62: {  	_ =	shalt  }
0x63: {  	_ =	shalt  }
0x64: {  	_ =	shalt  }
0x65: {  	_ =	shalt  }
0x66: {  	_ =	shalt  }
0x67: {  	_ =	shalt  }
0x68: {  	_ =	shalt  }
0x69: {  	_ =	shalt  }
0x6a: {  	_ =	shalt  }
0x6b: {  	_ =	shalt  }
0x6c: {  	_ =	shalt  }
0x6d: {  	_ =	shalt  }
0x6e: {  	_ =	shalt  }
0x6f: {  	_ =	shalt  }
0x70: {  	_ =	shalt  }
0x71: {  	_ =	shalt  }
0x72: {  	_ =	shalt  }
0x73: {  	_ =	shalt  }
0x74: {  	_ =	shalt  }
0x75: {  	_ =	shalt  }
0x76: {  	_ =	shalt  }
0x77: {  	_ =	shalt  }
0x78: {  	_ =	shalt  }
0x79: {  	_ =	shalt  }
0x7a: {  	_ =	shalt  }
0x7b: {  	_ =	shalt  }
0x7c: {  	_ =	shalt  }
0x7d: {  	_ =	shalt  }
0x7e: {  	_ =	shalt  }
0x7f: {  	_ =	shalt  }
0x80: {  	_ =	shalt  }
0x81: {  	_ =	shalt  }
0x82: {  	_ =	shalt  }
0x83: {  	_ =	shalt  }
0x84: {  	_ =	shalt  }
0x85: {  	_ =	shalt  }
0x86: {  	_ =	shalt  }
0x87: {  	_ =	shalt  }
.Lfunc_end0:
.L_simem_size_0:
called_computation.6_lowered:
.L_overlay_start_0:
0x88: {  	s2 =	sld [smem:$0x3FD9]  }
0x89: {  	s3 =	sld [smem:$0x3FFE];
	_ =	sdelay $0x1  }
0x8a: {  	s1 =	srdreg.scid  }
0x8b: {  	s0 =	sand.u32 $0x1, s1  }
0x8c: {  	s16 =	sshll.u32 s0, $0xA;
	s2 =	sadd.s32 s3, s2  }
0x8d: {  	s2 =	sadd.s32 s2, s16  }
0x8e: {  	[smem:$0x3FC4] =	sst s2  }
0x8f: {  	_ = 	snop  }
0x90: {  	(tm) =	ssettm $0x1  }
0x91: {  	s17 =	sld [smem:$0x3FFB];
	_ =	sdelay $0x3  }
0x92: {  	_ =	strace s17  }
0x93: {  	s2 =	sld [smem:$0x3FFC];
	_ =	sdelay $0x3  }
0x94: {  	_ =	strace s2  }
0x95: {  	s2 =	sld [smem:$0x3FFD];
	_ =	sdelay $0x3  }
0x96: {  	_ =	strace s2  }
0x97: {  	_ =	strace $0x8FFFFFFF  }
0x98: {  	s18 =	sld [smem:$0x3FDB];
	_ =	sdelay $0x1  }
0x99: {  	s19 =	simm.s32 $_scs_section_size  }
0x9a: {  	s4 =	simm.s32 $_size__tile_overlayer_lowered;
	s5 =	simm.s32 $_tile_overlayer_lowered  }
0x9b: {  	s22 =	simm.s32 $0x1BFF;
	s21 =	sshll.u32 s5, $0x1;
	s2 =	sadd.s32 s19, s18  }
0x9c: {  	s6 =	simm.s32 $0x0;
	s20 =	sshll.u32 s4, $0x1;
	s4 =	sadd.s32 s21, s2  }
0x9d: {  	[timem:s6], [sflag:s22] =	dma.local [hbm:s4], s20  }
0x9e: {  	_ =	swait.ge [sflag:s22], s20  }
0x9f: {  	s3 =	ssub.s32 $0x0, s20;
	[sflag:s22] =	ssyncset.done $0x0  }
0xa0: {  	[sflag:s22] =	ssyncadd.s32 s3;
	_ =	sdelay $0x1  }
0xa1: {  	s23 =	simm.s32 $0x1B8B  }
0xa2: {  	_ =	swait.ge [sflag:s23], $0x1  }
0xa3: {  	[sflag:s23] =	ssyncset.done $0x0  }
0xa4: {  	s25 =	simm.s32 $0x1B8E;
	s24 =	sld [smem:$0x3FFE];
	[sflag:s23] =	ssyncadd.s32 $0xFFFFFFFF  }
0xa5: {  	s26 =	simm.s32 $execute0_lowered;
	[smem:$0x3FD2] =	sst s25  }
0xa6: {  	s4 =	sshll.u32 s26, $0x1;
	_ =	strace $0x80000055;
	[dreg:$0x1] =	wrdreg $0xFFFFFFFF  }
0xa7: {  	s28 =	simm.s32 $_size_execute0_lowered;
	s2 =	sadd.s32 s2, s4;
	[dreg:$0x0] =	wrdreg $0x0  }
0xa8: {  	s4 =	sshll.u32 s28, $0x1;
	[dreg:$0x2] =	wrdreg s2  }
0xa9: {  	[dreg:$0x3] =	wrdreg s4  }
0xaa: {  	[dreg:$0x4] =	wrdreg $0xC0  }
0xab: {  	_ =	task [dreg:s6], $0x5FFFF  }
0xac: {  	[dreg:$0x1] =	wrdreg $0xFFFFFFFF  }
0xad: {  	[dreg:$0x0] =	wrdreg $0x60  }
0xae: {  	[dreg:$0x2] =	wrdreg s24  }
0xaf: {  	[dreg:$0x3] =	wrdreg $0x9  }
0xb0: {  	_ =	task.clear_ibuf [dreg:s6], $0x4FFFF;
	_ =	strace $0x90000055  }
0xb1: {  	s29 =	simm.s32 $0x9;
	_ =	strace $0x80000057  }
0xb2: {  	_ =	swait.ge [sflag:s29], $0x1  }
0xb3: {  	[sflag:s29] =	ssyncadd.s32 $0xFFFFFFFF  }
0xb4: {  	_ =	strace $0x90000057  }
0xb5: {  	_ =	sfence  }
0xb6: {  	s30 =	sld [smem:$0x0];
	_ =	sdelay $0x2  }
0xb7: {  	s31 =	sshll.u32 s1, $0xD;
	s1 =	sshrl.u32 s1, $0x2  }
0xb8: {  	s3 =	sand.u32 $0x4000, s31;
	s1 =	sadd.s32 s1, s30  }
0xb9: {  	s0 =	sor.u32 s3, s0;
	s1 =	sshll.u32 s1, $0x11  }
0xba: {  	s0 =	sor.u32 s1, s0  }
0xbb: {  	s0 =	sadd.s32 $0x8F2B, s0  }
0xbc: {  	[sflag:s0] =	ssyncadd.remote.s32 $0x1  }
0xbd: {  	_ =	sfence.sel $0xFFFF  }
0xbe: {  	[dreg:$0x0] =	wrdreg $0xFFFFFFFF;
	(pc) =	sbr.abs _section_cstart, $3  }
0xbf: {  	[dreg:$0x1] =	wrdreg $0xFFFFFFFF  }
0xc0: {  	_ =	task.clear_ibuf [dreg:s6], $0x2FFFF;
	_ =	strace $0x9FFFFFFF  }
0xc1: {  	(tm) =	ssettm $0x7FFFFFFF  }
tec
execute0_lowered:
.L_overlay_start_1:
0x0: {  	(tag) =	ssettag $0x1  }
0x1: {  	s4 =	rddreg [dreg:$0x0]  }
0x2: {  	s0 =	rddreg [dreg:$0x1];
	s2 =	simm.s32 $0x0;
	s3 =	srdreg.scid  }
0x3: {  	s1 =	stileid.u32;
	s10 =	simm.s32 $0x0;
	[smem:$0x7FF] =	sst s2  }
0x4: {  	s5 =	sand.u32 $0x1, s3;
	s6 =	sshll.u32 s1, $0xD;
	s3 =	sadd.s32 $0x40EE00, s4  }
0x5: {  	s8 =	sshll.u32 s1, $0x11;
	_ =	strace $0x80000056;
	s7 =	sshll.u32 s5, $0xC  }
0x6: {  	s31 =	ssub.s32 $0x2, s5;
	s8 =	sadd.s32 s8, s4;
	s5 =	sshll.u32 s5, $0x10  }
0x7: {  	s6 =	sor.u32 s7, s6;
	s9 =	sshrl.u32 s31, $0x1;
	s5 =	sadd.s32 s5, s8  }
0x8: {  	s8 =	simm.s32 $0x80;
	s6 =	sshrl.u32 s6, $0x3;
	s7 =	ssub.s32 s31, s9  }
0x9: {  	s5 =	sadd.s32 $0x6E00, s5;
	s9 =	simm.s32 $0x1;
	s6 =	sadd.s32 s6, s4  }
0xa: {  	s4 =	smax.u32 s7, $0x1;
	s7 =	simm.s32 $0x2;
	s6 =	sadd.s32 $0x2E00, s6  }
.LBB2_1:
0xb: {  	s11 =	sadd.s32 $0x0, s6  }
0xc: {  	[tilespmem:s2], [sflag:$0x2] =	stream.linear.gather [hbm4b:s11+s2], $0x80, $0x38;
	[tilespmem:$0x4080] =	vst v63  }
0xd: {  	_ =	swait.ge [sflag:s7], $0x80  }
0xe: {  	[sflag:s7] =	ssyncset.done $0x0  }
0xf: {  	[sflag:s7] =	ssyncadd.s32 $0xFFFFFF80  }
0x10: {  	[tilespmem:s8], [sflag:$0x1] =	stream.indirect.gather [hbm4b:s3+s8], $0x80, s2, s8, $0xb8;
	[tilespmem:$0x4080] =	vst v63  }
0x11: {  	_ =	swait.ge [sflag:s9], $0x4000  }
0x12: {  	[sflag:s9] =	ssyncset.done $0x0  }
0x13: {  	[sflag:s9] =	ssyncadd.s32 $0xFFFFC000  }
0x14: {  	[hbm4b:s5+s2] =	stream.linear.scatter [tilespmem:s8], [sflag:$0x2], $0x4000, $0x38;
	[tilespmem:$0x4080] =	vst v63  }
0x15: {  	s12 =	simm.s32 $0x10;
	_ =	swait.ge [sflag:s7], $0x4000  }
0x16: {  	s13 =	simm.s32 $0x20;
	s11 =	sadd.s32 $0x800, s5;
	[sflag:s7] =	ssyncset.done $0x0  }
.LBB2_2:
0x17: {  	s14 =	sadd.s32 s12, s6  }
0x18: {  	[sflag:s7] =	ssyncadd.s32 $0xFFFFC000;
	s12 =	smov.u32 s13;
	s15 =	sadd.s32 $0x10, s13  }
0x19: {  	[tilespmem:s2], [sflag:$0x2] =	stream.linear.gather [hbm4b:s14+s2], $0x80, $0x38;
	[tilespmem:$0x4080] =	vst v63  }
0x1a: {  	p0 =	sne.s32 s13, $0x1F0;
	_ =	swait.ge [sflag:s7], $0x80  }
0x1b: {  	[sflag:s7] =	ssyncset.done $0x0  }
0x1c: {  	[sflag:s7] =	ssyncadd.s32 $0xFFFFFF80  }
0x1d: {  	[tilespmem:s8], [sflag:$0x1] =	stream.indirect.gather [hbm4b:s3+s8], $0x80, s2, s8, $0xb8;
	[tilespmem:$0x4080] =	vst v63  }
0x1e: {  	_ =	swait.ge [sflag:s9], $0x4000  }
.Ltmp0:
0x1f: {  	[sflag:s9] =	ssyncset.done $0x0;
	(pc) =	sbr.rel @p0 .LBB2_2-.Ltmp0, $4  }
0x20: {  	[sflag:s9] =	ssyncadd.s32 $0xFFFFC000  }
0x21: {  	[hbm4b:s11+s2] =	stream.linear.scatter [tilespmem:s8], [sflag:$0x2], $0x4000, $0x38;
	[tilespmem:$0x4080] =	vst v63  }
0x22: {  	_ =	swait.ge [sflag:s7], $0x4000  }
0x23: {  	s13 =	smov.u32 s15;
	s11 =	sadd.s32 $0x800, s11;
	[sflag:s7] =	ssyncset.done $0x0  }
0x24: {  	s12 =	sadd.s32 s12, s6;
	[sflag:s7] =	ssyncadd.s32 $0xFFFFC000  }
0x25: {  	[tilespmem:s2], [sflag:$0x2] =	stream.linear.gather [hbm4b:s12+s2], $0x80, $0x38;
	[tilespmem:$0x4080] =	vst v63  }
0x26: {  	_ =	swait.ge [sflag:s7], $0x80  }
0x27: {  	[sflag:s7] =	ssyncset.done $0x0  }
0x28: {  	[sflag:s7] =	ssyncadd.s32 $0xFFFFFF80  }
0x29: {  	[tilespmem:s8], [sflag:$0x1] =	stream.indirect.gather [hbm4b:s3+s8], $0x80, s2, s8, $0xb8;
	[tilespmem:$0x4080] =	vst v63  }
0x2a: {  	s10 =	sadd.s32 $0x1, s10;
	_ =	swait.ge [sflag:s9], $0x4000  }
0x2b: {  	p0 =	sne.s32 s10, s4;
	[sflag:s9] =	ssyncset.done $0x0  }
.Ltmp1:
0x2c: {  	[sflag:s9] =	ssyncadd.s32 $0xFFFFC000;
	(pc) =	sbr.rel @p0 .LBB2_1-.Ltmp1, $4  }
0x2d: {  	[hbm4b:s11+s2] =	stream.linear.scatter [tilespmem:s8], [sflag:$0x2], $0x4000, $0x38;
	[tilespmem:$0x4080] =	vst v63  }
0x2e: {  	_ =	swait.ge [sflag:s7], $0x4000  }
0x2f: {  	[sflag:s7] =	ssyncset.done $0x0  }
0x30: {  	[sflag:s7] =	ssyncadd.s32 $0xFFFFC000  }
0x31: {  	_ =	sfence.sel $0x180000  }
0x32: {  	[bflag:$0x0] =	sbarrier.arrive $0xFFFF  }
0x33: {  	p0 =	sne.s32 s1, $0x0;
	_ =	strace $0x90000056  }
0x34: {  	s0 =	sadd.s32 @!p0 $0x100000, s0;
	[bflag:$0x2] =	sbarrier.arrive $0xFFFF  }
0x35: {  	[sflag:s0] =	ssyncadd.tile.s32 @!p0 $0x1;
	_ =	shalt  }
.Lfunc_end2:
_tile_overlayer_lowered:
.L_overlay_start_2:
0x36: {  	(tag) =	ssettag $0x2  }
0x37: {  	s0 =	rddreg [dreg:$0x0];
	s2 =	stileid.u32  }
0x38: {  	s1 =	rddreg [dreg:$0x1];
	p0 =	sne.s32 s2, $0x0  }
0x39: {  	s3 =	rddreg [dreg:$0x2];
	[bflag:$0x3] =	sbarrier.arrive $0xFFFF;
	s2 =	simm.s32 @!p0 $0x1C02  }
0x3a: {  	[timem:s3], [sflag:s2] =	dma.local @!p0 [hbm:s0], s1  }
0x3b: {  	s0 =	simm.s32 @!p0 $0x2  }
0x3c: {  	_ =	swait.ge @!p0 [sflag:s0], s1  }
0x3d: {  	s1 =	ssub.s32 @!p0 $0x0, s1;
	[sflag:s0] =	ssyncset.done @!p0 $0x0  }
0x3e: {  	[sflag:s0] =	ssyncadd.s32 @!p0 s1  }
0x3f: {  	[bflag:$0x3] =	sbarrier.arrive $0xFFFF  }
0x40: {  	_ =	shalt  }

// kernel: kernel.8.cloned.1.call-start
scs
__scs_entry_jumppad:
0x0: {  	(pc) =	sbr.rel $0x88, $3  }
0x1: {  	(tag) =	ssettag $0x0;
	lr =	simm.s32 $0x1  }
0x2: {  	[smem:$0x3F9D] =	sst lr;
	_ =	strace $0xD0000000  }
0x3: {  	_ = 	snop  }
0x4: {  	_ = 	snop  }
0x5: {  	_ = 	snop  }
0x6: {  	_ = 	snop  }
0x7: {  	_ = 	snop  }
__scs_overlays_trampoline_lowered:
0x8: {  	[smem:$0x3FAC] =	sst s0  }
0x9: {  	[smem:$0x3FAD] =	sst s1  }
0xa: {  	[smem:$0x3FAE] =	sst s2  }
0xb: {  	[smem:$0x3FAF] =	sst s3  }
0xc: {  	[smem:$0x3FB0] =	sst s4  }
0xd: {  	[smem:$0x3FB1] =	sst s5  }
0xe: {  	[smem:$0x3FB2] =	sst s6  }
0xf: {  	[smem:$0x3FB3] =	sst s7  }
0x10: {  	[smem:$0x3FB4] =	sst s8  }
0x11: {  	[smem:$0x3FB5] =	sst s9;
	s0 =	simm.s32 @!p0 $0x0  }
0x12: {  	s1 =	sld [smem:$0x3F9B];
	s0 =	simm.s32 @p0 $0x1  }
0x13: {  	[smem:$0x3FB6] =	sst s0;
	s0 =	simm.s32 @!p1 $0x0  }
0x14: {  	s2 =	sld [smem:$0x3F9A];
	s0 =	simm.s32 @p1 $0x1  }
0x15: {  	[smem:$0x3FB7] =	sst s0;
	s0 =	simm.s32 @!p2 $0x0  }
0x16: {  	s3 =	sld [smem:$0x3FDB];
	s0 =	simm.s32 @p2 $0x1  }
0x17: {  	s4 =	simm.s32 $0x1BF5;
	[smem:$0x3FB9] =	sst s0  }
0x18: {  	s0 =	sld [smem:$0x3F9C];
	_ =	swait.ge [sflag:s4], $0x0  }
0x19: {  	s7 =	sld [smem:$0x3F9D]  }
0x1a: {  	s8 =	sadd.s32 $0xFFFFE003, lr  }
0x1b: {  	s9 =	sadd.s32 $0xFFFFFEF7, lr;
	s5 =	simm.s32 $0xFFFFFFFF;
	p2 =	slt.u32 s8, $0xFFFFF086  }
0x1c: {  	p1 =	slt.u32 s9, $0xF7A;
	s5 =	simm.s32 @!p2 $0x0  }
0x1d: {  	s5 =	simm.s32 @p1 $0x1;
	p0 =	seq.s32 s7, s2  }
0x1e: {  	s7 =	smul.u32 @!p0 $0xF7A, s2;
	p2 =	seq.s32 @!p0 s5, $0x0  }
0x1f: {  	s9 =	smul.u32 $0xF7A, s1;
	s8 =	simm.s32 @!p0 $0x1BF5;
	p2 =	por !p2, p0  }
0x20: {  	[sflag:s8] =	ssyncset.s32 @!p0 $0xFFFFF086;
	s6 =	sadd.s32 @!p0 s3, s7;
	s7 =	simm.s32 @!p0 $0x108  }
0x21: {  	s3 =	sadd.s32 s3, s9;
	s6 =	sadd.s32 @!p0 $0x88, s6;
	s7 =	simm.s32 @p2 $0x1082  }
0x22: {  	[simem:s7], [sflag:s8] =	dma.local @!p0 [hbm:s6], $0xF7A  }
0x23: {  	s9 =	sor.u32 $0xD0000000, s2;
	s6 =	simm.s32 $0x108;
	_ =	swait.ge @!p0 [sflag:s8], $0x0  }
0x24: {  	s3 =	sadd.s32 $0x88, s3;
	s6 =	simm.s32 @!p1 $0x1082;
	[sflag:s4] =	ssyncset.s32 $0xFFFFF086  }
0x25: {  	[simem:s6], [sflag:s4] =	dma.local [hbm:s3], $0xF7A  }
0x26: {  	[smem:$0x3F9D] =	sst s1;
	(tag) =	ssettag s2;
	_ =	strace s9  }
0x27: {  	s1 =	sld [smem:$0x3FAD]  }
0x28: {  	s2 =	sld [smem:$0x3FAE]  }
0x29: {  	s4 =	sld [smem:$0x3FB0]  }
0x2a: {  	p0 =	seq.s32 s5, $0x0;
	s5 =	sld [smem:$0x3FB1]  }
0x2b: {  	s6 =	sld [smem:$0x3FB2]  }
0x2c: {  	s7 =	sld [smem:$0x3FB3]  }
0x2d: {  	s3 =	simm.s32 $0x108;
	s8 =	sld [smem:$0x3FB4]  }
0x2e: {  	s3 =	simm.s32 @!p0 $0x1082;
	s9 =	sld [smem:$0x3FB5]  }
0x2f: {  	lr =	sadd.s32 s0, s3;
	s0 =	sld [smem:$0x3FAC]  }
0x30: {  	s3 =	sld [smem:$0x3FAF]  }
0x31: {  	[smem:$0x3FB8] =	sst s10  }
0x32: {  	s10 =	sld [smem:$0x3FB6];
	_ =	sdelay $0x3  }
0x33: {  	p0 =	seq.s32 s10, $0x1;
	s10 =	sld [smem:$0x3FB8];
	_ =	sdelay $0x3  }
0x34: {  	[smem:$0x3FB8] =	sst s10  }
0x35: {  	s10 =	sld [smem:$0x3FB7];
	_ =	sdelay $0x3  }
0x36: {  	p1 =	seq.s32 s10, $0x1;
	s10 =	sld [smem:$0x3FB8];
	_ =	sdelay $0x3  }
0x37: {  	[smem:$0x3FB8] =	sst s10  }
0x38: {  	s10 =	sld [smem:$0x3FB9]  }
0x39: {  	_ = 	snop;
	(pc) =	sbr.ind lr, $3  }
0x3a: {  	_ = 	snop  }
0x3b: {  	_ = 	snop  }
0x3c: {  	p2 =	seq.s32 s10, $0x1;
	s10 =	sld [smem:$0x3FB8]  }
0x3d: {  	_ =	shalt  }
0x3e: {  	_ =	shalt  }
0x3f: {  	_ =	shalt  }
0x40: {  	_ =	shalt  }
0x41: {  	_ =	shalt  }
0x42: {  	_ =	shalt  }
0x43: {  	_ =	shalt  }
0x44: {  	_ =	shalt  }
0x45: {  	_ =	shalt  }
0x46: {  	_ =	shalt  }
0x47: {  	_ =	shalt  }
0x48: {  	_ =	shalt  }
0x49: {  	_ =	shalt  }
0x4a: {  	_ =	shalt  }
0x4b: {  	_ =	shalt  }
0x4c: {  	_ =	shalt  }
0x4d: {  	_ =	shalt  }
0x4e: {  	_ =	shalt  }
0x4f: {  	_ =	shalt  }
0x50: {  	_ =	shalt  }
0x51: {  	_ =	shalt  }
0x52: {  	_ =	shalt  }
0x53: {  	_ =	shalt  }
0x54: {  	_ =	shalt  }
0x55: {  	_ =	shalt  }
0x56: {  	_ =	shalt  }
0x57: {  	_ =	shalt  }
0x58: {  	_ =	shalt  }
0x59: {  	_ =	shalt  }
0x5a: {  	_ =	shalt  }
0x5b: {  	_ =	shalt  }
0x5c: {  	_ =	shalt  }
0x5d: {  	_ =	shalt  }
0x5e: {  	_ =	shalt  }
0x5f: {  	_ =	shalt  }
0x60: {  	_ =	shalt  }
0x61: {  	_ =	shalt  }
0x62: {  	_ =	shalt  }
0x63: {  	_ =	shalt  }
0x64: {  	_ =	shalt  }
0x65: {  	_ =	shalt  }
0x66: {  	_ =	shalt  }
0x67: {  	_ =	shalt  }
0x68: {  	_ =	shalt  }
0x69: {  	_ =	shalt  }
0x6a: {  	_ =	shalt  }
0x6b: {  	_ =	shalt  }
0x6c: {  	_ =	shalt  }
0x6d: {  	_ =	shalt  }
0x6e: {  	_ =	shalt  }
0x6f: {  	_ =	shalt  }
0x70: {  	_ =	shalt  }
0x71: {  	_ =	shalt  }
0x72: {  	_ =	shalt  }
0x73: {  	_ =	shalt  }
0x74: {  	_ =	shalt  }
0x75: {  	_ =	shalt  }
0x76: {  	_ =	shalt  }
0x77: {  	_ =	shalt  }
0x78: {  	_ =	shalt  }
0x79: {  	_ =	shalt  }
0x7a: {  	_ =	shalt  }
0x7b: {  	_ =	shalt  }
0x7c: {  	_ =	shalt  }
0x7d: {  	_ =	shalt  }
0x7e: {  	_ =	shalt  }
0x7f: {  	_ =	shalt  }
0x80: {  	_ =	shalt  }
0x81: {  	_ =	shalt  }
0x82: {  	_ =	shalt  }
0x83: {  	_ =	shalt  }
0x84: {  	_ =	shalt  }
0x85: {  	_ =	shalt  }
0x86: {  	_ =	shalt  }
0x87: {  	_ =	shalt  }
.Lfunc_end0:
.L_simem_size_0:
called_computation.4_lowered:
.L_overlay_start_0:
0x88: {  	s2 =	sld [smem:$0x3FD9]  }
0x89: {  	s3 =	sld [smem:$0x3FFE];
	_ =	sdelay $0x1  }
0x8a: {  	s1 =	srdreg.scid  }
0x8b: {  	s0 =	sand.u32 $0x1, s1  }
0x8c: {  	s17 =	sshll.u32 s0, $0xA;
	s2 =	sadd.s32 s3, s2  }
0x8d: {  	s2 =	sadd.s32 s2, s17  }
0x8e: {  	[smem:$0x3FC4] =	sst s2  }
0x8f: {  	_ = 	snop  }
0x90: {  	(tm) =	ssettm $0x1  }
0x91: {  	s18 =	sld [smem:$0x3FFB];
	_ =	sdelay $0x3  }
0x92: {  	_ =	strace s18  }
0x93: {  	s2 =	sld [smem:$0x3FFC];
	_ =	sdelay $0x3  }
0x94: {  	_ =	strace s2  }
0x95: {  	s2 =	sld [smem:$0x3FFD];
	_ =	sdelay $0x3  }
0x96: {  	_ =	strace s2  }
0x97: {  	_ =	strace $0x8FFFFFFF  }
0x98: {  	s19 =	sld [smem:$0x3FDB];
	_ =	sdelay $0x1  }
0x99: {  	s20 =	simm.s32 $_scs_section_size  }
0x9a: {  	s4 =	simm.s32 $_size__tile_overlayer_lowered;
	s5 =	simm.s32 $_tile_overlayer_lowered  }
0x9b: {  	s6 =	simm.s32 $0x1BFF;
	s21 =	sshll.u32 s5, $0x1;
	s3 =	sadd.s32 s20, s19  }
0x9c: {  	s22 =	simm.s32 $0x0;
	s4 =	sshll.u32 s4, $0x1;
	s5 =	sadd.s32 s21, s3  }
0x9d: {  	[timem:s22], [sflag:s6] =	dma.local [hbm:s5], s4  }
0x9e: {  	_ =	swait.ge [sflag:s6], s4  }
0x9f: {  	s4 =	ssub.s32 $0x0, s4;
	[sflag:s6] =	ssyncset.done $0x0  }
0xa0: {  	[sflag:s6] =	ssyncadd.s32 s4;
	_ =	sdelay $0x1  }
0xa1: {  	s23 =	simm.s32 $0x1B8B  }
0xa2: {  	_ =	swait.ge [sflag:s23], $0x1  }
0xa3: {  	[sflag:s23] =	ssyncset.done $0x0  }
0xa4: {  	[sflag:s23] =	ssyncadd.s32 $0xFFFFFFFF  }
0xa5: {  	s4 =	sld [smem:$0x0]  }
0xa6: {  	s5 =	sand.u32 $0xFFFFFFFE, s1  }
0xa7: {  	p0 =	sne.s32 s1, s5  }
0xa8: {  	s5 =	sshll.u32 @p0 s5, $0xE  }
0xa9: {  	s5 =	sadd.s32 @p0 $0x11B8D, s5;
	s6 =	sshll.u32 @p0 s4, $0x11  }
0xaa: {  	s5 =	sor.u32 @p0 s6, s5  }
0xab: {  	[sflag:s5] =	ssyncadd.remote.s32 @p0 $0x1;
	_ =	sdelay $0x1  }
0xac: {  	s5 =	simm.s32 @p0 $0x1B8D  }
0xad: {  	_ =	swait.eq @p0 [sflag:s5], $0x1  }
0xae: {  	[sflag:s5] =	ssyncadd.s32 @p0 $0xFFFFFFFF  }
0xaf: {  	s6 =	sshll.u32 @!p0 s1, $0xE  }
0xb0: {  	s6 =	sor.u32 @!p0 $0x4000, s6;
	s5 =	simm.s32 @!p0 $0x1B8D  }
0xb1: {  	s4 =	sshll.u32 @!p0 s4, $0x11;
	s6 =	sadd.s32 @!p0 $0x11B8D, s6;
	_ =	swait.eq @!p0 [sflag:s5], $0x1  }
0xb2: {  	s4 =	sor.u32 @!p0 s4, s6;
	[sflag:s5] =	ssyncadd.s32 @!p0 $0xFFFFFFFF  }
0xb3: {  	s25 =	simm.s32 $0x1B8E;
	s24 =	sld [smem:$0x3FFE];
	[sflag:s4] =	ssyncadd.remote.s32 @!p0 $0x1  }
0xb4: {  	s26 =	simm.s32 $execute0_lowered;
	[smem:$0x3FD2] =	sst s25  }
0xb5: {  	s5 =	sshll.u32 s26, $0x1;
	_ =	strace $0x8000004F;
	[dreg:$0x1] =	wrdreg $0xFFFFFFFF  }
0xb6: {  	s28 =	simm.s32 $_size_execute0_lowered;
	s3 =	sadd.s32 s3, s5;
	[dreg:$0x0] =	wrdreg $0x0  }
0xb7: {  	s5 =	sshll.u32 s28, $0x1;
	[dreg:$0x2] =	wrdreg s3  }
0xb8: {  	[dreg:$0x3] =	wrdreg s5  }
0xb9: {  	[dreg:$0x4] =	wrdreg $0xC0  }
0xba: {  	_ =	task [dreg:s22], $0x5FFFF  }
0xbb: {  	[dreg:$0x1] =	wrdreg $0xFFFFFFFF  }
0xbc: {  	[dreg:$0x0] =	wrdreg $0x60  }
0xbd: {  	[dreg:$0x2] =	wrdreg s24  }
0xbe: {  	[dreg:$0x3] =	wrdreg $0xB  }
0xbf: {  	_ =	task.clear_ibuf [dreg:s22], $0x4FFFF;
	_ =	strace $0x9000004F  }
0xc0: {  	s29 =	simm.s32 $0xB;
	_ =	strace $0x80000051  }
0xc1: {  	_ =	swait.ge [sflag:s29], $0x1  }
0xc2: {  	[sflag:s29] =	ssyncadd.s32 $0xFFFFFFFF  }
0xc3: {  	_ =	strace $0x90000051  }
0xc4: {  	_ =	sfence  }
0xc5: {  	s30 =	sld [smem:$0x0];
	_ =	sdelay $0x2  }
0xc6: {  	s31 =	sshll.u32 s1, $0xD;
	s1 =	sshrl.u32 s1, $0x2  }
0xc7: {  	s4 =	sand.u32 $0x4000, s31;
	s1 =	sadd.s32 s1, s30  }
0xc8: {  	s0 =	sor.u32 s4, s0;
	s1 =	sshll.u32 s1, $0x11  }
0xc9: {  	s0 =	sor.u32 s1, s0  }
0xca: {  	s0 =	sadd.s32 $0x8F2B, s0  }
0xcb: {  	[sflag:s0] =	ssyncadd.remote.s32 $0x1  }
0xcc: {  	_ =	sfence.sel $0xFFFF  }
0xcd: {  	[dreg:$0x0] =	wrdreg $0xFFFFFFFF;
	(pc) =	sbr.abs _section_cstart, $3  }
0xce: {  	[dreg:$0x1] =	wrdreg $0xFFFFFFFF  }
0xcf: {  	_ =	task.clear_ibuf [dreg:s22], $0x2FFFF;
	_ =	strace $0x9FFFFFFF  }
0xd0: {  	(tm) =	ssettm $0x7FFFFFFF  }
0xd1: {  	_ =	shalt  }
tec
execute0_lowered:
.L_overlay_start_1:
0x0: {  	(tag) =	ssettag $0x1  }
0x1: {  	s3 =	rddreg [dreg:$0x0]  }
0x2: {  	s0 =	rddreg [dreg:$0x1];
	s2 =	simm.s32 $0x0;
	s4 =	srdreg.scid  }
0x3: {  	s1 =	stileid.u32;
	s10 =	simm.s32 $0x0;
	[smem:$0x7FF] =	sst s2  }
0x4: {  	s4 =	sand.u32 $0x1, s4;
	s5 =	sshll.u32 s1, $0xD;
	s7 =	sshll.u32 s1, $0x11  }
0x5: {  	_ =	strace $0x80000050;
	s6 =	sshll.u32 s4, $0xC;
	s28 =	ssub.s32 $0x2, s4  }
0x6: {  	s7 =	sadd.s32 s7, s3;
	s30 =	sshll.u32 s4, $0x10;
	s5 =	sor.u32 s6, s5  }
0x7: {  	s8 =	sshrl.u32 s28, $0x1;
	s31 =	sadd.s32 s30, s7;
	s7 =	simm.s32 $0x2  }
0x8: {  	s5 =	sshrl.u32 s5, $0x3;
	s29 =	ssub.s32 s28, s8;
	s8 =	simm.s32 $0x80  }
0x9: {  	s9 =	sadd.s32 s5, s3;
	s3 =	sadd.s32 $0x807400, s3;
	s4 =	smax.u32 s29, $0x1  }
0xa: {  	s5 =	sadd.s32 $0xA07400, s31;
	s6 =	sadd.s32 $0x2E00, s9;
	s9 =	simm.s32 $0x1  }
.LBB2_1:
0xb: {  	s11 =	sadd.s32 $0x0, s6  }
0xc: {  	[tilespmem:s2], [sflag:$0x2] =	stream.linear.gather [hbm4b:s11+s2], $0x80, $0x38;
	[tilespmem:$0x4080] =	vst v63  }
0xd: {  	_ =	swait.ge [sflag:s7], $0x80  }
0xe: {  	[sflag:s7] =	ssyncset.done $0x0  }
0xf: {  	[sflag:s7] =	ssyncadd.s32 $0xFFFFFF80  }
0x10: {  	[tilespmem:s8], [sflag:$0x2] =	stream.linear.gather [hbm4b:s5+s2], $0x4000, $0x38;
	[tilespmem:$0x4080] =	vst v63  }
0x11: {  	_ =	swait.ge [sflag:s7], $0x4000  }
0x12: {  	[sflag:s7] =	ssyncset.done $0x0  }
0x13: {  	[sflag:s7] =	ssyncadd.s32 $0xFFFFC000  }
0x14: {  	[hbm4b:s3+s8] =	stream.indirect.scatter [tilespmem:s8], [sflag:$0x1], $0x80, s2, s8, $0xb8;
	[tilespmem:$0x4080] =	vst v63  }
0x15: {  	s12 =	simm.s32 $0x10;
	_ =	swait.ge [sflag:s9], $0x4000  }
0x16: {  	s13 =	simm.s32 $0x20;
	s11 =	sadd.s32 $0x800, s5;
	[sflag:s9] =	ssyncset.done $0x0  }
.LBB2_2:
0x17: {  	s14 =	sadd.s32 s12, s6  }
0x18: {  	[sflag:s9] =	ssyncadd.s32 $0xFFFFC000;
	s12 =	smov.u32 s13;
	s15 =	sadd.s32 $0x10, s13  }
0x19: {  	[tilespmem:s2], [sflag:$0x2] =	stream.linear.gather [hbm4b:s14+s2], $0x80, $0x38;
	[tilespmem:$0x4080] =	vst v63  }
0x1a: {  	p0 =	sne.s32 s13, $0x1F0;
	_ =	swait.ge [sflag:s7], $0x80  }
0x1b: {  	[sflag:s7] =	ssyncset.done $0x0  }
0x1c: {  	[sflag:s7] =	ssyncadd.s32 $0xFFFFFF80  }
0x1d: {  	[tilespmem:s8], [sflag:$0x2] =	stream.linear.gather [hbm4b:s11+s2], $0x4000, $0x38;
	[tilespmem:$0x4080] =	vst v63  }
0x1e: {  	_ =	swait.ge [sflag:s7], $0x4000  }
.Ltmp0:
0x1f: {  	[sflag:s7] =	ssyncset.done $0x0;
	(pc) =	sbr.rel @p0 .LBB2_2-.Ltmp0, $4  }
0x20: {  	[sflag:s7] =	ssyncadd.s32 $0xFFFFC000  }
0x21: {  	[hbm4b:s3+s8] =	stream.indirect.scatter [tilespmem:s8], [sflag:$0x1], $0x80, s2, s8, $0xb8;
	[tilespmem:$0x4080] =	vst v63  }
0x22: {  	_ =	swait.ge [sflag:s9], $0x4000  }
0x23: {  	s13 =	smov.u32 s15;
	s11 =	sadd.s32 $0x800, s11;
	[sflag:s9] =	ssyncset.done $0x0  }
0x24: {  	s12 =	sadd.s32 s12, s6;
	[sflag:s9] =	ssyncadd.s32 $0xFFFFC000  }
0x25: {  	[tilespmem:s2], [sflag:$0x2] =	stream.linear.gather [hbm4b:s12+s2], $0x80, $0x38;
	[tilespmem:$0x4080] =	vst v63  }
0x26: {  	_ =	swait.ge [sflag:s7], $0x80  }
0x27: {  	[sflag:s7] =	ssyncset.done $0x0  }
0x28: {  	[sflag:s7] =	ssyncadd.s32 $0xFFFFFF80  }
0x29: {  	[tilespmem:s8], [sflag:$0x2] =	stream.linear.gather [hbm4b:s11+s2], $0x4000, $0x38;
	[tilespmem:$0x4080] =	vst v63  }
0x2a: {  	s10 =	sadd.s32 $0x1, s10;
	_ =	swait.ge [sflag:s7], $0x4000  }
0x2b: {  	p0 =	sne.s32 s10, s4;
	[sflag:s7] =	ssyncset.done $0x0  }
.Ltmp1:
0x2c: {  	[sflag:s7] =	ssyncadd.s32 $0xFFFFC000;
	(pc) =	sbr.rel @p0 .LBB2_1-.Ltmp1, $4  }
0x2d: {  	[hbm4b:s3+s8] =	stream.indirect.scatter [tilespmem:s8], [sflag:$0x1], $0x80, s2, s8, $0xb8;
	[tilespmem:$0x4080] =	vst v63  }
0x2e: {  	_ =	swait.ge [sflag:s9], $0x4000  }
0x2f: {  	[sflag:s9] =	ssyncset.done $0x0  }
0x30: {  	[sflag:s9] =	ssyncadd.s32 $0xFFFFC000  }
0x31: {  	_ =	sfence.sel $0x180000  }
0x32: {  	[bflag:$0x0] =	sbarrier.arrive $0xFFFF  }
0x33: {  	p0 =	sne.s32 s1, $0x0;
	_ =	strace $0x90000050  }
0x34: {  	s0 =	sadd.s32 @!p0 $0x100000, s0;
	[bflag:$0x2] =	sbarrier.arrive $0xFFFF  }
0x35: {  	[sflag:s0] =	ssyncadd.tile.s32 @!p0 $0x1;
	_ =	shalt  }
.Lfunc_end2:
_tile_overlayer_lowered:
.L_overlay_start_2:
0x36: {  	(tag) =	ssettag $0x2  }
0x37: {  	s0 =	rddreg [dreg:$0x0];
	s2 =	stileid.u32  }
0x38: {  	s1 =	rddreg [dreg:$0x1];
	p0 =	sne.s32 s2, $0x0  }
0x39: {  	s3 =	rddreg [dreg:$0x2];
	[bflag:$0x3] =	sbarrier.arrive $0xFFFF;
	s2 =	simm.s32 @!p0 $0x1C02  }
0x3a: {  	[timem:s3], [sflag:s2] =	dma.local @!p0 [hbm:s0], s1  }
0x3b: {  	s0 =	simm.s32 @!p0 $0x2  }
0x3c: {  	_ =	swait.ge @!p0 [sflag:s0], s1  }
0x3d: {  	s1 =	ssub.s32 @!p0 $0x0, s1;
	[sflag:s0] =	ssyncset.done @!p0 $0x0  }
0x3e: {  	[sflag:s0] =	ssyncadd.s32 @!p0 s1  }
0x3f: {  	[bflag:$0x3] =	sbarrier.arrive $0xFFFF  }
0x40: {  	_ =	shalt  }

// kernel: sparse-core-data-format-call.1.cloned.1.call-start
scs
called_computation.1_lowered:
.L_overlay_start_0:
0x0: {  	s2 =	sld [smem:$0x3FD9]  }
0x1: {  	s3 =	sld [smem:$0x3FFE];
	_ =	sdelay $0x1  }
0x2: {  	s1 =	srdreg.scid  }
0x3: {  	s0 =	sand.u32 $0x1, s1  }
0x4: {  	s18 =	sshll.u32 s0, $0xA;
	s2 =	sadd.s32 s3, s2  }
0x5: {  	s2 =	sadd.s32 s2, s18  }
0x6: {  	[smem:$0x3FC4] =	sst s2  }
0x7: {  	_ = 	snop  }
0x8: {  	s19 =	sld [smem:$0x3FC8];
	(tm) =	ssettm $0x1  }
0x9: {  	s20 =	sld [smem:$0x3FFB];
	_ =	sdelay $0x3  }
0xa: {  	_ =	strace s20  }
0xb: {  	s2 =	sld [smem:$0x3FFC];
	_ =	sdelay $0x3  }
0xc: {  	_ =	strace s2  }
0xd: {  	s2 =	sld [smem:$0x3FFD];
	_ =	sdelay $0x3  }
0xe: {  	_ =	strace s2  }
0xf: {  	_ =	strace $0x8FFFFFFF  }
0x10: {  	s21 =	sld [smem:$0x3FDB];
	_ =	sdelay $0x1  }
0x11: {  	s4 =	simm.s32 $_scs_section_size  }
0x12: {  	s5 =	simm.s32 $_size__tile_overlayer_lowered;
	s6 =	simm.s32 $_tile_overlayer_lowered  }
0x13: {  	s7 =	simm.s32 $0x1BFF;
	s22 =	sshll.u32 s6, $0x1;
	s4 =	sadd.s32 s4, s21  }
0x14: {  	s23 =	simm.s32 $0x0;
	s5 =	sshll.u32 s5, $0x1;
	s6 =	sadd.s32 s22, s4  }
0x15: {  	[timem:s23], [sflag:s7] =	dma.local [hbm:s6], s5  }
0x16: {  	_ =	swait.ge [sflag:s7], s5  }
0x17: {  	s5 =	ssub.s32 $0x0, s5;
	[sflag:s7] =	ssyncset.done $0x0  }
0x18: {  	[sflag:s7] =	ssyncadd.s32 s5;
	_ =	sdelay $0x1  }
0x19: {  	s24 =	simm.s32 $0x1B8B  }
0x1a: {  	_ =	swait.ge [sflag:s24], $0x1  }
0x1b: {  	[sflag:s24] =	ssyncset.done $0x0  }
0x1c: {  	[sflag:s24] =	ssyncadd.s32 $0xFFFFFFFF  }
0x1d: {  	s5 =	sld [smem:$0x0]  }
0x1e: {  	s6 =	sand.u32 $0xFFFFFFFE, s1  }
0x1f: {  	p0 =	sne.s32 s1, s6  }
0x20: {  	s6 =	sshll.u32 @p0 s6, $0xE  }
0x21: {  	s6 =	sadd.s32 @p0 $0x11B8D, s6;
	s7 =	sshll.u32 @p0 s5, $0x11  }
0x22: {  	s6 =	sor.u32 @p0 s7, s6  }
0x23: {  	[sflag:s6] =	ssyncadd.remote.s32 @p0 $0x1;
	_ =	sdelay $0x1  }
0x24: {  	s6 =	simm.s32 @p0 $0x1B8D  }
0x25: {  	_ =	swait.eq @p0 [sflag:s6], $0x1  }
0x26: {  	[sflag:s6] =	ssyncadd.s32 @p0 $0xFFFFFFFF  }
0x27: {  	s7 =	sshll.u32 @!p0 s1, $0xE  }
0x28: {  	s7 =	sor.u32 @!p0 $0x4000, s7;
	s6 =	simm.s32 @!p0 $0x1B8D  }
0x29: {  	s5 =	sshll.u32 @!p0 s5, $0x11;
	s7 =	sadd.s32 @!p0 $0x11B8D, s7;
	_ =	swait.eq @!p0 [sflag:s6], $0x1  }
0x2a: {  	s5 =	sor.u32 @!p0 s5, s7;
	[sflag:s6] =	ssyncadd.s32 @!p0 $0xFFFFFFFF  }
0x2b: {  	s26 =	simm.s32 $0x1B8E;
	s25 =	sld [smem:$0x3FFE];
	[sflag:s5] =	ssyncadd.remote.s32 @!p0 $0x1  }
0x2c: {  	s27 =	simm.s32 $execute0_lowered;
	[smem:$0x3FD2] =	sst s26  }
0x2d: {  	s6 =	sshll.u32 s27, $0x1;
	_ =	strace $0x80000049;
	[dreg:$0x1] =	wrdreg $0xFFFFFFFF  }
0x2e: {  	s28 =	simm.s32 $_size_execute0_lowered;
	s4 =	sadd.s32 s4, s6;
	[dreg:$0x0] =	wrdreg $0x0  }
0x2f: {  	s6 =	sshll.u32 s28, $0x1;
	[dreg:$0x2] =	wrdreg s4  }
0x30: {  	[dreg:$0x3] =	wrdreg s6  }
0x31: {  	[dreg:$0x4] =	wrdreg $0xC0  }
0x32: {  	_ =	task [dreg:s23], $0x5FFFF  }
0x33: {  	[dreg:$0x1] =	wrdreg $0xFFFFFFFF  }
0x34: {  	[dreg:$0x0] =	wrdreg $0x60  }
0x35: {  	[dreg:$0x2] =	wrdreg s19  }
0x36: {  	[dreg:$0x3] =	wrdreg s25  }
0x37: {  	[dreg:$0x4] =	wrdreg $0x9  }
0x38: {  	_ =	task.clear_ibuf [dreg:s23], $0x5FFFF;
	_ =	strace $0x90000049  }
0x39: {  	s29 =	simm.s32 $0x9;
	_ =	strace $0x8000004B  }
0x3a: {  	_ =	swait.ge [sflag:s29], $0x1  }
0x3b: {  	[sflag:s29] =	ssyncadd.s32 $0xFFFFFFFF  }
0x3c: {  	_ =	strace $0x9000004B  }
0x3d: {  	_ =	sfence  }
0x3e: {  	s30 =	sld [smem:$0x0];
	_ =	sdelay $0x2  }
0x3f: {  	s31 =	sshll.u32 s1, $0xD;
	s1 =	sshrl.u32 s1, $0x2  }
0x40: {  	s4 =	sand.u32 $0x4000, s31;
	s1 =	sadd.s32 s1, s30  }
0x41: {  	s0 =	sor.u32 s4, s0;
	s1 =	sshll.u32 s1, $0x11  }
0x42: {  	s0 =	sor.u32 s1, s0  }
0x43: {  	s0 =	sadd.s32 $0x8F2B, s0  }
0x44: {  	[sflag:s0] =	ssyncadd.remote.s32 $0x1  }
0x45: {  	_ =	sfence.sel $0xFFFF  }
0x46: {  	[dreg:$0x0] =	wrdreg $0xFFFFFFFF;
	(pc) =	sbr.abs _section_cstart, $3  }
0x47: {  	[dreg:$0x1] =	wrdreg $0xFFFFFFFF  }
0x48: {  	_ =	task.clear_ibuf [dreg:s23], $0x2FFFF;
	_ =	strace $0x9FFFFFFF  }
0x49: {  	(tm) =	ssettm $0x7FFFFFFF  }
tec
execute0_lowered:
.L_overlay_start_1:
0x0: {  	(tag) =	ssettag $0x1  }
0x1: {  	s2 =	rddreg [dreg:$0x0]  }
0x2: {  	s4 =	rddreg [dreg:$0x1]  }
0x3: {  	s0 =	rddreg [dreg:$0x2];
	s1 =	stileid.u32  }
0x4: {  	_ =	strace $0x8000004A;
	s5 =	srdreg.scid;
	s9 =	simm.s32 $0x2  }
0x5: {  	s18 =	simm.s32 $0x0;
	p0 =	por $0x0, $0x0;
	s15 =	simm.s32 $0x0  }
0x6: {  	s16 =	simm.s32 $0x0;
	s17 =	simm.s32 $0x0;
	s10 =	simm.s32 $0x0  }
0x7: {  	s11 =	simm.s32 $0x0;
	s14 =	simm.s32 $0x0;
	s3 =	sand.u32 $0x1, s1  }
0x8: {  	s4 =	sadd.s32 $0x202E00, s4;
	s5 =	sshll.u32 s5, $0x4;
	s6 =	ssub.s32 $0x2, s3  }
.Ltmp0:
0x9: {  	s5 =	sand.u32 $0x10, s5;
	s7 =	sshrl.u32 s6, $0x1;
	(pc) =	sbr.rel .LBB1_1-.Ltmp0, $4  }
0xa: {  	s6 =	sand.u32 $0x1, s6;
	s8 =	sor.u32 s1, s5;
	s5 =	simm.s32 $0x1  }
0xb: {  	s13 =	smov.u32 s3;
	s6 =	sadd.s32 s6, s7;
	[sflag:s5] =	ssyncpa.u1 $0x0  }
0xc: {  	s7 =	sshrl.u32 s8, $0x1;
	s6 =	sshll.u32 s6, $0x4;
	[sflag:s9] =	ssyncpa.u1 $0x0  }
0xd: {  	s9 =	simm.s32 $0x80;
	s12 =	smov.u32 s7;
	s8 =	sor.u32 $0x1, s6  }
.LBB1_4:
0xe: {  	_ = 	snop  }
0xf: {  	[tilespmem:s23+$0x1860 ss:$0x41] =	vst.msk $0xffff, v8  }
0x10: {  	[tilespmem:s23+$0x1C70 ss:$0x41] =	vst.msk $0xffff, v7  }
0x11: {  	[tilespmem:s23+$0x2490 ss:$0x41] =	vst.msk $0xffff, v1  }
0x12: {  	s26 =	sor.u32 s29, s28;
	v47 =	vld.idx.msk [tilespmem:v0+s21+$0x470 ss:$0x1], $0xffff;
	[tilespmem:s23+$0x28A0 ss:$0x41] =	vst.msk $0xffff, v2  }
0x13: {  	[tilespmem:s23+$0x2CB0 ss:$0x41] =	vst.msk $0xffff, v3;
	v57 =	vld.idx.msk [tilespmem:v0+s26+$0x410 ss:$0x1], $0xffff  }
0x14: {  	[tilespmem:s23+$0x30C0 ss:$0x41] =	vst.msk $0xffff, v4;
	s27 =	sand.u32 $0x3B00, s26;
	v58 =	vld.idx.msk [tilespmem:v0+s26+$0x420 ss:$0x1], $0xffff  }
0x15: {  	s25 =	sand.u32 $0x80, s25;
	[tilespmem:s23+$0x34D0 ss:$0x41] =	vst.msk $0xffff, v5;
	v59 =	vld.idx.msk [tilespmem:v0+s26+$0x430 ss:$0x1], $0xffff;
	s20 =	sadd.s32 s27, s20  }
0x16: {  	[tilespmem:s23+$0x38E0 ss:$0x41] =	vst.msk $0xffff, v6;
	v60 =	vld.idx.msk [tilespmem:v0+s26+$0x440 ss:$0x1], $0xffff;
	s20 =	sadd.s32 s25, s20;
	s25 =	sshra.s32 s24, $0x2  }
0x17: {  	v61 =	vld.idx.msk [tilespmem:v0+s26+$0x450 ss:$0x1], $0xffff;
	s21 =	sadd.s32 s25, s22;
	[tilespmem:s23+$0x3CF0 ss:$0x41] =	vst.msk $0xffff, v47  }
0x18: {  	v62 =	vld.idx.msk [tilespmem:v0+s26+$0x460 ss:$0x1], $0xffff;
	[tilespmem:s21+$0x2490 ss:$0x41] =	vst.msk $0xffff, v57  }
0x19: {  	v63 =	vld.idx.msk [tilespmem:v0+s26+$0x470 ss:$0x1], $0xffff;
	[tilespmem:s21+$0x28A0 ss:$0x41] =	vst.msk $0xffff, v58  }
0x1a: {  	v48 =	vld [tilespmem:s20+$0x400];
	[tilespmem:s21+$0x2CB0 ss:$0x41] =	vst.msk $0xffff, v59  }
0x1b: {  	v49 =	vld [tilespmem:s20+$0x0];
	[tilespmem:s21+$0x30C0 ss:$0x41] =	vst.msk $0xffff, v60  }
0x1c: {  	v50 =	vld [tilespmem:s20+$0x10];
	[tilespmem:s21+$0x34D0 ss:$0x41] =	vst.msk $0xffff, v61  }
0x1d: {  	v51 =	vld [tilespmem:s20+$0x20];
	[tilespmem:s21+$0x38E0 ss:$0x41] =	vst.msk $0xffff, v62  }
0x1e: {  	v52 =	vld [tilespmem:s20+$0x30];
	[tilespmem:s21+$0x3CF0 ss:$0x41] =	vst.msk $0xffff, v63  }
0x1f: {  	v53 =	vld [tilespmem:s20+$0x40];
	[tilespmem:s21+$0x2080 ss:$0x41] =	vst.msk $0xffff, v48  }
0x20: {  	v54 =	vld [tilespmem:s20+$0x50];
	[tilespmem:s21+$0x0 ss:$0x41] =	vst.msk $0xffff, v49  }
0x21: {  	s18 =	sshll.u32 s18, $0x7;
	s17 =	sshll.u32 s17, $0x14;
	s27 =	sshll.u32 s15, $0x3;
	v55 =	vld [tilespmem:s20+$0x60];
	[tilespmem:s21+$0x410 ss:$0x41] =	vst.msk $0xffff, v50  }
0x22: {  	s16 =	sshll.u32 s16, $0x10;
	s28 =	sand.u32 $0x7FC00, s18;
	v56 =	vld [tilespmem:s20+$0x70];
	s20 =	sand.u32 $0x7FC00, s27;
	[tilespmem:s21+$0x820 ss:$0x41] =	vst.msk $0xffff, v51  }
0x23: {  	s29 =	sshrl.u32 s15, $0x3;
	s18 =	sand.u32 $0x380, s18;
	s20 =	sadd.s32 s20, s28;
	[tilespmem:s21+$0xC30 ss:$0x41] =	vst.msk $0xffff, v52  }
0x24: {  	s30 =	sand.u32 $0x7, s15;
	s17 =	sadd.s32 s4, s17;
	s18 =	sor.u32 s18, s20;
	[tilespmem:s21+$0x1040 ss:$0x41] =	vst.msk $0xffff, v53  }
0x25: {  	s16 =	sadd.s32 s16, s17;
	s20 =	sand.u32 $0xF, s29;
	s18 =	sshrl.u32 s18, $0x3;
	[tilespmem:s21+$0x1450 ss:$0x41] =	vst.msk $0xffff, v54  }
0x26: {  	s15 =	sshll.u32 s30, $0x12;
	s16 =	sadd.s32 s20, s16;
	s31 =	sand.u32 $0xFFF0, s18;
	[tilespmem:s21+$0x1860 ss:$0x41] =	vst.msk $0xffff, v55  }
0x27: {  	s15 =	sor.u32 $0x40, s15;
	[tilespmem:s21+$0x1C70 ss:$0x41] =	vst.msk $0xffff, v56;
	s16 =	sadd.s32 s31, s16  }
0x28: {  	[hbm4b:s16+s15] =	stream.strided.scatter [tilespmem:s19], [sflag:$0x2], $0x4000, s9, s15, $0x18;
	[tilespmem:$0x10200] =	vst v63  }
.LBB1_5:
0x29: {  	s19 =	sadd.s32 $0x100, s10  }
0x2a: {  	s15 =	sadd.s32 $0x40, s11;
	s20 =	smov.u32 s11;
	p2 =	sgt.s32 s19, $0xFFF  }
0x2b: {  	s20 =	smov.u32 @p2 s15  }
0x2c: {  	s21 =	smov.u32 s12;
	s15 =	sadd.s32 $0x10, s12;
	p3 =	sgt.s32 s20, $0x3F  }
0x2d: {  	s21 =	smov.u32 @p3 s15  }
0x2e: {  	s22 =	smov.u32 s13;
	s15 =	sadd.s32 $0x2, s13;
	p4 =	sgt.s32 s21, $0xF  }
0x2f: {  	p1 =	slt.u32 s14, $0x2;
	s22 =	smov.u32 @p4 s15  }
0x30: {  	s18 =	smov.u32 s10;
	s19 =	simm.s32 @p2 $0x0;
	p2 =	sgt.s32 s22, $0x1  }
0x31: {  	s23 =	simm.s32 @!p1 $0x2;
	s22 =	smov.u32 @p2 s3;
	p2 =	sne.s32 s14, s8  }
.Ltmp1:
0x32: {  	s16 =	smov.u32 s12;
	_ =	swait.ge @!p1 [sflag:s23], $0x4000;
	(pc) =	sbr.rel @!p2 .LBB1_6-.Ltmp1, $4  }
0x33: {  	s17 =	smov.u32 s13;
	p0 =	por !p0, !p0;
	[sflag:s23] =	ssyncset.done @!p1 $0x0  }
0x34: {  	s10 =	smov.u32 s19;
	s20 =	simm.s32 @p3 $0x0;
	[sflag:s23] =	ssyncadd.s32 @!p1 $0xFFFFC000  }
0x35: {  	s21 =	smov.u32 @p4 s7;
	s15 =	smov.u32 s11;
	s11 =	smov.u32 s20  }
0x36: {  	s12 =	smov.u32 s21;
	s14 =	sadd.s32 $0x1, s14;
	s13 =	smov.u32 s22  }
.LBB1_1:
0x37: {  	p1 =	sge.u32 s14, s6  }
0x38: {  	s31 =	sadd.s32 $0xFFFFFFFF, s14;
	s19 =	sxor.u32 @!p1 $0xFFFFFFFF, s14;
	s20 =	sand.u32 @!p1 $0x78, s10  }
0x39: {  	s21 =	sshll.u32 @!p1 s11, $0x7;
	s22 =	sshll.u32 @!p1 s11, $0xC;
	s23 =	sshll.u32 @!p1 s10, $0x3  }
0x3a: {  	s19 =	sshll.u32 @!p1 s19, $0xE;
	s21 =	sand.u32 @!p1 $0x380, s21;
	s22 =	sand.u32 @!p1 $0x38000, s22  }
0x3b: {  	s19 =	sand.u32 @!p1 $0x4000, s19;
	s20 =	sor.u32 @!p1 s21, s20;
	s21 =	sand.u32 @!p1 $0xC00, s23  }
0x3c: {  	s22 =	sadd.s32 @!p1 s22, s23;
	s20 =	sor.u32 @!p1 s21, s20;
	s21 =	sshll.u32 @!p1 s13, $0x13  }
0x3d: {  	s23 =	sshll.u32 @!p1 s12, $0xF;
	s22 =	sshrl.u32 @!p1 s22, $0x3;
	s21 =	sadd.s32 @!p1 s2, s21  }
0x3e: {  	s22 =	sand.u32 @!p1 $0x7E00, s22;
	s21 =	sadd.s32 @!p1 s23, s21;
	s23 =	sand.u32 @!p1 $0x7, s10  }
0x3f: {  	s20 =	sshrl.u32 @!p1 s20, $0x3;
	s21 =	sadd.s32 @!p1 s22, s21;
	s22 =	sshll.u32 @!p1 s23, $0x12  }
0x40: {  	s20 =	sadd.s32 @!p1 s20, s21;
	s21 =	sor.u32 @!p1 $0x800, s22;
	s22 =	simm.s32 @!p1 $0x8000  }
0x41: {  	[tilespmem:s19], [sflag:$0x1] =	stream.strided.gather @!p1 [hbm4b:s20+s21], $0x4000, s22, s21, $0x38;
	[tilespmem:$0x10200] =	vst v63  }
0x42: {  	p1 =	sge.u32 s31, s6  }
.Ltmp2:
0x43: {  	_ = 	snop;
	(pc) =	sbr.rel @p1 .LBB1_5-.Ltmp2, $1  }
0x44: {  	_ =	sdelay $0x3  }
0x45: {  	s22 =	simm.s32 $0x0  }
0x46: {  	s21 =	sand.u32 $0x3800, s22;
	s23 =	sand.u32 $0x380, s22  }
0x47: {  	s19 =	sand.u32 $0x1, s14;
	s21 =	sor.u32 s23, s21  }
0x48: {  	_ =	swait.ge [sflag:s5], $0x4000;
	s20 =	sshll.u32 s19, $0xE;
	s23 =	sand.u32 $0x3B00, s21  }
0x49: {  	[sflag:s5] =	ssyncset.done $0x0;
	s22 =	sand.u32 $0x80, s22;
	s23 =	sadd.s32 s23, s20  }
0x4a: {  	[sflag:s5] =	ssyncadd.s32 $0xFFFFC000;
	s25 =	sadd.s32 s22, s23  }
0x4b: {  	v4 =	vld [tilespmem:s25+$0x400]  }
0x4c: {  	s24 =	simm.s32 $0x1;
	v5 =	vld [tilespmem:s25+$0x0]  }
0x4d: {  	s24 =	simm.s32 @!p0 $0x0;
	v6 =	vld [tilespmem:s25+$0x10]  }
0x4e: {  	v0 =	vmov s20;
	s31 =	smul.u32 $0x10400, s24;
	v7 =	vld [tilespmem:s25+$0x20]  }
0x4f: {  	v9 =	vld [tilespmem:s25+$0x30]  }
0x50: {  	s22 =	sshrl.u32 s31, $0x2;
	v10 =	vld [tilespmem:s25+$0x40]  }
0x51: {  	s22 =	sor.u32 $0x8000, s22;
	v11 =	vld [tilespmem:s25+$0x50]  }
0x52: {  	v8 =	vld [tilespmem:s25+$0x60];
	s23 =	sadd.s32 $0x0, s22  }
0x53: {  	v1 =	vld.idx.msk [tilespmem:v0+s21+$0x410 ss:$0x1], $0xffff;
	[tilespmem:s23+$0x2080 ss:$0x41] =	vst.msk $0xffff, v4  }
0x54: {  	v2 =	vld.idx.msk [tilespmem:v0+s21+$0x420 ss:$0x1], $0xffff;
	[tilespmem:s23+$0x0 ss:$0x41] =	vst.msk $0xffff, v5  }
0x55: {  	v3 =	vld.idx.msk [tilespmem:v0+s21+$0x430 ss:$0x1], $0xffff;
	[tilespmem:s23+$0x410 ss:$0x41] =	vst.msk $0xffff, v6  }
0x56: {  	s19 =	smul.u32 $0x10400, s19;
	[tilespmem:s23+$0x820 ss:$0x41] =	vst.msk $0xffff, v7;
	v7 =	vld [tilespmem:s25+$0x70]  }
0x57: {  	s26 =	simm.s32 $0x100;
	s27 =	simm.s32 $0x8;
	[tilespmem:s23+$0xC30 ss:$0x41] =	vst.msk $0xffff, v9;
	v4 =	vld.idx.msk [tilespmem:v0+s21+$0x440 ss:$0x1], $0xffff  }
0x58: {  	s28 =	sand.u32 $0x3800, s26;
	s19 =	sshrl.u32 s19, $0x2;
	[tilespmem:s23+$0x1040 ss:$0x41] =	vst.msk $0xffff, v10;
	v5 =	vld.idx.msk [tilespmem:v0+s21+$0x450 ss:$0x1], $0xffff;
	s25 =	simm.s32 $0x80  }
0x59: {  	s24 =	simm.s32 $0x4;
	s19 =	sor.u32 $0x8000, s19;
	[tilespmem:s23+$0x1450 ss:$0x41] =	vst.msk $0xffff, v11;
	v6 =	vld.idx.msk [tilespmem:v0+s21+$0x460 ss:$0x1], $0xffff;
	s29 =	sand.u32 $0x380, s25  }
.LBB1_3:
0x5a: {  	p1 =	sne.s32 s27, $0xFC;
	[tilespmem:s23+$0x1860 ss:$0x41] =	vst.msk $0xffff, v8;
	v8 =	vld.idx.msk [tilespmem:v0+s21+$0x470 ss:$0x1], $0xffff;
	s21 =	sor.u32 s29, s28  }
0x5b: {  	s28 =	sand.u32 $0x3B00, s21;
	v9 =	vld.idx.msk [tilespmem:v0+s21+$0x410 ss:$0x1], $0xffff;
	[tilespmem:s23+$0x1C70 ss:$0x41] =	vst.msk $0xffff, v7  }
0x5c: {  	s29 =	sand.u32 $0x80, s25;
	s28 =	sadd.s32 s28, s20;
	v7 =	vld.idx.msk [tilespmem:v0+s21+$0x420 ss:$0x1], $0xffff;
	[tilespmem:s23+$0x2490 ss:$0x41] =	vst.msk $0xffff, v1  }
0x5d: {  	s28 =	sadd.s32 s29, s28;
	v10 =	vld.idx.msk [tilespmem:v0+s21+$0x430 ss:$0x1], $0xffff;
	[tilespmem:s23+$0x28A0 ss:$0x41] =	vst.msk $0xffff, v2  }
0x5e: {  	v11 =	vld [tilespmem:s28+$0x400];
	[tilespmem:s23+$0x2CB0 ss:$0x41] =	vst.msk $0xffff, v3  }
0x5f: {  	v12 =	vld [tilespmem:s28+$0x0];
	[tilespmem:s23+$0x30C0 ss:$0x41] =	vst.msk $0xffff, v4  }
0x60: {  	v4 =	vld [tilespmem:s28+$0x10];
	[tilespmem:s23+$0x34D0 ss:$0x41] =	vst.msk $0xffff, v5  }
0x61: {  	s29 =	sshra.s32 s24, $0x2;
	s24 =	smov.u32 s27;
	v1 =	vmov v9;
	v5 =	vld [tilespmem:s28+$0x20];
	[tilespmem:s23+$0x38E0 ss:$0x41] =	vst.msk $0xffff, v6  }
0x62: {  	v2 =	vmov v7;
	v6 =	vld [tilespmem:s28+$0x30];
	[tilespmem:s23+$0x3CF0 ss:$0x41] =	vst.msk $0xffff, v8;
	s23 =	sadd.s32 s29, s22  }
0x63: {  	v3 =	vmov v10;
	v9 =	vld [tilespmem:s28+$0x40];
	[tilespmem:s23+$0x2080 ss:$0x41] =	vst.msk $0xffff, v11  }
0x64: {  	[tilespmem:s23+$0x0 ss:$0x41] =	vst.msk $0xffff, v12;
	v10 =	vld [tilespmem:s28+$0x50]  }
.Ltmp3:
0x65: {  	[tilespmem:s23+$0x410 ss:$0x41] =	vst.msk $0xffff, v4;
	v8 =	vld [tilespmem:s28+$0x60];
	(pc) =	sbr.rel @p1 .LBB1_3-.Ltmp3, $4  }
0x66: {  	[tilespmem:s23+$0x820 ss:$0x41] =	vst.msk $0xffff, v5;
	v7 =	vld [tilespmem:s28+$0x70]  }
0x67: {  	[tilespmem:s23+$0xC30 ss:$0x41] =	vst.msk $0xffff, v6;
	v4 =	vld.idx.msk [tilespmem:v0+s21+$0x440 ss:$0x1], $0xffff  }
0x68: {  	s25 =	sadd.s32 $0x80, s25;
	s26 =	sadd.s32 $0x100, s26;
	[tilespmem:s23+$0x1040 ss:$0x41] =	vst.msk $0xffff, v9;
	v5 =	vld.idx.msk [tilespmem:v0+s21+$0x450 ss:$0x1], $0xffff  }
0x69: {  	s27 =	sadd.s32 $0x4, s27;
	s29 =	sand.u32 $0x380, s25;
	s28 =	sand.u32 $0x3800, s26;
	[tilespmem:s23+$0x1450 ss:$0x41] =	vst.msk $0xffff, v10;
	v6 =	vld.idx.msk [tilespmem:v0+s21+$0x460 ss:$0x1], $0xffff  }
.Ltmp4:
0x6a: {  	_ = 	snop;
	(pc) =	sbr.rel .LBB1_4-.Ltmp4, $1  }
0x6b: {  	_ =	sdelay $0x3  }
.LBB1_6:
0x6c: {  	_ =	sfence.sel $0x180000  }
0x6d: {  	s2 =	simm.s32 $0x1;
	[bflag:$0x0] =	sbarrier.arrive $0xFFFF  }
0x6e: {  	s31 =	simm.s32 $0x2;
	[sflag:s2] =	ssyncpa.u1 $0x1  }
0x6f: {  	[sflag:s31] =	ssyncpa.u1 $0x1  }
0x70: {  	p0 =	sne.s32 s1, $0x0;
	_ =	strace $0x9000004A  }
0x71: {  	s0 =	sadd.s32 @!p0 $0x100000, s0;
	[bflag:$0x2] =	sbarrier.arrive $0xFFFF  }
0x72: {  	[sflag:s0] =	ssyncadd.tile.s32 @!p0 $0x1;
	_ =	shalt  }
.Lfunc_end1:
_tile_overlayer_lowered:
.L_overlay_start_2:
0x73: {  	(tag) =	ssettag $0x2  }
0x74: {  	s0 =	rddreg [dreg:$0x0];
	s2 =	stileid.u32  }
0x75: {  	s1 =	rddreg [dreg:$0x1];
	p0 =	sne.s32 s2, $0x0  }
0x76: {  	s3 =	rddreg [dreg:$0x2];
	[bflag:$0x3] =	sbarrier.arrive $0xFFFF;
	s2 =	simm.s32 @!p0 $0x1C01  }
0x77: {  	[timem:s3], [sflag:s2] =	dma.local @!p0 [hbm:s0], s1  }
0x78: {  	s0 =	simm.s32 @!p0 $0x1  }
0x79: {  	_ =	swait.ge @!p0 [sflag:s0], s1  }
0x7a: {  	s1 =	ssub.s32 @!p0 $0x0, s1;
	[sflag:s0] =	ssyncset.done @!p0 $0x0  }
0x7b: {  	[sflag:s0] =	ssyncadd.s32 @!p0 s1  }
0x7c: {  	[bflag:$0x3] =	sbarrier.arrive $0xFFFF  }
0x7d: {  	_ =	shalt  }

// kernel: sparse-core-data-format-call.2.cloned.1.call-start
scs
called_computation.2_lowered:
.L_overlay_start_0:
0x0: {  	s2 =	sld [smem:$0x3FD9]  }
0x1: {  	s3 =	sld [smem:$0x3FFE];
	_ =	sdelay $0x1  }
0x2: {  	s1 =	srdreg.scid  }
0x3: {  	s0 =	sand.u32 $0x1, s1  }
0x4: {  	s18 =	sshll.u32 s0, $0xA;
	s2 =	sadd.s32 s3, s2  }
0x5: {  	s2 =	sadd.s32 s2, s18  }
0x6: {  	[smem:$0x3FC4] =	sst s2  }
0x7: {  	_ = 	snop  }
0x8: {  	s19 =	sld [smem:$0x3FC7];
	(tm) =	ssettm $0x1  }
0x9: {  	s20 =	sld [smem:$0x3FFB];
	_ =	sdelay $0x3  }
0xa: {  	_ =	strace s20  }
0xb: {  	s2 =	sld [smem:$0x3FFC];
	_ =	sdelay $0x3  }
0xc: {  	_ =	strace s2  }
0xd: {  	s2 =	sld [smem:$0x3FFD];
	_ =	sdelay $0x3  }
0xe: {  	_ =	strace s2  }
0xf: {  	_ =	strace $0x8FFFFFFF  }
0x10: {  	s21 =	sld [smem:$0x3FDB];
	_ =	sdelay $0x1  }
0x11: {  	s4 =	simm.s32 $_scs_section_size  }
0x12: {  	s5 =	simm.s32 $_size__tile_overlayer_lowered;
	s6 =	simm.s32 $_tile_overlayer_lowered  }
0x13: {  	s7 =	simm.s32 $0x1BFF;
	s22 =	sshll.u32 s6, $0x1;
	s4 =	sadd.s32 s4, s21  }
0x14: {  	s23 =	simm.s32 $0x0;
	s5 =	sshll.u32 s5, $0x1;
	s6 =	sadd.s32 s22, s4  }
0x15: {  	[timem:s23], [sflag:s7] =	dma.local [hbm:s6], s5  }
0x16: {  	_ =	swait.ge [sflag:s7], s5  }
0x17: {  	s5 =	ssub.s32 $0x0, s5;
	[sflag:s7] =	ssyncset.done $0x0  }
0x18: {  	[sflag:s7] =	ssyncadd.s32 s5;
	_ =	sdelay $0x1  }
0x19: {  	s24 =	simm.s32 $0x1B8B  }
0x1a: {  	_ =	swait.ge [sflag:s24], $0x1  }
0x1b: {  	[sflag:s24] =	ssyncset.done $0x0  }
0x1c: {  	[sflag:s24] =	ssyncadd.s32 $0xFFFFFFFF  }
0x1d: {  	s5 =	sld [smem:$0x0]  }
0x1e: {  	s6 =	sand.u32 $0xFFFFFFFE, s1  }
0x1f: {  	p0 =	sne.s32 s1, s6  }
0x20: {  	s6 =	sshll.u32 @p0 s6, $0xE  }
0x21: {  	s6 =	sadd.s32 @p0 $0x11B8D, s6;
	s7 =	sshll.u32 @p0 s5, $0x11  }
0x22: {  	s6 =	sor.u32 @p0 s7, s6  }
0x23: {  	[sflag:s6] =	ssyncadd.remote.s32 @p0 $0x1;
	_ =	sdelay $0x1  }
0x24: {  	s6 =	simm.s32 @p0 $0x1B8D  }
0x25: {  	_ =	swait.eq @p0 [sflag:s6], $0x1  }
0x26: {  	[sflag:s6] =	ssyncadd.s32 @p0 $0xFFFFFFFF  }
0x27: {  	s7 =	sshll.u32 @!p0 s1, $0xE  }
0x28: {  	s7 =	sor.u32 @!p0 $0x4000, s7;
	s6 =	simm.s32 @!p0 $0x1B8D  }
0x29: {  	s5 =	sshll.u32 @!p0 s5, $0x11;
	s7 =	sadd.s32 @!p0 $0x11B8D, s7;
	_ =	swait.eq @!p0 [sflag:s6], $0x1  }
0x2a: {  	s5 =	sor.u32 @!p0 s5, s7;
	[sflag:s6] =	ssyncadd.s32 @!p0 $0xFFFFFFFF  }
0x2b: {  	s26 =	simm.s32 $0x1B8E;
	s25 =	sld [smem:$0x3FFE];
	[sflag:s5] =	ssyncadd.remote.s32 @!p0 $0x1  }
0x2c: {  	s27 =	simm.s32 $execute0_lowered;
	[smem:$0x3FD2] =	sst s26  }
0x2d: {  	s6 =	sshll.u32 s27, $0x1;
	_ =	strace $0x8000004C;
	[dreg:$0x1] =	wrdreg $0xFFFFFFFF  }
0x2e: {  	s28 =	simm.s32 $_size_execute0_lowered;
	s4 =	sadd.s32 s4, s6;
	[dreg:$0x0] =	wrdreg $0x0  }
0x2f: {  	s6 =	sshll.u32 s28, $0x1;
	[dreg:$0x2] =	wrdreg s4  }
0x30: {  	[dreg:$0x3] =	wrdreg s6  }
0x31: {  	[dreg:$0x4] =	wrdreg $0xC0  }
0x32: {  	_ =	task [dreg:s23], $0x5FFFF  }
0x33: {  	[dreg:$0x1] =	wrdreg $0xFFFFFFFF  }
0x34: {  	[dreg:$0x0] =	wrdreg $0x60  }
0x35: {  	[dreg:$0x2] =	wrdreg s19  }
0x36: {  	[dreg:$0x3] =	wrdreg s25  }
0x37: {  	[dreg:$0x4] =	wrdreg $0xA  }
0x38: {  	_ =	task.clear_ibuf [dreg:s23], $0x5FFFF;
	_ =	strace $0x9000004C  }
0x39: {  	s29 =	simm.s32 $0xA;
	_ =	strace $0x8000004E  }
0x3a: {  	_ =	swait.ge [sflag:s29], $0x1  }
0x3b: {  	[sflag:s29] =	ssyncadd.s32 $0xFFFFFFFF  }
0x3c: {  	_ =	strace $0x9000004E  }
0x3d: {  	_ =	sfence  }
0x3e: {  	s30 =	sld [smem:$0x0];
	_ =	sdelay $0x2  }
0x3f: {  	s31 =	sshll.u32 s1, $0xD;
	s1 =	sshrl.u32 s1, $0x2  }
0x40: {  	s4 =	sand.u32 $0x4000, s31;
	s1 =	sadd.s32 s1, s30  }
0x41: {  	s0 =	sor.u32 s4, s0;
	s1 =	sshll.u32 s1, $0x11  }
0x42: {  	s0 =	sor.u32 s1, s0  }
0x43: {  	s0 =	sadd.s32 $0x8F2B, s0  }
0x44: {  	[sflag:s0] =	ssyncadd.remote.s32 $0x1  }
0x45: {  	_ =	sfence.sel $0xFFFF  }
0x46: {  	[dreg:$0x0] =	wrdreg $0xFFFFFFFF;
	(pc) =	sbr.abs _section_cstart, $3  }
0x47: {  	[dreg:$0x1] =	wrdreg $0xFFFFFFFF  }
0x48: {  	_ =	task.clear_ibuf [dreg:s23], $0x2FFFF;
	_ =	strace $0x9FFFFFFF  }
0x49: {  	(tm) =	ssettm $0x7FFFFFFF  }
tec
execute0_lowered:
.L_overlay_start_1:
0x0: {  	(tag) =	ssettag $0x1  }
0x1: {  	s2 =	rddreg [dreg:$0x0]  }
0x2: {  	s4 =	rddreg [dreg:$0x1]  }
0x3: {  	s0 =	rddreg [dreg:$0x2];
	s1 =	stileid.u32  }
0x4: {  	_ =	strace $0x8000004D;
	s5 =	srdreg.scid;
	s9 =	simm.s32 $0x2  }
0x5: {  	s18 =	simm.s32 $0x0;
	p0 =	por $0x0, $0x0;
	s15 =	simm.s32 $0x0  }
0x6: {  	s16 =	simm.s32 $0x0;
	s17 =	simm.s32 $0x0;
	s10 =	simm.s32 $0x0  }
0x7: {  	s11 =	simm.s32 $0x0;
	s14 =	simm.s32 $0x0;
	s3 =	sand.u32 $0x1, s1  }
0x8: {  	s4 =	sadd.s32 $0x402E00, s4;
	s5 =	sshll.u32 s5, $0x4;
	s6 =	ssub.s32 $0x2, s3  }
.Ltmp0:
0x9: {  	s5 =	sand.u32 $0x10, s5;
	s7 =	sshrl.u32 s6, $0x1;
	(pc) =	sbr.rel .LBB1_1-.Ltmp0, $4  }
0xa: {  	s6 =	sand.u32 $0x1, s6;
	s8 =	sor.u32 s1, s5;
	s5 =	simm.s32 $0x1  }
0xb: {  	s13 =	smov.u32 s3;
	s6 =	sadd.s32 s6, s7;
	[sflag:s5] =	ssyncpa.u1 $0x0  }
0xc: {  	s7 =	sshrl.u32 s8, $0x1;
	s6 =	sshll.u32 s6, $0x4;
	[sflag:s9] =	ssyncpa.u1 $0x0  }
0xd: {  	s9 =	simm.s32 $0x80;
	s12 =	smov.u32 s7;
	s8 =	sor.u32 $0x1, s6  }
.LBB1_4:
0xe: {  	_ = 	snop  }
0xf: {  	[tilespmem:s23+$0x1860 ss:$0x41] =	vst.msk $0xffff, v8  }
0x10: {  	[tilespmem:s23+$0x1C70 ss:$0x41] =	vst.msk $0xffff, v7  }
0x11: {  	[tilespmem:s23+$0x2490 ss:$0x41] =	vst.msk $0xffff, v1  }
0x12: {  	s26 =	sor.u32 s29, s28;
	v47 =	vld.idx.msk [tilespmem:v0+s21+$0x470 ss:$0x1], $0xffff;
	[tilespmem:s23+$0x28A0 ss:$0x41] =	vst.msk $0xffff, v2  }
0x13: {  	[tilespmem:s23+$0x2CB0 ss:$0x41] =	vst.msk $0xffff, v3;
	v57 =	vld.idx.msk [tilespmem:v0+s26+$0x410 ss:$0x1], $0xffff  }
0x14: {  	[tilespmem:s23+$0x30C0 ss:$0x41] =	vst.msk $0xffff, v4;
	s27 =	sand.u32 $0x3B00, s26;
	v58 =	vld.idx.msk [tilespmem:v0+s26+$0x420 ss:$0x1], $0xffff  }
0x15: {  	s25 =	sand.u32 $0x80, s25;
	[tilespmem:s23+$0x34D0 ss:$0x41] =	vst.msk $0xffff, v5;
	v59 =	vld.idx.msk [tilespmem:v0+s26+$0x430 ss:$0x1], $0xffff;
	s20 =	sadd.s32 s27, s20  }
0x16: {  	[tilespmem:s23+$0x38E0 ss:$0x41] =	vst.msk $0xffff, v6;
	v60 =	vld.idx.msk [tilespmem:v0+s26+$0x440 ss:$0x1], $0xffff;
	s20 =	sadd.s32 s25, s20;
	s25 =	sshra.s32 s24, $0x2  }
0x17: {  	v61 =	vld.idx.msk [tilespmem:v0+s26+$0x450 ss:$0x1], $0xffff;
	s21 =	sadd.s32 s25, s22;
	[tilespmem:s23+$0x3CF0 ss:$0x41] =	vst.msk $0xffff, v47  }
0x18: {  	v62 =	vld.idx.msk [tilespmem:v0+s26+$0x460 ss:$0x1], $0xffff;
	[tilespmem:s21+$0x2490 ss:$0x41] =	vst.msk $0xffff, v57  }
0x19: {  	v63 =	vld.idx.msk [tilespmem:v0+s26+$0x470 ss:$0x1], $0xffff;
	[tilespmem:s21+$0x28A0 ss:$0x41] =	vst.msk $0xffff, v58  }
0x1a: {  	v48 =	vld [tilespmem:s20+$0x400];
	[tilespmem:s21+$0x2CB0 ss:$0x41] =	vst.msk $0xffff, v59  }
0x1b: {  	v49 =	vld [tilespmem:s20+$0x0];
	[tilespmem:s21+$0x30C0 ss:$0x41] =	vst.msk $0xffff, v60  }
0x1c: {  	v50 =	vld [tilespmem:s20+$0x10];
	[tilespmem:s21+$0x34D0 ss:$0x41] =	vst.msk $0xffff, v61  }
0x1d: {  	v51 =	vld [tilespmem:s20+$0x20];
	[tilespmem:s21+$0x38E0 ss:$0x41] =	vst.msk $0xffff, v62  }
0x1e: {  	v52 =	vld [tilespmem:s20+$0x30];
	[tilespmem:s21+$0x3CF0 ss:$0x41] =	vst.msk $0xffff, v63  }
0x1f: {  	v53 =	vld [tilespmem:s20+$0x40];
	[tilespmem:s21+$0x2080 ss:$0x41] =	vst.msk $0xffff, v48  }
0x20: {  	v54 =	vld [tilespmem:s20+$0x50];
	[tilespmem:s21+$0x0 ss:$0x41] =	vst.msk $0xffff, v49  }
0x21: {  	s18 =	sshll.u32 s18, $0x7;
	s17 =	sshll.u32 s17, $0x14;
	s27 =	sshll.u32 s15, $0x3;
	v55 =	vld [tilespmem:s20+$0x60];
	[tilespmem:s21+$0x410 ss:$0x41] =	vst.msk $0xffff, v50  }
0x22: {  	s16 =	sshll.u32 s16, $0x10;
	s28 =	sand.u32 $0x7FC00, s18;
	v56 =	vld [tilespmem:s20+$0x70];
	s20 =	sand.u32 $0x7FC00, s27;
	[tilespmem:s21+$0x820 ss:$0x41] =	vst.msk $0xffff, v51  }
0x23: {  	s29 =	sshrl.u32 s15, $0x3;
	s18 =	sand.u32 $0x380, s18;
	s20 =	sadd.s32 s20, s28;
	[tilespmem:s21+$0xC30 ss:$0x41] =	vst.msk $0xffff, v52  }
0x24: {  	s30 =	sand.u32 $0x7, s15;
	s17 =	sadd.s32 s4, s17;
	s18 =	sor.u32 s18, s20;
	[tilespmem:s21+$0x1040 ss:$0x41] =	vst.msk $0xffff, v53  }
0x25: {  	s16 =	sadd.s32 s16, s17;
	s20 =	sand.u32 $0xF, s29;
	s18 =	sshrl.u32 s18, $0x3;
	[tilespmem:s21+$0x1450 ss:$0x41] =	vst.msk $0xffff, v54  }
0x26: {  	s15 =	sshll.u32 s30, $0x12;
	s16 =	sadd.s32 s20, s16;
	s31 =	sand.u32 $0xFFF0, s18;
	[tilespmem:s21+$0x1860 ss:$0x41] =	vst.msk $0xffff, v55  }
0x27: {  	s15 =	sor.u32 $0x40, s15;
	[tilespmem:s21+$0x1C70 ss:$0x41] =	vst.msk $0xffff, v56;
	s16 =	sadd.s32 s31, s16  }
0x28: {  	[hbm4b:s16+s15] =	stream.strided.scatter [tilespmem:s19], [sflag:$0x2], $0x4000, s9, s15, $0x18;
	[tilespmem:$0x10200] =	vst v63  }
.LBB1_5:
0x29: {  	s19 =	sadd.s32 $0x100, s10  }
0x2a: {  	s15 =	sadd.s32 $0x40, s11;
	s20 =	smov.u32 s11;
	p2 =	sgt.s32 s19, $0xFFF  }
0x2b: {  	s20 =	smov.u32 @p2 s15  }
0x2c: {  	s21 =	smov.u32 s12;
	s15 =	sadd.s32 $0x10, s12;
	p3 =	sgt.s32 s20, $0x3F  }
0x2d: {  	s21 =	smov.u32 @p3 s15  }
0x2e: {  	s22 =	smov.u32 s13;
	s15 =	sadd.s32 $0x2, s13;
	p4 =	sgt.s32 s21, $0xF  }
0x2f: {  	p1 =	slt.u32 s14, $0x2;
	s22 =	smov.u32 @p4 s15  }
0x30: {  	s18 =	smov.u32 s10;
	s19 =	simm.s32 @p2 $0x0;
	p2 =	sgt.s32 s22, $0x1  }
0x31: {  	s23 =	simm.s32 @!p1 $0x2;
	s22 =	smov.u32 @p2 s3;
	p2 =	sne.s32 s14, s8  }
.Ltmp1:
0x32: {  	s16 =	smov.u32 s12;
	_ =	swait.ge @!p1 [sflag:s23], $0x4000;
	(pc) =	sbr.rel @!p2 .LBB1_6-.Ltmp1, $4  }
0x33: {  	s17 =	smov.u32 s13;
	p0 =	por !p0, !p0;
	[sflag:s23] =	ssyncset.done @!p1 $0x0  }
0x34: {  	s10 =	smov.u32 s19;
	s20 =	simm.s32 @p3 $0x0;
	[sflag:s23] =	ssyncadd.s32 @!p1 $0xFFFFC000  }
0x35: {  	s21 =	smov.u32 @p4 s7;
	s15 =	smov.u32 s11;
	s11 =	smov.u32 s20  }
0x36: {  	s12 =	smov.u32 s21;
	s14 =	sadd.s32 $0x1, s14;
	s13 =	smov.u32 s22  }
.LBB1_1:
0x37: {  	p1 =	sge.u32 s14, s6  }
0x38: {  	s31 =	sadd.s32 $0xFFFFFFFF, s14;
	s19 =	sxor.u32 @!p1 $0xFFFFFFFF, s14;
	s20 =	sand.u32 @!p1 $0x78, s10  }
0x39: {  	s21 =	sshll.u32 @!p1 s11, $0x7;
	s22 =	sshll.u32 @!p1 s11, $0xC;
	s23 =	sshll.u32 @!p1 s10, $0x3  }
0x3a: {  	s19 =	sshll.u32 @!p1 s19, $0xE;
	s21 =	sand.u32 @!p1 $0x380, s21;
	s22 =	sand.u32 @!p1 $0x38000, s22  }
0x3b: {  	s19 =	sand.u32 @!p1 $0x4000, s19;
	s20 =	sor.u32 @!p1 s21, s20;
	s21 =	sand.u32 @!p1 $0xC00, s23  }
0x3c: {  	s22 =	sadd.s32 @!p1 s22, s23;
	s20 =	sor.u32 @!p1 s21, s20;
	s21 =	sshll.u32 @!p1 s13, $0x13  }
0x3d: {  	s23 =	sshll.u32 @!p1 s12, $0xF;
	s22 =	sshrl.u32 @!p1 s22, $0x3;
	s21 =	sadd.s32 @!p1 s2, s21  }
0x3e: {  	s22 =	sand.u32 @!p1 $0x7E00, s22;
	s21 =	sadd.s32 @!p1 s23, s21;
	s23 =	sand.u32 @!p1 $0x7, s10  }
0x3f: {  	s20 =	sshrl.u32 @!p1 s20, $0x3;
	s21 =	sadd.s32 @!p1 s22, s21;
	s22 =	sshll.u32 @!p1 s23, $0x12  }
0x40: {  	s20 =	sadd.s32 @!p1 s20, s21;
	s21 =	sor.u32 @!p1 $0x800, s22;
	s22 =	simm.s32 @!p1 $0x8000  }
0x41: {  	[tilespmem:s19], [sflag:$0x1] =	stream.strided.gather @!p1 [hbm4b:s20+s21], $0x4000, s22, s21, $0x38;
	[tilespmem:$0x10200] =	vst v63  }
0x42: {  	p1 =	sge.u32 s31, s6  }
.Ltmp2:
0x43: {  	_ = 	snop;
	(pc) =	sbr.rel @p1 .LBB1_5-.Ltmp2, $1  }
0x44: {  	_ =	sdelay $0x3  }
0x45: {  	s22 =	simm.s32 $0x0  }
0x46: {  	s21 =	sand.u32 $0x3800, s22;
	s23 =	sand.u32 $0x380, s22  }
0x47: {  	s19 =	sand.u32 $0x1, s14;
	s21 =	sor.u32 s23, s21  }
0x48: {  	_ =	swait.ge [sflag:s5], $0x4000;
	s20 =	sshll.u32 s19, $0xE;
	s23 =	sand.u32 $0x3B00, s21  }
0x49: {  	[sflag:s5] =	ssyncset.done $0x0;
	s22 =	sand.u32 $0x80, s22;
	s23 =	sadd.s32 s23, s20  }
0x4a: {  	[sflag:s5] =	ssyncadd.s32 $0xFFFFC000;
	s25 =	sadd.s32 s22, s23  }
0x4b: {  	v4 =	vld [tilespmem:s25+$0x400]  }
0x4c: {  	s24 =	simm.s32 $0x1;
	v5 =	vld [tilespmem:s25+$0x0]  }
0x4d: {  	s24 =	simm.s32 @!p0 $0x0;
	v6 =	vld [tilespmem:s25+$0x10]  }
0x4e: {  	v0 =	vmov s20;
	s31 =	smul.u32 $0x10400, s24;
	v7 =	vld [tilespmem:s25+$0x20]  }
0x4f: {  	v9 =	vld [tilespmem:s25+$0x30]  }
0x50: {  	s22 =	sshrl.u32 s31, $0x2;
	v10 =	vld [tilespmem:s25+$0x40]  }
0x51: {  	s22 =	sor.u32 $0x8000, s22;
	v11 =	vld [tilespmem:s25+$0x50]  }
0x52: {  	v8 =	vld [tilespmem:s25+$0x60];
	s23 =	sadd.s32 $0x0, s22  }
0x53: {  	v1 =	vld.idx.msk [tilespmem:v0+s21+$0x410 ss:$0x1], $0xffff;
	[tilespmem:s23+$0x2080 ss:$0x41] =	vst.msk $0xffff, v4  }
0x54: {  	v2 =	vld.idx.msk [tilespmem:v0+s21+$0x420 ss:$0x1], $0xffff;
	[tilespmem:s23+$0x0 ss:$0x41] =	vst.msk $0xffff, v5  }
0x55: {  	v3 =	vld.idx.msk [tilespmem:v0+s21+$0x430 ss:$0x1], $0xffff;
	[tilespmem:s23+$0x410 ss:$0x41] =	vst.msk $0xffff, v6  }
0x56: {  	s19 =	smul.u32 $0x10400, s19;
	[tilespmem:s23+$0x820 ss:$0x41] =	vst.msk $0xffff, v7;
	v7 =	vld [tilespmem:s25+$0x70]  }
0x57: {  	s26 =	simm.s32 $0x100;
	s27 =	simm.s32 $0x8;
	[tilespmem:s23+$0xC30 ss:$0x41] =	vst.msk $0xffff, v9;
	v4 =	vld.idx.msk [tilespmem:v0+s21+$0x440 ss:$0x1], $0xffff  }
0x58: {  	s28 =	sand.u32 $0x3800, s26;
	s19 =	sshrl.u32 s19, $0x2;
	[tilespmem:s23+$0x1040 ss:$0x41] =	vst.msk $0xffff, v10;
	v5 =	vld.idx.msk [tilespmem:v0+s21+$0x450 ss:$0x1], $0xffff;
	s25 =	simm.s32 $0x80  }
0x59: {  	s24 =	simm.s32 $0x4;
	s19 =	sor.u32 $0x8000, s19;
	[tilespmem:s23+$0x1450 ss:$0x41] =	vst.msk $0xffff, v11;
	v6 =	vld.idx.msk [tilespmem:v0+s21+$0x460 ss:$0x1], $0xffff;
	s29 =	sand.u32 $0x380, s25  }
.LBB1_3:
0x5a: {  	p1 =	sne.s32 s27, $0xFC;
	[tilespmem:s23+$0x1860 ss:$0x41] =	vst.msk $0xffff, v8;
	v8 =	vld.idx.msk [tilespmem:v0+s21+$0x470 ss:$0x1], $0xffff;
	s21 =	sor.u32 s29, s28  }
0x5b: {  	s28 =	sand.u32 $0x3B00, s21;
	v9 =	vld.idx.msk [tilespmem:v0+s21+$0x410 ss:$0x1], $0xffff;
	[tilespmem:s23+$0x1C70 ss:$0x41] =	vst.msk $0xffff, v7  }
0x5c: {  	s29 =	sand.u32 $0x80, s25;
	s28 =	sadd.s32 s28, s20;
	v7 =	vld.idx.msk [tilespmem:v0+s21+$0x420 ss:$0x1], $0xffff;
	[tilespmem:s23+$0x2490 ss:$0x41] =	vst.msk $0xffff, v1  }
0x5d: {  	s28 =	sadd.s32 s29, s28;
	v10 =	vld.idx.msk [tilespmem:v0+s21+$0x430 ss:$0x1], $0xffff;
	[tilespmem:s23+$0x28A0 ss:$0x41] =	vst.msk $0xffff, v2  }
0x5e: {  	v11 =	vld [tilespmem:s28+$0x400];
	[tilespmem:s23+$0x2CB0 ss:$0x41] =	vst.msk $0xffff, v3  }
0x5f: {  	v12 =	vld [tilespmem:s28+$0x0];
	[tilespmem:s23+$0x30C0 ss:$0x41] =	vst.msk $0xffff, v4  }
0x60: {  	v4 =	vld [tilespmem:s28+$0x10];
	[tilespmem:s23+$0x34D0 ss:$0x41] =	vst.msk $0xffff, v5  }
0x61: {  	s29 =	sshra.s32 s24, $0x2;
	s24 =	smov.u32 s27;
	v1 =	vmov v9;
	v5 =	vld [tilespmem:s28+$0x20];
	[tilespmem:s23+$0x38E0 ss:$0x41] =	vst.msk $0xffff, v6  }
0x62: {  	v2 =	vmov v7;
	v6 =	vld [tilespmem:s28+$0x30];
	[tilespmem:s23+$0x3CF0 ss:$0x41] =	vst.msk $0xffff, v8;
	s23 =	sadd.s32 s29, s22  }
0x63: {  	v3 =	vmov v10;
	v9 =	vld [tilespmem:s28+$0x40];
	[tilespmem:s23+$0x2080 ss:$0x41] =	vst.msk $0xffff, v11  }
0x64: {  	[tilespmem:s23+$0x0 ss:$0x41] =	vst.msk $0xffff, v12;
	v10 =	vld [tilespmem:s28+$0x50]  }
.Ltmp3:
0x65: {  	[tilespmem:s23+$0x410 ss:$0x41] =	vst.msk $0xffff, v4;
	v8 =	vld [tilespmem:s28+$0x60];
	(pc) =	sbr.rel @p1 .LBB1_3-.Ltmp3, $4  }
0x66: {  	[tilespmem:s23+$0x820 ss:$0x41] =	vst.msk $0xffff, v5;
	v7 =	vld [tilespmem:s28+$0x70]  }
0x67: {  	[tilespmem:s23+$0xC30 ss:$0x41] =	vst.msk $0xffff, v6;
	v4 =	vld.idx.msk [tilespmem:v0+s21+$0x440 ss:$0x1], $0xffff  }
0x68: {  	s25 =	sadd.s32 $0x80, s25;
	s26 =	sadd.s32 $0x100, s26;
	[tilespmem:s23+$0x1040 ss:$0x41] =	vst.msk $0xffff, v9;
	v5 =	vld.idx.msk [tilespmem:v0+s21+$0x450 ss:$0x1], $0xffff  }
0x69: {  	s27 =	sadd.s32 $0x4, s27;
	s29 =	sand.u32 $0x380, s25;
	s28 =	sand.u32 $0x3800, s26;
	[tilespmem:s23+$0x1450 ss:$0x41] =	vst.msk $0xffff, v10;
	v6 =	vld.idx.msk [tilespmem:v0+s21+$0x460 ss:$0x1], $0xffff  }
.Ltmp4:
0x6a: {  	_ = 	snop;
	(pc) =	sbr.rel .LBB1_4-.Ltmp4, $1  }
0x6b: {  	_ =	sdelay $0x3  }
.LBB1_6:
0x6c: {  	_ =	sfence.sel $0x180000  }
0x6d: {  	s2 =	simm.s32 $0x1;
	[bflag:$0x0] =	sbarrier.arrive $0xFFFF  }
0x6e: {  	s31 =	simm.s32 $0x2;
	[sflag:s2] =	ssyncpa.u1 $0x1  }
0x6f: {  	[sflag:s31] =	ssyncpa.u1 $0x1  }
0x70: {  	p0 =	sne.s32 s1, $0x0;
	_ =	strace $0x9000004D  }
0x71: {  	s0 =	sadd.s32 @!p0 $0x100000, s0;
	[bflag:$0x2] =	sbarrier.arrive $0xFFFF  }
0x72: {  	[sflag:s0] =	ssyncadd.tile.s32 @!p0 $0x1;
	_ =	shalt  }
.Lfunc_end1:
_tile_overlayer_lowered:
.L_overlay_start_2:
0x73: {  	(tag) =	ssettag $0x2  }
0x74: {  	s0 =	rddreg [dreg:$0x0];
	s2 =	stileid.u32  }
0x75: {  	s1 =	rddreg [dreg:$0x1];
	p0 =	sne.s32 s2, $0x0  }
0x76: {  	s3 =	rddreg [dreg:$0x2];
	[bflag:$0x3] =	sbarrier.arrive $0xFFFF;
	s2 =	simm.s32 @!p0 $0x1C01  }
0x77: {  	[timem:s3], [sflag:s2] =	dma.local @!p0 [hbm:s0], s1  }
0x78: {  	s0 =	simm.s32 @!p0 $0x1  }
0x79: {  	_ =	swait.ge @!p0 [sflag:s0], s1  }
0x7a: {  	s1 =	ssub.s32 @!p0 $0x0, s1;
	[sflag:s0] =	ssyncset.done @!p0 $0x0  }
0x7b: {  	[sflag:s0] =	ssyncadd.s32 @!p0 s1  }
0x7c: {  	[bflag:$0x3] =	sbarrier.arrive $0xFFFF  }
0x7d: {  	_ =	shalt  }

// kernel: sparse-core-data-format-call.3.cloned.1.call-start
scs
called_computation.3_lowered:
.L_overlay_start_0:
0x0: {  	s2 =	sld [smem:$0x3FD9]  }
0x1: {  	s3 =	sld [smem:$0x3FFE];
	_ =	sdelay $0x1  }
0x2: {  	s1 =	srdreg.scid  }
0x3: {  	s0 =	sand.u32 $0x1, s1  }
0x4: {  	s18 =	sshll.u32 s0, $0xA;
	s2 =	sadd.s32 s3, s2  }
0x5: {  	s2 =	sadd.s32 s2, s18  }
0x6: {  	[smem:$0x3FC4] =	sst s2  }
0x7: {  	_ = 	snop  }
0x8: {  	s2 =	sld [smem:$0x3FC9];
	(tm) =	ssettm $0x1  }
0x9: {  	s19 =	sld [smem:$0x3FFB];
	_ =	sdelay $0x3  }
0xa: {  	_ =	strace s19  }
0xb: {  	s3 =	sld [smem:$0x3FFC];
	_ =	sdelay $0x3  }
0xc: {  	_ =	strace s3  }
0xd: {  	s3 =	sld [smem:$0x3FFD];
	_ =	sdelay $0x3  }
0xe: {  	_ =	strace s3  }
0xf: {  	_ =	strace $0x8FFFFFFF  }
0x10: {  	s20 =	sld [smem:$0x3FDB];
	_ =	sdelay $0x1  }
0x11: {  	s4 =	simm.s32 $_scs_section_size  }
0x12: {  	s5 =	simm.s32 $_size__tile_overlayer_lowered;
	s6 =	simm.s32 $_tile_overlayer_lowered  }
0x13: {  	s23 =	simm.s32 $0x1BFF;
	s22 =	sshll.u32 s6, $0x1;
	s3 =	sadd.s32 s4, s20  }
0x14: {  	s7 =	simm.s32 $0x0;
	s21 =	sshll.u32 s5, $0x1;
	s5 =	sadd.s32 s22, s3  }
0x15: {  	[timem:s7], [sflag:s23] =	dma.local [hbm:s5], s21  }
0x16: {  	_ =	swait.ge [sflag:s23], s21  }
0x17: {  	s4 =	ssub.s32 $0x0, s21;
	[sflag:s23] =	ssyncset.done $0x0  }
0x18: {  	[sflag:s23] =	ssyncadd.s32 s4;
	_ =	sdelay $0x1  }
0x19: {  	s24 =	simm.s32 $0x1B8B  }
0x1a: {  	_ =	swait.ge [sflag:s24], $0x1  }
0x1b: {  	[sflag:s24] =	ssyncset.done $0x0  }
0x1c: {  	s26 =	simm.s32 $0x1B8E;
	s25 =	sld [smem:$0x3FFE];
	[sflag:s24] =	ssyncadd.s32 $0xFFFFFFFF  }
0x1d: {  	s27 =	simm.s32 $execute0_lowered;
	[smem:$0x3FD2] =	sst s26  }
0x1e: {  	s5 =	sshll.u32 s27, $0x1;
	_ =	strace $0x80000046;
	[dreg:$0x1] =	wrdreg $0xFFFFFFFF  }
0x1f: {  	s28 =	simm.s32 $_size_execute0_lowered;
	s3 =	sadd.s32 s3, s5;
	[dreg:$0x0] =	wrdreg $0x0  }
0x20: {  	s5 =	sshll.u32 s28, $0x1;
	[dreg:$0x2] =	wrdreg s3  }
0x21: {  	[dreg:$0x3] =	wrdreg s5  }
0x22: {  	[dreg:$0x4] =	wrdreg $0xC0  }
0x23: {  	_ =	task [dreg:s7], $0x5FFFF  }
0x24: {  	[dreg:$0x1] =	wrdreg $0xFFFFFFFF  }
0x25: {  	[dreg:$0x0] =	wrdreg $0x60  }
0x26: {  	[dreg:$0x2] =	wrdreg s2  }
0x27: {  	[dreg:$0x3] =	wrdreg s25  }
0x28: {  	[dreg:$0x4] =	wrdreg $0xB  }
0x29: {  	_ =	task.clear_ibuf [dreg:s7], $0x5FFFF;
	_ =	strace $0x90000046  }
0x2a: {  	s29 =	simm.s32 $0xB;
	_ =	strace $0x80000048  }
0x2b: {  	_ =	swait.ge [sflag:s29], $0x1  }
0x2c: {  	[sflag:s29] =	ssyncadd.s32 $0xFFFFFFFF  }
0x2d: {  	_ =	strace $0x90000048  }
0x2e: {  	_ =	sfence  }
0x2f: {  	s30 =	sld [smem:$0x0];
	_ =	sdelay $0x2  }
0x30: {  	s31 =	sshll.u32 s1, $0xD;
	s1 =	sshrl.u32 s1, $0x2  }
0x31: {  	s3 =	sand.u32 $0x4000, s31;
	s1 =	sadd.s32 s1, s30  }
0x32: {  	s0 =	sor.u32 s3, s0;
	s1 =	sshll.u32 s1, $0x11  }
0x33: {  	s0 =	sor.u32 s1, s0  }
0x34: {  	s0 =	sadd.s32 $0x8F2B, s0  }
0x35: {  	[sflag:s0] =	ssyncadd.remote.s32 $0x1  }
0x36: {  	_ =	sfence.sel $0xFFFF  }
0x37: {  	[dreg:$0x0] =	wrdreg $0xFFFFFFFF;
	(pc) =	sbr.abs _section_cstart, $3  }
0x38: {  	[dreg:$0x1] =	wrdreg $0xFFFFFFFF  }
0x39: {  	_ =	task.clear_ibuf [dreg:s7], $0x2FFFF;
	_ =	strace $0x9FFFFFFF  }
0x3a: {  	(tm) =	ssettm $0x7FFFFFFF  }
0x3b: {  	_ =	shalt  }
tec
execute0_lowered:
.L_overlay_start_1:
0x0: {  	(tag) =	ssettag $0x1  }
0x1: {  	s2 =	rddreg [dreg:$0x0]  }
0x2: {  	s4 =	rddreg [dreg:$0x1]  }
0x3: {  	s0 =	rddreg [dreg:$0x2];
	s1 =	stileid.u32  }
0x4: {  	_ =	strace $0x80000047;
	s5 =	srdreg.scid;
	s9 =	simm.s32 $0x2  }
0x5: {  	s18 =	simm.s32 $0x0;
	p0 =	por $0x0, $0x0;
	s15 =	simm.s32 $0x0  }
0x6: {  	s16 =	simm.s32 $0x0;
	s17 =	simm.s32 $0x0;
	s10 =	simm.s32 $0x0  }
0x7: {  	s11 =	simm.s32 $0x0;
	s14 =	simm.s32 $0x0;
	s3 =	sand.u32 $0x1, s1  }
0x8: {  	s4 =	sadd.s32 $0x2E00, s4;
	s5 =	sshll.u32 s5, $0x4;
	s6 =	ssub.s32 $0x2, s3  }
.Ltmp0:
0x9: {  	s5 =	sand.u32 $0x10, s5;
	s7 =	sshrl.u32 s6, $0x1;
	(pc) =	sbr.rel .LBB1_1-.Ltmp0, $4  }
0xa: {  	s6 =	sand.u32 $0x1, s6;
	s8 =	sor.u32 s1, s5;
	s5 =	simm.s32 $0x1  }
0xb: {  	s13 =	smov.u32 s3;
	s6 =	sadd.s32 s6, s7;
	[sflag:s5] =	ssyncpa.u1 $0x0  }
0xc: {  	s7 =	sshrl.u32 s8, $0x1;
	s6 =	sshll.u32 s6, $0x4;
	[sflag:s9] =	ssyncpa.u1 $0x0  }
0xd: {  	s9 =	simm.s32 $0x80;
	s12 =	smov.u32 s7;
	s8 =	sor.u32 $0x1, s6  }
.LBB1_4:
0xe: {  	_ = 	snop  }
0xf: {  	[tilespmem:s23+$0x1860 ss:$0x41] =	vst.msk $0xffff, v8  }
0x10: {  	[tilespmem:s23+$0x1C70 ss:$0x41] =	vst.msk $0xffff, v7  }
0x11: {  	[tilespmem:s23+$0x2490 ss:$0x41] =	vst.msk $0xffff, v1  }
0x12: {  	s26 =	sor.u32 s29, s28;
	v47 =	vld.idx.msk [tilespmem:v0+s21+$0x470 ss:$0x1], $0xffff;
	[tilespmem:s23+$0x28A0 ss:$0x41] =	vst.msk $0xffff, v2  }
0x13: {  	[tilespmem:s23+$0x2CB0 ss:$0x41] =	vst.msk $0xffff, v3;
	v57 =	vld.idx.msk [tilespmem:v0+s26+$0x410 ss:$0x1], $0xffff  }
0x14: {  	[tilespmem:s23+$0x30C0 ss:$0x41] =	vst.msk $0xffff, v4;
	s27 =	sand.u32 $0x3B00, s26;
	v58 =	vld.idx.msk [tilespmem:v0+s26+$0x420 ss:$0x1], $0xffff  }
0x15: {  	s25 =	sand.u32 $0x80, s25;
	[tilespmem:s23+$0x34D0 ss:$0x41] =	vst.msk $0xffff, v5;
	v59 =	vld.idx.msk [tilespmem:v0+s26+$0x430 ss:$0x1], $0xffff;
	s20 =	sadd.s32 s27, s20  }
0x16: {  	[tilespmem:s23+$0x38E0 ss:$0x41] =	vst.msk $0xffff, v6;
	v60 =	vld.idx.msk [tilespmem:v0+s26+$0x440 ss:$0x1], $0xffff;
	s20 =	sadd.s32 s25, s20;
	s25 =	sshra.s32 s24, $0x2  }
0x17: {  	v61 =	vld.idx.msk [tilespmem:v0+s26+$0x450 ss:$0x1], $0xffff;
	s21 =	sadd.s32 s25, s22;
	[tilespmem:s23+$0x3CF0 ss:$0x41] =	vst.msk $0xffff, v47  }
0x18: {  	v62 =	vld.idx.msk [tilespmem:v0+s26+$0x460 ss:$0x1], $0xffff;
	[tilespmem:s21+$0x2490 ss:$0x41] =	vst.msk $0xffff, v57  }
0x19: {  	v63 =	vld.idx.msk [tilespmem:v0+s26+$0x470 ss:$0x1], $0xffff;
	[tilespmem:s21+$0x28A0 ss:$0x41] =	vst.msk $0xffff, v58  }
0x1a: {  	v48 =	vld [tilespmem:s20+$0x400];
	[tilespmem:s21+$0x2CB0 ss:$0x41] =	vst.msk $0xffff, v59  }
0x1b: {  	v49 =	vld [tilespmem:s20+$0x0];
	[tilespmem:s21+$0x30C0 ss:$0x41] =	vst.msk $0xffff, v60  }
0x1c: {  	v50 =	vld [tilespmem:s20+$0x10];
	[tilespmem:s21+$0x34D0 ss:$0x41] =	vst.msk $0xffff, v61  }
0x1d: {  	v51 =	vld [tilespmem:s20+$0x20];
	[tilespmem:s21+$0x38E0 ss:$0x41] =	vst.msk $0xffff, v62  }
0x1e: {  	v52 =	vld [tilespmem:s20+$0x30];
	[tilespmem:s21+$0x3CF0 ss:$0x41] =	vst.msk $0xffff, v63  }
0x1f: {  	v53 =	vld [tilespmem:s20+$0x40];
	[tilespmem:s21+$0x2080 ss:$0x41] =	vst.msk $0xffff, v48  }
0x20: {  	v54 =	vld [tilespmem:s20+$0x50];
	[tilespmem:s21+$0x0 ss:$0x41] =	vst.msk $0xffff, v49  }
0x21: {  	s18 =	sshll.u32 s18, $0x7;
	s17 =	sshll.u32 s17, $0x14;
	s27 =	sshll.u32 s15, $0x3;
	v55 =	vld [tilespmem:s20+$0x60];
	[tilespmem:s21+$0x410 ss:$0x41] =	vst.msk $0xffff, v50  }
0x22: {  	s16 =	sshll.u32 s16, $0x10;
	s28 =	sand.u32 $0x7FC00, s18;
	v56 =	vld [tilespmem:s20+$0x70];
	s20 =	sand.u32 $0x7FC00, s27;
	[tilespmem:s21+$0x820 ss:$0x41] =	vst.msk $0xffff, v51  }
0x23: {  	s29 =	sshrl.u32 s15, $0x3;
	s18 =	sand.u32 $0x380, s18;
	s20 =	sadd.s32 s20, s28;
	[tilespmem:s21+$0xC30 ss:$0x41] =	vst.msk $0xffff, v52  }
0x24: {  	s30 =	sand.u32 $0x7, s15;
	s17 =	sadd.s32 s4, s17;
	s18 =	sor.u32 s18, s20;
	[tilespmem:s21+$0x1040 ss:$0x41] =	vst.msk $0xffff, v53  }
0x25: {  	s16 =	sadd.s32 s16, s17;
	s20 =	sand.u32 $0xF, s29;
	s18 =	sshrl.u32 s18, $0x3;
	[tilespmem:s21+$0x1450 ss:$0x41] =	vst.msk $0xffff, v54  }
0x26: {  	s15 =	sshll.u32 s30, $0x12;
	s16 =	sadd.s32 s20, s16;
	s31 =	sand.u32 $0xFFF0, s18;
	[tilespmem:s21+$0x1860 ss:$0x41] =	vst.msk $0xffff, v55  }
0x27: {  	s15 =	sor.u32 $0x40, s15;
	[tilespmem:s21+$0x1C70 ss:$0x41] =	vst.msk $0xffff, v56;
	s16 =	sadd.s32 s31, s16  }
0x28: {  	[hbm4b:s16+s15] =	stream.strided.scatter [tilespmem:s19], [sflag:$0x2], $0x4000, s9, s15, $0x18;
	[tilespmem:$0x10200] =	vst v63  }
.LBB1_5:
0x29: {  	s19 =	sadd.s32 $0x100, s10  }
0x2a: {  	s15 =	sadd.s32 $0x40, s11;
	s20 =	smov.u32 s11;
	p2 =	sgt.s32 s19, $0xFFF  }
0x2b: {  	s20 =	smov.u32 @p2 s15  }
0x2c: {  	s21 =	smov.u32 s12;
	s15 =	sadd.s32 $0x10, s12;
	p3 =	sgt.s32 s20, $0x3F  }
0x2d: {  	s21 =	smov.u32 @p3 s15  }
0x2e: {  	s22 =	smov.u32 s13;
	s15 =	sadd.s32 $0x2, s13;
	p4 =	sgt.s32 s21, $0xF  }
0x2f: {  	p1 =	slt.u32 s14, $0x2;
	s22 =	smov.u32 @p4 s15  }
0x30: {  	s18 =	smov.u32 s10;
	s19 =	simm.s32 @p2 $0x0;
	p2 =	sgt.s32 s22, $0x1  }
0x31: {  	s23 =	simm.s32 @!p1 $0x2;
	s22 =	smov.u32 @p2 s3;
	p2 =	sne.s32 s14, s8  }
.Ltmp1:
0x32: {  	s16 =	smov.u32 s12;
	_ =	swait.ge @!p1 [sflag:s23], $0x4000;
	(pc) =	sbr.rel @!p2 .LBB1_6-.Ltmp1, $4  }
0x33: {  	s17 =	smov.u32 s13;
	p0 =	por !p0, !p0;
	[sflag:s23] =	ssyncset.done @!p1 $0x0  }
0x34: {  	s10 =	smov.u32 s19;
	s20 =	simm.s32 @p3 $0x0;
	[sflag:s23] =	ssyncadd.s32 @!p1 $0xFFFFC000  }
0x35: {  	s21 =	smov.u32 @p4 s7;
	s15 =	smov.u32 s11;
	s11 =	smov.u32 s20  }
0x36: {  	s12 =	smov.u32 s21;
	s14 =	sadd.s32 $0x1, s14;
	s13 =	smov.u32 s22  }
.LBB1_1:
0x37: {  	p1 =	sge.u32 s14, s6  }
0x38: {  	s31 =	sadd.s32 $0xFFFFFFFF, s14;
	s19 =	sxor.u32 @!p1 $0xFFFFFFFF, s14;
	s20 =	sand.u32 @!p1 $0x78, s10  }
0x39: {  	s21 =	sshll.u32 @!p1 s11, $0x7;
	s22 =	sshll.u32 @!p1 s11, $0xC;
	s23 =	sshll.u32 @!p1 s10, $0x3  }
0x3a: {  	s19 =	sshll.u32 @!p1 s19, $0xE;
	s21 =	sand.u32 @!p1 $0x380, s21;
	s22 =	sand.u32 @!p1 $0x38000, s22  }
0x3b: {  	s19 =	sand.u32 @!p1 $0x4000, s19;
	s20 =	sor.u32 @!p1 s21, s20;
	s21 =	sand.u32 @!p1 $0xC00, s23  }
0x3c: {  	s22 =	sadd.s32 @!p1 s22, s23;
	s20 =	sor.u32 @!p1 s21, s20;
	s21 =	sshll.u32 @!p1 s13, $0x13  }
0x3d: {  	s23 =	sshll.u32 @!p1 s12, $0xF;
	s22 =	sshrl.u32 @!p1 s22, $0x3;
	s21 =	sadd.s32 @!p1 s2, s21  }
0x3e: {  	s22 =	sand.u32 @!p1 $0x7E00, s22;
	s21 =	sadd.s32 @!p1 s23, s21;
	s23 =	sand.u32 @!p1 $0x7, s10  }
0x3f: {  	s20 =	sshrl.u32 @!p1 s20, $0x3;
	s21 =	sadd.s32 @!p1 s22, s21;
	s22 =	sshll.u32 @!p1 s23, $0x12  }
0x40: {  	s20 =	sadd.s32 @!p1 s20, s21;
	s21 =	sor.u32 @!p1 $0x800, s22;
	s22 =	simm.s32 @!p1 $0x8000  }
0x41: {  	[tilespmem:s19], [sflag:$0x1] =	stream.strided.gather @!p1 [hbm4b:s20+s21], $0x4000, s22, s21, $0x38;
	[tilespmem:$0x10200] =	vst v63  }
0x42: {  	p1 =	sge.u32 s31, s6  }
.Ltmp2:
0x43: {  	_ = 	snop;
	(pc) =	sbr.rel @p1 .LBB1_5-.Ltmp2, $1  }
0x44: {  	_ =	sdelay $0x3  }
0x45: {  	s22 =	simm.s32 $0x0  }
0x46: {  	s21 =	sand.u32 $0x3800, s22;
	s23 =	sand.u32 $0x380, s22  }
0x47: {  	s19 =	sand.u32 $0x1, s14;
	s21 =	sor.u32 s23, s21  }
0x48: {  	_ =	swait.ge [sflag:s5], $0x4000;
	s20 =	sshll.u32 s19, $0xE;
	s23 =	sand.u32 $0x3B00, s21  }
0x49: {  	[sflag:s5] =	ssyncset.done $0x0;
	s22 =	sand.u32 $0x80, s22;
	s23 =	sadd.s32 s23, s20  }
0x4a: {  	[sflag:s5] =	ssyncadd.s32 $0xFFFFC000;
	s25 =	sadd.s32 s22, s23  }
0x4b: {  	v4 =	vld [tilespmem:s25+$0x400]  }
0x4c: {  	s24 =	simm.s32 $0x1;
	v5 =	vld [tilespmem:s25+$0x0]  }
0x4d: {  	s24 =	simm.s32 @!p0 $0x0;
	v6 =	vld [tilespmem:s25+$0x10]  }
0x4e: {  	v0 =	vmov s20;
	s31 =	smul.u32 $0x10400, s24;
	v7 =	vld [tilespmem:s25+$0x20]  }
0x4f: {  	v9 =	vld [tilespmem:s25+$0x30]  }
0x50: {  	s22 =	sshrl.u32 s31, $0x2;
	v10 =	vld [tilespmem:s25+$0x40]  }
0x51: {  	s22 =	sor.u32 $0x8000, s22;
	v11 =	vld [tilespmem:s25+$0x50]  }
0x52: {  	v8 =	vld [tilespmem:s25+$0x60];
	s23 =	sadd.s32 $0x0, s22  }
0x53: {  	v1 =	vld.idx.msk [tilespmem:v0+s21+$0x410 ss:$0x1], $0xffff;
	[tilespmem:s23+$0x2080 ss:$0x41] =	vst.msk $0xffff, v4  }
0x54: {  	v2 =	vld.idx.msk [tilespmem:v0+s21+$0x420 ss:$0x1], $0xffff;
	[tilespmem:s23+$0x0 ss:$0x41] =	vst.msk $0xffff, v5  }
0x55: {  	v3 =	vld.idx.msk [tilespmem:v0+s21+$0x430 ss:$0x1], $0xffff;
	[tilespmem:s23+$0x410 ss:$0x41] =	vst.msk $0xffff, v6  }
0x56: {  	s19 =	smul.u32 $0x10400, s19;
	[tilespmem:s23+$0x820 ss:$0x41] =	vst.msk $0xffff, v7;
	v7 =	vld [tilespmem:s25+$0x70]  }
0x57: {  	s26 =	simm.s32 $0x100;
	s27 =	simm.s32 $0x8;
	[tilespmem:s23+$0xC30 ss:$0x41] =	vst.msk $0xffff, v9;
	v4 =	vld.idx.msk [tilespmem:v0+s21+$0x440 ss:$0x1], $0xffff  }
0x58: {  	s28 =	sand.u32 $0x3800, s26;
	s19 =	sshrl.u32 s19, $0x2;
	[tilespmem:s23+$0x1040 ss:$0x41] =	vst.msk $0xffff, v10;
	v5 =	vld.idx.msk [tilespmem:v0+s21+$0x450 ss:$0x1], $0xffff;
	s25 =	simm.s32 $0x80  }
0x59: {  	s24 =	simm.s32 $0x4;
	s19 =	sor.u32 $0x8000, s19;
	[tilespmem:s23+$0x1450 ss:$0x41] =	vst.msk $0xffff, v11;
	v6 =	vld.idx.msk [tilespmem:v0+s21+$0x460 ss:$0x1], $0xffff;
	s29 =	sand.u32 $0x380, s25  }
.LBB1_3:
0x5a: {  	p1 =	sne.s32 s27, $0xFC;
	[tilespmem:s23+$0x1860 ss:$0x41] =	vst.msk $0xffff, v8;
	v8 =	vld.idx.msk [tilespmem:v0+s21+$0x470 ss:$0x1], $0xffff;
	s21 =	sor.u32 s29, s28  }
0x5b: {  	s28 =	sand.u32 $0x3B00, s21;
	v9 =	vld.idx.msk [tilespmem:v0+s21+$0x410 ss:$0x1], $0xffff;
	[tilespmem:s23+$0x1C70 ss:$0x41] =	vst.msk $0xffff, v7  }
0x5c: {  	s29 =	sand.u32 $0x80, s25;
	s28 =	sadd.s32 s28, s20;
	v7 =	vld.idx.msk [tilespmem:v0+s21+$0x420 ss:$0x1], $0xffff;
	[tilespmem:s23+$0x2490 ss:$0x41] =	vst.msk $0xffff, v1  }
0x5d: {  	s28 =	sadd.s32 s29, s28;
	v10 =	vld.idx.msk [tilespmem:v0+s21+$0x430 ss:$0x1], $0xffff;
	[tilespmem:s23+$0x28A0 ss:$0x41] =	vst.msk $0xffff, v2  }
0x5e: {  	v11 =	vld [tilespmem:s28+$0x400];
	[tilespmem:s23+$0x2CB0 ss:$0x41] =	vst.msk $0xffff, v3  }
0x5f: {  	v12 =	vld [tilespmem:s28+$0x0];
	[tilespmem:s23+$0x30C0 ss:$0x41] =	vst.msk $0xffff, v4  }
0x60: {  	v4 =	vld [tilespmem:s28+$0x10];
	[tilespmem:s23+$0x34D0 ss:$0x41] =	vst.msk $0xffff, v5  }
0x61: {  	s29 =	sshra.s32 s24, $0x2;
	s24 =	smov.u32 s27;
	v1 =	vmov v9;
	v5 =	vld [tilespmem:s28+$0x20];
	[tilespmem:s23+$0x38E0 ss:$0x41] =	vst.msk $0xffff, v6  }
0x62: {  	v2 =	vmov v7;
	v6 =	vld [tilespmem:s28+$0x30];
	[tilespmem:s23+$0x3CF0 ss:$0x41] =	vst.msk $0xffff, v8;
	s23 =	sadd.s32 s29, s22  }
0x63: {  	v3 =	vmov v10;
	v9 =	vld [tilespmem:s28+$0x40];
	[tilespmem:s23+$0x2080 ss:$0x41] =	vst.msk $0xffff, v11  }
0x64: {  	[tilespmem:s23+$0x0 ss:$0x41] =	vst.msk $0xffff, v12;
	v10 =	vld [tilespmem:s28+$0x50]  }
.Ltmp3:
0x65: {  	[tilespmem:s23+$0x410 ss:$0x41] =	vst.msk $0xffff, v4;
	v8 =	vld [tilespmem:s28+$0x60];
	(pc) =	sbr.rel @p1 .LBB1_3-.Ltmp3, $4  }
0x66: {  	[tilespmem:s23+$0x820 ss:$0x41] =	vst.msk $0xffff, v5;
	v7 =	vld [tilespmem:s28+$0x70]  }
0x67: {  	[tilespmem:s23+$0xC30 ss:$0x41] =	vst.msk $0xffff, v6;
	v4 =	vld.idx.msk [tilespmem:v0+s21+$0x440 ss:$0x1], $0xffff  }
0x68: {  	s25 =	sadd.s32 $0x80, s25;
	s26 =	sadd.s32 $0x100, s26;
	[tilespmem:s23+$0x1040 ss:$0x41] =	vst.msk $0xffff, v9;
	v5 =	vld.idx.msk [tilespmem:v0+s21+$0x450 ss:$0x1], $0xffff  }
0x69: {  	s27 =	sadd.s32 $0x4, s27;
	s29 =	sand.u32 $0x380, s25;
	s28 =	sand.u32 $0x3800, s26;
	[tilespmem:s23+$0x1450 ss:$0x41] =	vst.msk $0xffff, v10;
	v6 =	vld.idx.msk [tilespmem:v0+s21+$0x460 ss:$0x1], $0xffff  }
.Ltmp4:
0x6a: {  	_ = 	snop;
	(pc) =	sbr.rel .LBB1_4-.Ltmp4, $1  }
0x6b: {  	_ =	sdelay $0x3  }
.LBB1_6:
0x6c: {  	_ =	sfence.sel $0x180000  }
0x6d: {  	s2 =	simm.s32 $0x1;
	[bflag:$0x0] =	sbarrier.arrive $0xFFFF  }
0x6e: {  	s31 =	simm.s32 $0x2;
	[sflag:s2] =	ssyncpa.u1 $0x1  }
0x6f: {  	[sflag:s31] =	ssyncpa.u1 $0x1  }
0x70: {  	p0 =	sne.s32 s1, $0x0;
	_ =	strace $0x90000047  }
0x71: {  	s0 =	sadd.s32 @!p0 $0x100000, s0;
	[bflag:$0x2] =	sbarrier.arrive $0xFFFF  }
0x72: {  	[sflag:s0] =	ssyncadd.tile.s32 @!p0 $0x1;
	_ =	shalt  }
.Lfunc_end1:
_tile_overlayer_lowered:
.L_overlay_start_2:
0x73: {  	(tag) =	ssettag $0x2  }
0x74: {  	s0 =	rddreg [dreg:$0x0];
	s2 =	stileid.u32  }
0x75: {  	s1 =	rddreg [dreg:$0x1];
	p0 =	sne.s32 s2, $0x0  }
0x76: {  	s3 =	rddreg [dreg:$0x2];
	[bflag:$0x3] =	sbarrier.arrive $0xFFFF;
	s2 =	simm.s32 @!p0 $0x1C01  }
0x77: {  	[timem:s3], [sflag:s2] =	dma.local @!p0 [hbm:s0], s1  }
0x78: {  	s0 =	simm.s32 @!p0 $0x1  }
0x79: {  	_ =	swait.ge @!p0 [sflag:s0], s1  }
0x7a: {  	s1 =	ssub.s32 @!p0 $0x0, s1;
	[sflag:s0] =	ssyncset.done @!p0 $0x0  }
0x7b: {  	[sflag:s0] =	ssyncadd.s32 @!p0 s1  }
0x7c: {  	[bflag:$0x3] =	sbarrier.arrive $0xFFFF  }
0x7d: {  	_ =	shalt  }

// kernel: sparse-core-data-format-call.cloned.1.call-start
scs
called_computation_lowered:
.L_overlay_start_0:
0x0: {  	s2 =	sld [smem:$0x3FD9]  }
0x1: {  	s3 =	sld [smem:$0x3FFE];
	_ =	sdelay $0x1  }
0x2: {  	s1 =	srdreg.scid  }
0x3: {  	s0 =	sand.u32 $0x1, s1  }
0x4: {  	s18 =	sshll.u32 s0, $0xA;
	s2 =	sadd.s32 s3, s2  }
0x5: {  	s2 =	sadd.s32 s2, s18  }
0x6: {  	[smem:$0x3FC4] =	sst s2  }
0x7: {  	_ = 	snop  }
0x8: {  	s2 =	sld [smem:$0x3FD0];
	(tm) =	ssettm $0x1  }
0x9: {  	s19 =	sld [smem:$0x3FFB];
	_ =	sdelay $0x3  }
0xa: {  	_ =	strace s19  }
0xb: {  	s3 =	sld [smem:$0x3FFC];
	_ =	sdelay $0x3  }
0xc: {  	_ =	strace s3  }
0xd: {  	s3 =	sld [smem:$0x3FFD];
	_ =	sdelay $0x3  }
0xe: {  	_ =	strace s3  }
0xf: {  	_ =	strace $0x8FFFFFFF  }
0x10: {  	s20 =	sld [smem:$0x3FDB];
	_ =	sdelay $0x1  }
0x11: {  	s4 =	simm.s32 $_scs_section_size  }
0x12: {  	s5 =	simm.s32 $_size__tile_overlayer_lowered;
	s6 =	simm.s32 $_tile_overlayer_lowered  }
0x13: {  	s23 =	simm.s32 $0x1BFF;
	s22 =	sshll.u32 s6, $0x1;
	s3 =	sadd.s32 s4, s20  }
0x14: {  	s7 =	simm.s32 $0x0;
	s21 =	sshll.u32 s5, $0x1;
	s5 =	sadd.s32 s22, s3  }
0x15: {  	[timem:s7], [sflag:s23] =	dma.local [hbm:s5], s21  }
0x16: {  	_ =	swait.ge [sflag:s23], s21  }
0x17: {  	s4 =	ssub.s32 $0x0, s21;
	[sflag:s23] =	ssyncset.done $0x0  }
0x18: {  	[sflag:s23] =	ssyncadd.s32 s4;
	_ =	sdelay $0x1  }
0x19: {  	s24 =	simm.s32 $0x1B8B  }
0x1a: {  	_ =	swait.ge [sflag:s24], $0x1  }
0x1b: {  	[sflag:s24] =	ssyncset.done $0x0  }
0x1c: {  	s26 =	simm.s32 $0x1B8E;
	s25 =	sld [smem:$0x3FFE];
	[sflag:s24] =	ssyncadd.s32 $0xFFFFFFFF  }
0x1d: {  	s27 =	simm.s32 $execute0_lowered;
	[smem:$0x3FD2] =	sst s26  }
0x1e: {  	s5 =	sshll.u32 s27, $0x1;
	_ =	strace $0x80000058;
	[dreg:$0x1] =	wrdreg $0xFFFFFFFF  }
0x1f: {  	s28 =	simm.s32 $_size_execute0_lowered;
	s3 =	sadd.s32 s3, s5;
	[dreg:$0x0] =	wrdreg $0x0  }
0x20: {  	s5 =	sshll.u32 s28, $0x1;
	[dreg:$0x2] =	wrdreg s3  }
0x21: {  	[dreg:$0x3] =	wrdreg s5  }
0x22: {  	[dreg:$0x4] =	wrdreg $0xC0  }
0x23: {  	_ =	task [dreg:s7], $0x5FFFF  }
0x24: {  	[dreg:$0x1] =	wrdreg $0xFFFFFFFF  }
0x25: {  	[dreg:$0x0] =	wrdreg $0x60  }
0x26: {  	[dreg:$0x2] =	wrdreg s25  }
0x27: {  	[dreg:$0x3] =	wrdreg s2  }
0x28: {  	[dreg:$0x4] =	wrdreg $0x9  }
0x29: {  	_ =	task.clear_ibuf [dreg:s7], $0x5FFFF;
	_ =	strace $0x90000058  }
0x2a: {  	s29 =	simm.s32 $0x9;
	_ =	strace $0x8000005A  }
0x2b: {  	_ =	swait.ge [sflag:s29], $0x1  }
0x2c: {  	[sflag:s29] =	ssyncadd.s32 $0xFFFFFFFF  }
0x2d: {  	_ =	strace $0x9000005A  }
0x2e: {  	_ =	sfence  }
0x2f: {  	s30 =	sld [smem:$0x0];
	_ =	sdelay $0x2  }
0x30: {  	s31 =	sshll.u32 s1, $0xD;
	s1 =	sshrl.u32 s1, $0x2  }
0x31: {  	s3 =	sand.u32 $0x4000, s31;
	s1 =	sadd.s32 s1, s30  }
0x32: {  	s0 =	sor.u32 s3, s0;
	s1 =	sshll.u32 s1, $0x11  }
0x33: {  	s0 =	sor.u32 s1, s0  }
0x34: {  	s0 =	sadd.s32 $0x8F2B, s0  }
0x35: {  	[sflag:s0] =	ssyncadd.remote.s32 $0x1  }
0x36: {  	_ =	sfence.sel $0xFFFF  }
0x37: {  	[dreg:$0x0] =	wrdreg $0xFFFFFFFF;
	(pc) =	sbr.abs _section_cstart, $3  }
0x38: {  	[dreg:$0x1] =	wrdreg $0xFFFFFFFF  }
0x39: {  	_ =	task.clear_ibuf [dreg:s7], $0x2FFFF;
	_ =	strace $0x9FFFFFFF  }
0x3a: {  	(tm) =	ssettm $0x7FFFFFFF  }
0x3b: {  	_ =	shalt  }
tec
execute0_lowered:
.L_overlay_start_1:
0x0: {  	(tag) =	ssettag $0x1  }
0x1: {  	s9 =	rddreg [dreg:$0x0]  }
0x2: {  	s1 =	rddreg [dreg:$0x1];
	s0 =	stileid.u32  }
0x3: {  	s4 =	srdreg.scid;
	s31 =	simm.s32 $0x2;
	s16 =	simm.s32 $0x0  }
0x4: {  	s11 =	simm.s32 $0x8000;
	s17 =	simm.s32 $0x0;
	s18 =	simm.s32 $0x0  }
0x5: {  	s15 =	simm.s32 $0x0;
	s2 =	sand.u32 $0x1, s0;
	s3 =	sand.u32 $0xE, s0  }
0x6: {  	s4 =	sshll.u32 s4, $0x7;
	s5 =	ssub.s32 $0x2, s2;
	s6 =	ssub.s32 $0x10, s3  }
0x7: {  	s4 =	sand.u32 $0x80, s4;
	s13 =	smov.u32 s3;
	s8 =	sand.u32 $0xE, s6  }
0x8: {  	s7 =	sshrl.u32 s5, $0x1;
	p0 =	sne.s32 s8, $0x0;
	s8 =	simm.s32 $0x1  }
0x9: {  	s5 =	sand.u32 $0x1, s5;
	s6 =	sshrl.u32 s6, $0x4;
	s8 =	simm.s32 @!p0 $0x0  }
0xa: {  	s10 =	ssub.s32 $0x1000, s4;
	s5 =	sadd.s32 s5, s7;
	s6 =	sadd.s32 s8, s6  }
0xb: {  	s14 =	smov.u32 s2;
	s28 =	sshrl.u32 s10, $0x7;
	s30 =	smul.u32 s5, s6  }
.Ltmp0:
0xc: {  	s29 =	sshrl.u32 s10, $0x8;
	s7 =	sand.u32 $0x1, s28;
	(pc) =	sbr.rel .LBB1_1-.Ltmp0, $4  }
0xd: {  	s12 =	smov.u32 s4;
	s7 =	sadd.s32 s29, s7;
	s5 =	rddreg [dreg:$0x2]  }
0xe: {  	_ =	strace $0x80000059;
	s6 =	simm.s32 $0x1;
	s7 =	smul.u32 s7, s30  }
0xf: {  	p0 =	por $0x0, $0x0;
	s8 =	sadd.s32 $0x6E00, s9;
	[sflag:s6] =	ssyncpa.u1 $0x0  }
0x10: {  	s9 =	sadd.s32 $0x16E00, s9;
	[sflag:s31] =	ssyncpa.u1 $0x0;
	s10 =	sadd.s32 $0x1, s7  }
.LBB1_7:
0x11: {  	s19 =	sadd.s32 $0x100, s12  }
0x12: {  	s16 =	sadd.s32 $0x10, s13;
	s20 =	smov.u32 s13;
	p2 =	sgt.s32 s19, $0xFFF  }
0x13: {  	s20 =	smov.u32 @p2 s16  }
0x14: {  	s22 =	smov.u32 s14;
	s16 =	sadd.s32 $0x2, s14;
	p3 =	sgt.s32 s20, $0xF  }
0x15: {  	s22 =	smov.u32 @p3 s16  }
0x16: {  	s19 =	smov.u32 @p2 s4;
	p2 =	sgt.s32 s22, $0x1  }
0x17: {  	p1 =	slt.u32 s15, $0x2;
	s22 =	smov.u32 @p2 s2;
	p2 =	sne.s32 s15, s10  }
.Ltmp1:
0x18: {  	s21 =	simm.s32 @!p1 $0x2;
	(pc) =	sbr.rel @!p2 .LBB1_8-.Ltmp1, $4  }
0x19: {  	s17 =	smov.u32 s13;
	s18 =	smov.u32 s14;
	_ =	swait.ge @!p1 [sflag:s21], $0x4000  }
0x1a: {  	p0 =	por !p0, !p0;
	[sflag:s21] =	ssyncset.done @!p1 $0x0;
	s20 =	smov.u32 @p3 s3  }
0x1b: {  	s16 =	smov.u32 s12;
	[sflag:s21] =	ssyncadd.s32 @!p1 $0xFFFFC000;
	s12 =	smov.u32 s19  }
0x1c: {  	s13 =	smov.u32 s20;
	s15 =	sadd.s32 $0x1, s15;
	s14 =	smov.u32 s22  }
.LBB1_1:
0x1d: {  	p1 =	sge.u32 s15, s7  }
0x1e: {  	s19 =	sxor.u32 @!p1 $0xFFFFFFFF, s15;
	s20 =	sshll.u32 @!p1 s14, $0x14  }
0x1f: {  	s21 =	sshll.u32 @!p1 s13, $0x10;
	s23 =	sshll.u32 @!p1 s12, $0x4;
	s24 =	simm.s32 @!p1 $0x40  }
0x20: {  	s25 =	simm.s32 @!p1 $0x80;
	s19 =	sshll.u32 @!p1 s19, $0xE;
	s22 =	sadd.s32 @!p1 s20, s21  }
0x21: {  	s23 =	sand.u32 @!p1 $0xFFF0, s23;
	s20 =	sadd.s32 @!p1 s20, s9;
	s22 =	sadd.s32 @!p1 s8, s22  }
0x22: {  	s19 =	sand.u32 @!p1 $0x4000, s19;
	s20 =	sadd.s32 @!p1 s21, s20;
	s22 =	sadd.s32 @!p1 s23, s22  }
0x23: {  	[tilespmem:s19], [sflag:$0x1] =	stream.strided.gather @!p1 [hbm4b:s22+s24], $0x2000, s25, s24, $0x38;
	[tilespmem:$0x10100] =	vst v63  }
0x24: {  	s31 =	sadd.s32 $0xFFFFFFFF, s15;
	s20 =	sadd.s32 @!p1 s23, s20;
	s19 =	sor.u32 @!p1 $0x2000, s19  }
0x25: {  	[tilespmem:s19], [sflag:$0x1] =	stream.strided.gather @!p1 [hbm4b:s20+s24], $0x2000, s25, s24, $0x38;
	[tilespmem:$0x10100] =	vst v63  }
0x26: {  	p1 =	sge.u32 s31, s7  }
.Ltmp2:
0x27: {  	_ = 	snop;
	(pc) =	sbr.rel @p1 .LBB1_7-.Ltmp2, $1  }
0x28: {  	_ =	sdelay $0x3  }
0x29: {  	s19 =	simm.s32 $0x1;
	s21 =	sand.u32 $0x1, s15  }
0x2a: {  	_ =	swait.ge [sflag:s6], $0x4000;
	s19 =	simm.s32 @!p0 $0x0;
	s21 =	smul.u32 $0x10200, s21  }
0x2b: {  	p2 =	por $0x1, $0x1;
	[sflag:s6] =	ssyncset.done $0x0;
	s20 =	smul.u32 $0x10200, s19  }
0x2c: {  	s22 =	sshll.u32 s19, $0x10;
	[sflag:s6] =	ssyncadd.s32 $0xFFFFC000;
	s30 =	sshrl.u32 s21, $0x2  }
0x2d: {  	s31 =	sshrl.u32 s22, $0x2;
	s22 =	simm.s32 $0x0;
	s20 =	sshrl.u32 s20, $0x2  }
0x2e: {  	s19 =	sor.u32 $0x8000, s30;
	s21 =	sadd.s32 $0x20, s31;
	s20 =	sor.u32 $0x8000, s20  }
.LBB1_3:
0x2f: {  	s23 =	sshll.u32 s22, $0xD  }
0x30: {  	s23 =	sand.u32 $0x3FFFE000, s23  }
0x31: {  	s25 =	sadd.s32 s23, s21  }
0x32: {  	s31 =	smul.u32 $0x8100, s22;
	v3 =	vld [tilespmem:s25+$0x10]  }
0x33: {  	v1 =	vld [tilespmem:s25+$0xFFFFFFF0]  }
0x34: {  	s22 =	sshra.s32 s31, $0x2;
	v0 =	vld [tilespmem:s25+$0x0]  }
0x35: {  	s22 =	sadd.s32 s22, s20;
	v2 =	vld [tilespmem:s25+$0xFFFFFFE0]  }
0x36: {  	s23 =	sadd.s32 $0x0, s22  }
0x37: {  	p1 =	por p2, p2;
	s24 =	simm.s32 $0x4;
	s25 =	sadd.s32 $0x40, s25;
	[tilespmem:s23+$0x1830 ss:$0x81] =	vst.msk $0xffff, v3  }
.LBB1_4:
0x38: {  	v3 =	vld [tilespmem:s25+$0x10];
	p2 =	sne.s32 s24, $0x1FC;
	[tilespmem:s23+$0x810 ss:$0x81] =	vst.msk $0xffff, v1;
	s26 =	smov.u32 s24;
	s24 =	sadd.s32 $0x4, s24  }
.Ltmp3:
0x39: {  	v1 =	vld [tilespmem:s25+$0xFFFFFFF0];
	[tilespmem:s23+$0x1020 ss:$0x81] =	vst.msk $0xffff, v0;
	(pc) =	sbr.rel @p2 .LBB1_4-.Ltmp3, $4  }
0x3a: {  	v0 =	vld [tilespmem:s25+$0x0];
	[tilespmem:s23+$0x0 ss:$0x81] =	vst.msk $0xffff, v2  }
0x3b: {  	s23 =	sshra.s32 s26, $0x2;
	v2 =	vld [tilespmem:s25+$0xFFFFFFE0]  }
0x3c: {  	s23 =	sadd.s32 s23, s22  }
0x3d: {  	s25 =	sadd.s32 $0x40, s25;
	[tilespmem:s23+$0x1830 ss:$0x81] =	vst.msk $0xffff, v3  }
.Ltmp4:
0x3e: {  	(pc) =	sbr.rel @p1 .LBB1_3-.Ltmp4, $4  }
0x3f: {  	_ = 	snop  }
0x40: {  	[tilespmem:s23+$0x810 ss:$0x81] =	vst.msk $0xffff, v1  }
0x41: {  	[tilespmem:s23+$0x1020 ss:$0x81] =	vst.msk $0xffff, v0  }
0x42: {  	s22 =	simm.s32 $0x1;
	p2 =	por $0x0, $0x0;
	[tilespmem:s23+$0x0 ss:$0x81] =	vst.msk $0xffff, v2  }
0x43: {  	s20 =	sshll.u32 s16, $0x3;
	s21 =	sand.u32 $0x78, s16  }
0x44: {  	s18 =	sshll.u32 s18, $0x13;
	s17 =	sshll.u32 s17, $0xF;
	s29 =	sand.u32 $0x7E00, s16  }
.Ltmp5:
0x45: {  	s20 =	sand.u32 $0xC00, s20;
	s18 =	sadd.s32 s1, s18;
	(pc) =	sbr.rel .LBB1_7-.Ltmp5, $4  }
0x46: {  	s30 =	sand.u32 $0x7, s16;
	s20 =	sor.u32 s21, s20;
	s17 =	sadd.s32 s17, s18  }
0x47: {  	s16 =	sshll.u32 s30, $0x12;
	s31 =	sshrl.u32 s20, $0x3;
	s17 =	sadd.s32 s29, s17  }
0x48: {  	s16 =	sor.u32 $0x400, s16;
	s17 =	sadd.s32 s31, s17  }
0x49: {  	[hbm4b:s17+s16] =	stream.strided.scatter [tilespmem:s19], [sflag:$0x2], $0x4000, s11, s16, $0x20;
	[tilespmem:$0x10100] =	vst v63  }
.LBB1_8:
0x4a: {  	_ =	sfence.sel $0x180000  }
0x4b: {  	s1 =	simm.s32 $0x1;
	[bflag:$0x0] =	sbarrier.arrive $0xFFFF  }
0x4c: {  	s31 =	simm.s32 $0x2;
	[sflag:s1] =	ssyncpa.u1 $0x1  }
0x4d: {  	[sflag:s31] =	ssyncpa.u1 $0x1  }
0x4e: {  	p0 =	sne.s32 s0, $0x0;
	_ =	strace $0x90000059  }
0x4f: {  	s0 =	sadd.s32 @!p0 $0x100000, s5;
	[bflag:$0x2] =	sbarrier.arrive $0xFFFF  }
0x50: {  	[sflag:s0] =	ssyncadd.tile.s32 @!p0 $0x1;
	_ =	shalt  }
.Lfunc_end1:
_tile_overlayer_lowered:
.L_overlay_start_2:
0x51: {  	(tag) =	ssettag $0x2  }
0x52: {  	s0 =	rddreg [dreg:$0x0];
	s2 =	stileid.u32  }
0x53: {  	s1 =	rddreg [dreg:$0x1];
	p0 =	sne.s32 s2, $0x0  }
0x54: {  	s3 =	rddreg [dreg:$0x2];
	[bflag:$0x3] =	sbarrier.arrive $0xFFFF;
	s2 =	simm.s32 @!p0 $0x1C01  }
0x55: {  	[timem:s3], [sflag:s2] =	dma.local @!p0 [hbm:s0], s1  }
0x56: {  	s0 =	simm.s32 @!p0 $0x1  }
0x57: {  	_ =	swait.ge @!p0 [sflag:s0], s1  }
0x58: {  	s1 =	ssub.s32 @!p0 $0x0, s1;
	[sflag:s0] =	ssyncset.done @!p0 $0x0  }
0x59: {  	[sflag:s0] =	ssyncadd.s32 @!p0 s1  }
0x5a: {  	[bflag:$0x3] =	sbarrier.arrive $0xFFFF  }
0x5b: {  	_ =	shalt  }

</sc_bundles>
